<compile_context>
chip_gen: v7x
topology: tpu7x:2x2x1
jax: 0.10.2.dev20260603
libtpu: 0.0.44.dev20260713+nightly
codegen_flags: <defaults>
</compile_context>

<pallas_src>
import dataclasses
import functools

import jax
import jax.numpy as jnp
from jax import lax
from jax.experimental import pallas as pl
from jax.experimental.pallas import tpu as pltpu
from jax.experimental.pallas import tpu_sc as plsc

NUM_ENT = 10000
NUM_REL = 200
DIM = 128
N_EDGES = 320000

NSUB = 16
E = 128
GRP = 8
CHUNKS = 160
PAD_EDGES = NSUB * CHUNKS * E
ACC_ROWS = 10240
ROWS_PER_SUB = ACC_ROWS // NSUB
HBLK = ACC_ROWS // DIM
TBL_ROWS = NUM_ENT + 2 * NUM_REL


def _sc_kernel(table, gidx, ridx, out,
               idxg, idxr, gbuf, hist, hidx, dslab, gsem, ssem, isem,
               acc, deg):
    c = lax.axis_index("c")
    s = lax.axis_index("s")

    @pl.loop(0, E)
    def _(i):
        for g in range(DIM // 16):
            gbuf[0, i, pl.ds(16 * g, 16)] = jnp.zeros((16,), jnp.float32)

    @pl.loop(0, HBLK)
    def _(b):
        for g in range(DIM // 16):
            hist[b, pl.ds(16 * g, 16)] = jnp.zeros((16,), jnp.float32)

    for k in range(HBLK // 16):
        hidx[0, pl.ds(16 * k, 16)] = lax.iota(jnp.int32, 16) + 16 * k

    @pl.loop(0, ROWS_PER_SUB // E)
    def _(z):
        base = s * ROWS_PER_SUB + z * E
        pltpu.sync_copy(gbuf.at[0], acc.at[pl.ds(base, E)])

    pltpu.sync_copy(gbuf.at[0, pl.ds(0, HBLK // NSUB)],
                    deg.at[pl.ds(s * (HBLK // NSUB), HBLK // NSUB)])

    plsc.subcore_barrier()

    one16 = jnp.ones((16,), jnp.float32)

    pltpu.sync_copy(gidx.at[c, s, pl.ds(0, GRP)], idxg.at[0])
    pltpu.sync_copy(ridx.at[s, pl.ds(0, GRP)], idxr.at[0])

    @pl.loop(0, CHUNKS // GRP)
    def _(g):
        ib = lax.rem(g, 2)
        nxt = lax.rem(g + 1, 2)
        last = g == CHUNKS // GRP - 1
        gnext = jnp.where(last, g, g + 1)
        ldg = pltpu.async_copy(gidx.at[c, s, pl.ds(gnext * GRP, GRP)],
                               idxg.at[nxt], isem)
        ldr = pltpu.async_copy(ridx.at[s, pl.ds(gnext * GRP, GRP)],
                               idxr.at[nxt], isem)
        scat = [None, None]
        for j in range(GRP):
            b = j % 2
            if scat[b] is not None:
                scat[b].wait()
            gath = pltpu.async_copy(table.at[idxg.at[ib, j]], gbuf.at[b],
                                    gsem)
            for q in range(E // 16):
                r16 = idxr[ib, j, pl.ds(16 * q, 16)]
                plsc.addupdate_scatter(
                    hist,
                    [lax.shift_right_logical(r16, 7),
                     lax.bitwise_and(r16, 127)],
                    one16)
            gath.wait()
            scat[b] = pltpu.async_copy(gbuf.at[b], acc.at[idxr.at[ib, j]],
                                       ssem, add=True)
        ldg.wait()
        ldr.wait()
        scat[0].wait()
        scat[1].wait()

    pltpu.sync_copy(hist, deg.at[hidx.at[0]], add=True)

    plsc.subcore_barrier()

    @pl.loop(0, ROWS_PER_SUB // E)
    def _(z):
        base = s * ROWS_PER_SUB + z * E
        blk = s * (ROWS_PER_SUB // E) + z
        pltpu.sync_copy(acc.at[pl.ds(base, E)], gbuf.at[0])
        pltpu.sync_copy(deg.at[pl.ds(blk, 1)], dslab)

        for g in range(DIM // 16):
            d = dslab[0, pl.ds(16 * g, 16)]
            dslab[0, pl.ds(16 * g, 16)] = 1.0 / jnp.where(d == 0.0, 1.0, d)

        @pl.loop(0, E)
        def _(i):
            r = plsc.load_gather(
                dslab, [jnp.zeros((16,), jnp.int32),
                        jnp.full((16,), i, jnp.int32)])
            for g in range(DIM // 16):
                gbuf[0, i, pl.ds(16 * g, 16)] = (
                    gbuf[0, i, pl.ds(16 * g, 16)] * r)

        pltpu.sync_copy(gbuf.at[0], out.at[c, pl.ds(base, E)])


@jax.jit
def _run(table, gidx, ridx):
    mesh = plsc.VectorSubcoreMesh(core_axis_name="c", subcore_axis_name="s")
    cp = pltpu.CompilerParams()
    if "needs_layout_passes" in pltpu.CompilerParams.__dataclass_fields__:
        cp = dataclasses.replace(cp, needs_layout_passes=False)
    f = functools.partial(
        pl.kernel,
        out_type=jax.ShapeDtypeStruct((2, ACC_ROWS, DIM), jnp.float32),
        mesh=mesh,
        compiler_params=cp,
        scratch_types=[
            pltpu.VMEM((2, GRP, E), jnp.int32),
            pltpu.VMEM((2, GRP, E), jnp.int32),
            pltpu.VMEM((2, E, DIM), jnp.float32),
            pltpu.VMEM((HBLK, DIM), jnp.float32),
            pltpu.VMEM((1, HBLK), jnp.int32),
            pltpu.VMEM((1, DIM), jnp.float32),
            pltpu.SemaphoreType.DMA,
            pltpu.SemaphoreType.DMA,
            pltpu.SemaphoreType.DMA,
            pltpu.VMEM_SHARED((ACC_ROWS, DIM), jnp.float32),
            pltpu.VMEM_SHARED((HBLK, DIM), jnp.float32),
        ],
    )(_sc_kernel)
    return f(table, gidx, ridx)


def kernel(edge_index, edge_type, init_embed, init_rel):
    row = edge_index[0]
    col = edge_index[1]
    table = jnp.concatenate([init_embed, init_rel], axis=0)
    pad = PAD_EDGES - N_EDGES
    spread = jnp.arange(pad, dtype=jnp.int32)
    gidx_ent = jnp.concatenate([col, spread % TBL_ROWS])
    gidx_rel = jnp.concatenate([edge_type + NUM_ENT, spread % TBL_ROWS])
    gidx = jnp.stack([gidx_ent, gidx_rel]).reshape(2, NSUB, CHUNKS, E)
    ridx = jnp.concatenate(
        [row, NUM_ENT + spread % (ACC_ROWS - NUM_ENT)]).reshape(
            NSUB, CHUNKS, E)
    out = _run(table, gidx, ridx)
    return out[0, :NUM_ENT], out[1, :NUM_ENT]

# --- scband reference (transcript-rebuilt; emitter-appended) ---
"""Pipeline reference for scband-ragat-base-70196945486556 (READ-ONLY COPY).

The authoritative reference and input builder live on the scoring server;
editing this copy changes nothing except your own understanding.
"""

import jax, jax.numpy as jnp
import numpy as np

NUM_ENT = 10000
NUM_REL = 200
INIT_DIM = 128
N_EDGES = 320000


def setup_inputs(seed: int = 0) -> dict:
    key = jax.random.key(seed)
    k1, k2, k3, k4 = jax.random.split(key, 4)
    edge_index = jax.random.randint(k1, (2, N_EDGES), 0, NUM_ENT, dtype=jnp.int64 if jax.config.jax_enable_x64 else jnp.int32).astype(jnp.int32)
    edge_type = jax.random.randint(k2, (N_EDGES,), 0, 2 * NUM_REL).astype(jnp.int32)
    init_embed = jax.random.normal(k3, (NUM_ENT, INIT_DIM), dtype=jnp.float32)
    init_rel = jax.random.normal(k4, (2 * NUM_REL, INIT_DIM), dtype=jnp.float32)
    return {"edge_index": edge_index, "edge_type": edge_type, "init_embed": init_embed, "init_rel": init_rel}


def reference(edge_index, edge_type, init_embed, init_rel):
    # Faithful translation of RagatBase.gather_neighbours (the fully-defined
    # message-passing aggregation of the module).
    # SpecialSpmmFinal(edge_index, vals, N, N, d, dim=1) == scatter-add of vals
    # into rows edge_index[0] (sum over the dim-1 / neighbor axis).
    num_ent = init_embed.shape[0]
    row = edge_index[0]
    col = edge_index[1]
    # edge_weight = ones_like(edge_type).float().unsqueeze(1)
    edge_weight = jnp.ones((edge_type.shape[0], 1), dtype=jnp.float32)
    # deg = spmm(adj, ones) -> out-degree per row node
    deg = jax.ops.segment_sum(edge_weight, row, num_segments=num_ent)
    deg = jnp.where(deg == 0.0, 1.0, deg)
    # entity_neighbours = init_embed[edge_index[1]]
    entity_neighbours = jnp.take(init_embed, col, axis=0)
    entity_gathered = jax.ops.segment_sum(entity_neighbours, row, num_segments=num_ent) / deg
    # relation_neighbours = index_select(init_rel, 0, edge_type)
    relation_neighbours = jnp.take(init_rel, edge_type, axis=0)
    relation_gathered = jax.ops.segment_sum(relation_neighbours, row, num_segments=num_ent) / deg
    return (entity_gathered, relation_gathered)

if __name__ == "__main__":
    import jax
    _d = setup_inputs()
    print(jax.jit(kernel)(*tuple(_d.values())))

</pallas_src>

<mosaic_0001>
#map = affine_map<(d0, d1) -> (0, 0)>
#map1 = affine_map<(d0, d1) -> (0, 0, 0, 0)>
#map2 = affine_map<(d0, d1) -> (0, 0, 0)>
module attributes {stable_mosaic.version = 14 : i64} {
  func.func @_sc_kernel(%arg0: i32, %arg1: i32, %arg2: memref<10400x128xf32, #tpu.memory_space<hbm>>, %arg3: memref<2x16x160x128xi32, #tpu.memory_space<hbm>>, %arg4: memref<16x160x128xi32, #tpu.memory_space<hbm>>, %arg5: memref<2x10240x128xf32, #tpu.memory_space<hbm>>, %arg6: memref<2x8x128xi32, #tpu.memory_space<vmem>>, %arg7: memref<2x8x128xi32, #tpu.memory_space<vmem>>, %arg8: memref<2x128x128xf32, #tpu.memory_space<vmem>>, %arg9: memref<80x128xf32, #tpu.memory_space<vmem>>, %arg10: memref<1x80xi32, #tpu.memory_space<vmem>>, %arg11: memref<1x128xf32, #tpu.memory_space<vmem>>, %arg12: memref<!tpu.dma_semaphore, #tpu.memory_space<semaphore_mem>>, %arg13: memref<!tpu.dma_semaphore, #tpu.memory_space<semaphore_mem>>, %arg14: memref<!tpu.dma_semaphore, #tpu.memory_space<semaphore_mem>>, %arg15: memref<10240x128xf32, #tpu.memory_space<vmem_shared>>, %arg16: memref<80x128xf32, #tpu.memory_space<vmem_shared>>) attributes {dimension_semantics = [#tpu.dimension_semantics<core_parallel>, #tpu.dimension_semantics<subcore_parallel>], iteration_bounds = array<i64: 2, 16>, scalar_prefetch = 0 : i64, scratch_operands = 11 : i64, tpu.core_type = #tpu.core_type<sc_vector_subcore>, window_params = [{transform_indices = #map}, {transform_indices = #map1}, {transform_indices = #map2}, {transform_indices = #map2}]} {
    %scan3A = arith.constant 0 : i32
    %scan3A_0 = arith.constant 128 : i32
    %scan3A_1 = arith.addi %scan3A, %scan3A_0 : i32
    %scan3A_2 = arith.constant 1 : i32
    scf.for %scan3A_67 = %scan3A to %scan3A_1 step %scan3A_2  : i32 {
      %mul3A_68 = arith.constant 1 : i32
      %mul3A_69 = arith.muli %scan3A_67, %mul3A_68 : i32
      %add3A_70 = arith.constant 0 : i32
      %add3A_71 = arith.addi %add3A_70, %mul3A_69 : i32
      %broadcast_in_dim3A_72 = arith.constant 0.000000e+00 : f32
      %broadcast_in_dim3A_73 = vector.broadcast %broadcast_in_dim3A_72 : f32 to vector<16xf32>
      %swap3A_74 = arith.constant 0 : i32
      %swap3A_75 = arith.index_cast %swap3A_74 : i32 to index
      %swap3A_76 = arith.index_cast %add3A_71 : i32 to index
      %swap3A_77 = arith.constant 0 : index
      %swap3A_78 = tpu.vector_load %arg8[%swap3A_75, %swap3A_76, %swap3A_77] {strides = array<i32>} : memref<2x128x128xf32, #tpu.memory_space<vmem>>, vector<16xf32>,
      tpu.vector_store %arg8[%swap3A_75, %swap3A_76, %swap3A_77], %broadcast_in_dim3A_73 {strides = array<i32>} : memref<2x128x128xf32, #tpu.memory_space<vmem>>, vector<16xf32>,
      %broadcast_in_dim3A_79 = arith.constant 0.000000e+00 : f32
      %broadcast_in_dim3A_80 = vector.broadcast %broadcast_in_dim3A_79 : f32 to vector<16xf32>
      %swap3A_81 = arith.constant 0 : i32
      %swap3A_82 = arith.index_cast %swap3A_81 : i32 to index
      %swap3A_83 = arith.index_cast %add3A_71 : i32 to index
      %swap3A_84 = arith.constant 16 : index
      %swap3A_85 = tpu.vector_load %arg8[%swap3A_82, %swap3A_83, %swap3A_84] {strides = array<i32>} : memref<2x128x128xf32, #tpu.memory_space<vmem>>, vector<16xf32>,
      tpu.vector_store %arg8[%swap3A_82, %swap3A_83, %swap3A_84], %broadcast_in_dim3A_80 {strides = array<i32>} : memref<2x128x128xf32, #tpu.memory_space<vmem>>, vector<16xf32>,
      %broadcast_in_dim3A_86 = arith.constant 0.000000e+00 : f32
      %broadcast_in_dim3A_87 = vector.broadcast %broadcast_in_dim3A_86 : f32 to vector<16xf32>
      %swap3A_88 = arith.constant 0 : i32
      %swap3A_89 = arith.index_cast %swap3A_88 : i32 to index
      %swap3A_90 = arith.index_cast %add3A_71 : i32 to index
      %swap3A_91 = arith.constant 32 : index
      %swap3A_92 = tpu.vector_load %arg8[%swap3A_89, %swap3A_90, %swap3A_91] {strides = array<i32>} : memref<2x128x128xf32, #tpu.memory_space<vmem>>, vector<16xf32>,
      tpu.vector_store %arg8[%swap3A_89, %swap3A_90, %swap3A_91], %broadcast_in_dim3A_87 {strides = array<i32>} : memref<2x128x128xf32, #tpu.memory_space<vmem>>, vector<16xf32>,
      %broadcast_in_dim3A_93 = arith.constant 0.000000e+00 : f32
      %broadcast_in_dim3A_94 = vector.broadcast %broadcast_in_dim3A_93 : f32 to vector<16xf32>
      %swap3A_95 = arith.constant 0 : i32
      %swap3A_96 = arith.index_cast %swap3A_95 : i32 to index
      %swap3A_97 = arith.index_cast %add3A_71 : i32 to index
      %swap3A_98 = arith.constant 48 : index
      %swap3A_99 = tpu.vector_load %arg8[%swap3A_96, %swap3A_97, %swap3A_98] {strides = array<i32>} : memref<2x128x128xf32, #tpu.memory_space<vmem>>, vector<16xf32>,
      tpu.vector_store %arg8[%swap3A_96, %swap3A_97, %swap3A_98], %broadcast_in_dim3A_94 {strides = array<i32>} : memref<2x128x128xf32, #tpu.memory_space<vmem>>, vector<16xf32>,
      %broadcast_in_dim3A_100 = arith.constant 0.000000e+00 : f32
      %broadcast_in_dim3A_101 = vector.broadcast %broadcast_in_dim3A_100 : f32 to vector<16xf32>
      %swap3A_102 = arith.constant 0 : i32
      %swap3A_103 = arith.index_cast %swap3A_102 : i32 to index
      %swap3A_104 = arith.index_cast %add3A_71 : i32 to index
      %swap3A_105 = arith.constant 64 : index
      %swap3A_106 = tpu.vector_load %arg8[%swap3A_103, %swap3A_104, %swap3A_105] {strides = array<i32>} : memref<2x128x128xf32, #tpu.memory_space<vmem>>, vector<16xf32>,
      tpu.vector_store %arg8[%swap3A_103, %swap3A_104, %swap3A_105], %broadcast_in_dim3A_101 {strides = array<i32>} : memref<2x128x128xf32, #tpu.memory_space<vmem>>, vector<16xf32>,
      %broadcast_in_dim3A_107 = arith.constant 0.000000e+00 : f32
      %broadcast_in_dim3A_108 = vector.broadcast %broadcast_in_dim3A_107 : f32 to vector<16xf32>
      %swap3A_109 = arith.constant 0 : i32
      %swap3A_110 = arith.index_cast %swap3A_109 : i32 to index
      %swap3A_111 = arith.index_cast %add3A_71 : i32 to index
      %swap3A_112 = arith.constant 80 : index
      %swap3A_113 = tpu.vector_load %arg8[%swap3A_110, %swap3A_111, %swap3A_112] {strides = array<i32>} : memref<2x128x128xf32, #tpu.memory_space<vmem>>, vector<16xf32>,
      tpu.vector_store %arg8[%swap3A_110, %swap3A_111, %swap3A_112], %broadcast_in_dim3A_108 {strides = array<i32>} : memref<2x128x128xf32, #tpu.memory_space<vmem>>, vector<16xf32>,
      %broadcast_in_dim3A_114 = arith.constant 0.000000e+00 : f32
      %broadcast_in_dim3A_115 = vector.broadcast %broadcast_in_dim3A_114 : f32 to vector<16xf32>
      %swap3A_116 = arith.constant 0 : i32
      %swap3A_117 = arith.index_cast %swap3A_116 : i32 to index
      %swap3A_118 = arith.index_cast %add3A_71 : i32 to index
      %swap3A_119 = arith.constant 96 : index
      %swap3A_120 = tpu.vector_load %arg8[%swap3A_117, %swap3A_118, %swap3A_119] {strides = array<i32>} : memref<2x128x128xf32, #tpu.memory_space<vmem>>, vector<16xf32>,
      tpu.vector_store %arg8[%swap3A_117, %swap3A_118, %swap3A_119], %broadcast_in_dim3A_115 {strides = array<i32>} : memref<2x128x128xf32, #tpu.memory_space<vmem>>, vector<16xf32>,
      %broadcast_in_dim3A_121 = arith.constant 0.000000e+00 : f32
      %broadcast_in_dim3A_122 = vector.broadcast %broadcast_in_dim3A_121 : f32 to vector<16xf32>
      %swap3A_123 = arith.constant 0 : i32
      %swap3A_124 = arith.index_cast %swap3A_123 : i32 to index
      %swap3A_125 = arith.index_cast %add3A_71 : i32 to index
      %swap3A_126 = arith.constant 112 : index
      %swap3A_127 = tpu.vector_load %arg8[%swap3A_124, %swap3A_125, %swap3A_126] {strides = array<i32>} : memref<2x128x128xf32, #tpu.memory_space<vmem>>, vector<16xf32>,
      tpu.vector_store %arg8[%swap3A_124, %swap3A_125, %swap3A_126], %broadcast_in_dim3A_122 {strides = array<i32>} : memref<2x128x128xf32, #tpu.memory_space<vmem>>, vector<16xf32>,
    }
    %scan3A_3 = arith.constant 128 : i32
    %scan3A_4 = arith.constant 0 : i32
    %scan3A_5 = arith.constant 80 : i32
    %scan3A_6 = arith.addi %scan3A_4, %scan3A_5 : i32
    %scan3A_7 = arith.constant 1 : i32
    scf.for %scan3A_67 = %scan3A_4 to %scan3A_6 step %scan3A_7  : i32 {
      %mul3A_68 = arith.constant 1 : i32
      %mul3A_69 = arith.muli %scan3A_67, %mul3A_68 : i32
      %add3A_70 = arith.constant 0 : i32
      %add3A_71 = arith.addi %add3A_70, %mul3A_69 : i32
      %broadcast_in_dim3A_72 = arith.constant 0.000000e+00 : f32
      %broadcast_in_dim3A_73 = vector.broadcast %broadcast_in_dim3A_72 : f32 to vector<16xf32>
      %swap3A_74 = arith.index_cast %add3A_71 : i32 to index
      %swap3A_75 = arith.constant 0 : index
      %swap3A_76 = tpu.vector_load %arg9[%swap3A_74, %swap3A_75] {strides = array<i32>} : memref<80x128xf32, #tpu.memory_space<vmem>>, vector<16xf32>,
      tpu.vector_store %arg9[%swap3A_74, %swap3A_75], %broadcast_in_dim3A_73 {strides = array<i32>} : memref<80x128xf32, #tpu.memory_space<vmem>>, vector<16xf32>,
      %broadcast_in_dim3A_77 = arith.constant 0.000000e+00 : f32
      %broadcast_in_dim3A_78 = vector.broadcast %broadcast_in_dim3A_77 : f32 to vector<16xf32>
      %swap3A_79 = arith.index_cast %add3A_71 : i32 to index
      %swap3A_80 = arith.constant 16 : index
      %swap3A_81 = tpu.vector_load %arg9[%swap3A_79, %swap3A_80] {strides = array<i32>} : memref<80x128xf32, #tpu.memory_space<vmem>>, vector<16xf32>,
      tpu.vector_store %arg9[%swap3A_79, %swap3A_80], %broadcast_in_dim3A_78 {strides = array<i32>} : memref<80x128xf32, #tpu.memory_space<vmem>>, vector<16xf32>,
      %broadcast_in_dim3A_82 = arith.constant 0.000000e+00 : f32
      %broadcast_in_dim3A_83 = vector.broadcast %broadcast_in_dim3A_82 : f32 to vector<16xf32>
      %swap3A_84 = arith.index_cast %add3A_71 : i32 to index
      %swap3A_85 = arith.constant 32 : index
      %swap3A_86 = tpu.vector_load %arg9[%swap3A_84, %swap3A_85] {strides = array<i32>} : memref<80x128xf32, #tpu.memory_space<vmem>>, vector<16xf32>,
      tpu.vector_store %arg9[%swap3A_84, %swap3A_85], %broadcast_in_dim3A_83 {strides = array<i32>} : memref<80x128xf32, #tpu.memory_space<vmem>>, vector<16xf32>,
      %broadcast_in_dim3A_87 = arith.constant 0.000000e+00 : f32
      %broadcast_in_dim3A_88 = vector.broadcast %broadcast_in_dim3A_87 : f32 to vector<16xf32>
      %swap3A_89 = arith.index_cast %add3A_71 : i32 to index
      %swap3A_90 = arith.constant 48 : index
      %swap3A_91 = tpu.vector_load %arg9[%swap3A_89, %swap3A_90] {strides = array<i32>} : memref<80x128xf32, #tpu.memory_space<vmem>>, vector<16xf32>,
      tpu.vector_store %arg9[%swap3A_89, %swap3A_90], %broadcast_in_dim3A_88 {strides = array<i32>} : memref<80x128xf32, #tpu.memory_space<vmem>>, vector<16xf32>,
      %broadcast_in_dim3A_92 = arith.constant 0.000000e+00 : f32
      %broadcast_in_dim3A_93 = vector.broadcast %broadcast_in_dim3A_92 : f32 to vector<16xf32>
      %swap3A_94 = arith.index_cast %add3A_71 : i32 to index
      %swap3A_95 = arith.constant 64 : index
      %swap3A_96 = tpu.vector_load %arg9[%swap3A_94, %swap3A_95] {strides = array<i32>} : memref<80x128xf32, #tpu.memory_space<vmem>>, vector<16xf32>,
      tpu.vector_store %arg9[%swap3A_94, %swap3A_95], %broadcast_in_dim3A_93 {strides = array<i32>} : memref<80x128xf32, #tpu.memory_space<vmem>>, vector<16xf32>,
      %broadcast_in_dim3A_97 = arith.constant 0.000000e+00 : f32
      %broadcast_in_dim3A_98 = vector.broadcast %broadcast_in_dim3A_97 : f32 to vector<16xf32>
      %swap3A_99 = arith.index_cast %add3A_71 : i32 to index
      %swap3A_100 = arith.constant 80 : index
      %swap3A_101 = tpu.vector_load %arg9[%swap3A_99, %swap3A_100] {strides = array<i32>} : memref<80x128xf32, #tpu.memory_space<vmem>>, vector<16xf32>,
      tpu.vector_store %arg9[%swap3A_99, %swap3A_100], %broadcast_in_dim3A_98 {strides = array<i32>} : memref<80x128xf32, #tpu.memory_space<vmem>>, vector<16xf32>,
      %broadcast_in_dim3A_102 = arith.constant 0.000000e+00 : f32
      %broadcast_in_dim3A_103 = vector.broadcast %broadcast_in_dim3A_102 : f32 to vector<16xf32>
      %swap3A_104 = arith.index_cast %add3A_71 : i32 to index
      %swap3A_105 = arith.constant 96 : index
      %swap3A_106 = tpu.vector_load %arg9[%swap3A_104, %swap3A_105] {strides = array<i32>} : memref<80x128xf32, #tpu.memory_space<vmem>>, vector<16xf32>,
      tpu.vector_store %arg9[%swap3A_104, %swap3A_105], %broadcast_in_dim3A_103 {strides = array<i32>} : memref<80x128xf32, #tpu.memory_space<vmem>>, vector<16xf32>,
      %broadcast_in_dim3A_107 = arith.constant 0.000000e+00 : f32
      %broadcast_in_dim3A_108 = vector.broadcast %broadcast_in_dim3A_107 : f32 to vector<16xf32>
      %swap3A_109 = arith.index_cast %add3A_71 : i32 to index
      %swap3A_110 = arith.constant 112 : index
      %swap3A_111 = tpu.vector_load %arg9[%swap3A_109, %swap3A_110] {strides = array<i32>} : memref<80x128xf32, #tpu.memory_space<vmem>>, vector<16xf32>,
      tpu.vector_store %arg9[%swap3A_109, %swap3A_110], %broadcast_in_dim3A_108 {strides = array<i32>} : memref<80x128xf32, #tpu.memory_space<vmem>>, vector<16xf32>,
    }
    %scan3A_8 = arith.constant 80 : i32
    %iota3A = tpu.iota {dimensions = array<i32: 0>} : vector<16xi32>
    %add3A = arith.constant 0 : i32
    %add3A_9 = vector.broadcast %add3A : i32 to vector<16xi32>
    %add3A_10 = arith.addi %iota3A, %add3A_9 : vector<16xi32>
    %swap3A = arith.constant 0 : i32
    %swap3A_11 = arith.index_cast %swap3A : i32 to index
    %swap3A_12 = arith.constant 0 : index
    %swap3A_13 = tpu.vector_load %arg10[%swap3A_11, %swap3A_12] {strides = array<i32>} : memref<1x80xi32, #tpu.memory_space<vmem>>, vector<16xi32>,
    tpu.vector_store %arg10[%swap3A_11, %swap3A_12], %add3A_10 {strides = array<i32>} : memref<1x80xi32, #tpu.memory_space<vmem>>, vector<16xi32>,
    %iota3A_14 = tpu.iota {dimensions = array<i32: 0>} : vector<16xi32>
    %add3A_15 = arith.constant 16 : i32
    %add3A_16 = vector.broadcast %add3A_15 : i32 to vector<16xi32>
    %add3A_17 = arith.addi %iota3A_14, %add3A_16 : vector<16xi32>
    %swap3A_18 = arith.constant 0 : i32
    %swap3A_19 = arith.index_cast %swap3A_18 : i32 to index
    %swap3A_20 = arith.constant 16 : index
    %swap3A_21 = tpu.vector_load %arg10[%swap3A_19, %swap3A_20] {strides = array<i32>} : memref<1x80xi32, #tpu.memory_space<vmem>>, vector<16xi32>,
    tpu.vector_store %arg10[%swap3A_19, %swap3A_20], %add3A_17 {strides = array<i32>} : memref<1x80xi32, #tpu.memory_space<vmem>>, vector<16xi32>,
    %iota3A_22 = tpu.iota {dimensions = array<i32: 0>} : vector<16xi32>
    %add3A_23 = arith.constant 32 : i32
    %add3A_24 = vector.broadcast %add3A_23 : i32 to vector<16xi32>
    %add3A_25 = arith.addi %iota3A_22, %add3A_24 : vector<16xi32>
    %swap3A_26 = arith.constant 0 : i32
    %swap3A_27 = arith.index_cast %swap3A_26 : i32 to index
    %swap3A_28 = arith.constant 32 : index
    %swap3A_29 = tpu.vector_load %arg10[%swap3A_27, %swap3A_28] {strides = array<i32>} : memref<1x80xi32, #tpu.memory_space<vmem>>, vector<16xi32>,
    tpu.vector_store %arg10[%swap3A_27, %swap3A_28], %add3A_25 {strides = array<i32>} : memref<1x80xi32, #tpu.memory_space<vmem>>, vector<16xi32>,
    %iota3A_30 = tpu.iota {dimensions = array<i32: 0>} : vector<16xi32>
    %add3A_31 = arith.constant 48 : i32
    %add3A_32 = vector.broadcast %add3A_31 : i32 to vector<16xi32>
    %add3A_33 = arith.addi %iota3A_30, %add3A_32 : vector<16xi32>
    %swap3A_34 = arith.constant 0 : i32
    %swap3A_35 = arith.index_cast %swap3A_34 : i32 to index
    %swap3A_36 = arith.constant 48 : index
    %swap3A_37 = tpu.vector_load %arg10[%swap3A_35, %swap3A_36] {strides = array<i32>} : memref<1x80xi32, #tpu.memory_space<vmem>>, vector<16xi32>,
    tpu.vector_store %arg10[%swap3A_35, %swap3A_36], %add3A_33 {strides = array<i32>} : memref<1x80xi32, #tpu.memory_space<vmem>>, vector<16xi32>,
    %iota3A_38 = tpu.iota {dimensions = array<i32: 0>} : vector<16xi32>
    %add3A_39 = arith.constant 64 : i32
    %add3A_40 = vector.broadcast %add3A_39 : i32 to vector<16xi32>
    %add3A_41 = arith.addi %iota3A_38, %add3A_40 : vector<16xi32>
    %swap3A_42 = arith.constant 0 : i32
    %swap3A_43 = arith.index_cast %swap3A_42 : i32 to index
    %swap3A_44 = arith.constant 64 : index
    %swap3A_45 = tpu.vector_load %arg10[%swap3A_43, %swap3A_44] {strides = array<i32>} : memref<1x80xi32, #tpu.memory_space<vmem>>, vector<16xi32>,
    tpu.vector_store %arg10[%swap3A_43, %swap3A_44], %add3A_41 {strides = array<i32>} : memref<1x80xi32, #tpu.memory_space<vmem>>, vector<16xi32>,
    %scan3A_46 = arith.constant 0 : i32
    %scan3A_47 = arith.constant 5 : i32
    %scan3A_48 = arith.addi %scan3A_46, %scan3A_47 : i32
    %scan3A_49 = arith.constant 1 : i32
    scf.for %scan3A_67 = %scan3A_46 to %scan3A_48 step %scan3A_49  : i32 {
      %mul3A_68 = arith.constant 1 : i32
      %mul3A_69 = arith.muli %scan3A_67, %mul3A_68 : i32
      %add3A_70 = arith.constant 0 : i32
      %add3A_71 = arith.addi %add3A_70, %mul3A_69 : i32
      %mul3A_72 = arith.constant 640 : i32
      %mul3A_73 = arith.muli %arg1, %mul3A_72 : i32
      %mul3A_74 = arith.constant 128 : i32
      %mul3A_75 = arith.muli %add3A_71, %mul3A_74 : i32
      %add3A_76 = arith.addi %mul3A_73, %mul3A_75 : i32
      %run_scoped3A_77 = arith.constant 0 : i32
      "tpu.region"() ({
        %run_scoped3A_78 = tpu.sem_alloc : memref<!tpu.dma_semaphore, #tpu.memory_space<semaphore_mem>>
        %dma_start3A = arith.constant 0 : i32
        %dma_start3A_79 = arith.constant 0 : i32
        %dma_start3A_80 = tpu.memref_slice %arg8[%run_scoped3A_77, %dma_start3A, %dma_start3A_79] : memref<2x128x128xf32, #tpu.memory_space<vmem>> -> memref<1x128x128xf32, #tpu.memory_space<vmem>>
        %dma_start3A_81 = tpu.memref_squeeze %dma_start3A_80 : memref<1x128x128xf32, #tpu.memory_space<vmem>> -> memref<128x128xf32, #tpu.memory_space<vmem>>
        %dma_start3A_82 = arith.constant 0 : i32
        %dma_start3A_83 = tpu.memref_slice %arg15[%add3A_76, %dma_start3A_82] : memref<10240x128xf32, #tpu.memory_space<vmem_shared>> -> memref<128x128xf32, #tpu.memory_space<vmem_shared>>
        %dma_start3A_84 = arith.constant 0 : i32
        %dma_start3A_85 = tpu.memref_slice %arg15[%add3A_76, %dma_start3A_84] : memref<10240x128xf32, #tpu.memory_space<vmem_shared>> -> memref<128x128xf32, #tpu.memory_space<vmem_shared>>
        %dma_start3A_86 = arith.constant 0 : i32
        %dma_start3A_87 = arith.constant 0 : i32
        %dma_start3A_88 = tpu.memref_slice %arg8[%run_scoped3A_77, %dma_start3A_86, %dma_start3A_87] : memref<2x128x128xf32, #tpu.memory_space<vmem>> -> memref<1x128x128xf32, #tpu.memory_space<vmem>>
        %dma_start3A_89 = tpu.memref_squeeze %dma_start3A_88 : memref<1x128x128xf32, #tpu.memory_space<vmem>> -> memref<128x128xf32, #tpu.memory_space<vmem>>
        tpu.enqueue_dma source(%dma_start3A_89 : memref<128x128xf32, #tpu.memory_space<vmem>>) target(%dma_start3A_85 : memref<128x128xf32, #tpu.memory_space<vmem_shared>>) target_semaphore(%run_scoped3A_78 : memref<!tpu.dma_semaphore, #tpu.memory_space<semaphore_mem>>)
        %dma_wait3A = arith.constant 0 : i32
        %dma_wait3A_90 = arith.constant 0 : i32
        %dma_wait3A_91 = tpu.memref_slice %arg8[%run_scoped3A_77, %dma_wait3A, %dma_wait3A_90] : memref<2x128x128xf32, #tpu.memory_space<vmem>> -> memref<1x128x128xf32, #tpu.memory_space<vmem>>
        %dma_wait3A_92 = tpu.memref_squeeze %dma_wait3A_91 : memref<1x128x128xf32, #tpu.memory_space<vmem>> -> memref<128x128xf32, #tpu.memory_space<vmem>>
        %dma_wait3A_93 = arith.constant 0 : i32
        %dma_wait3A_94 = tpu.memref_slice %arg15[%add3A_76, %dma_wait3A_93] : memref<10240x128xf32, #tpu.memory_space<vmem_shared>> -> memref<128x128xf32, #tpu.memory_space<vmem_shared>>
        %dma_wait3A_95 = arith.constant 0 : i32
        %dma_wait3A_96 = tpu.memref_slice %arg15[%add3A_76, %dma_wait3A_95] : memref<10240x128xf32, #tpu.memory_space<vmem_shared>> -> memref<128x128xf32, #tpu.memory_space<vmem_shared>>
        %dma_wait3A_97 = arith.constant 0 : i32
        %dma_wait3A_98 = arith.constant 0 : i32
        %dma_wait3A_99 = tpu.memref_slice %arg8[%run_scoped3A_77, %dma_wait3A_97, %dma_wait3A_98] : memref<2x128x128xf32, #tpu.memory_space<vmem>> -> memref<1x128x128xf32, #tpu.memory_space<vmem>>
        %dma_wait3A_100 = tpu.memref_squeeze %dma_wait3A_99 : memref<1x128x128xf32, #tpu.memory_space<vmem>> -> memref<128x128xf32, #tpu.memory_space<vmem>>
        tpu.wait_dma2 semaphore(%run_scoped3A_78 : memref<!tpu.dma_semaphore, #tpu.memory_space<semaphore_mem>>) src(%dma_wait3A_100 : memref<128x128xf32, #tpu.memory_space<vmem>>) dst(%dma_wait3A_96 : memref<128x128xf32, #tpu.memory_space<vmem_shared>>)
        tpu.yield
      }) : () -> ()
    }
    %scan3A_50 = arith.constant 5 : i32
    %mul3A = arith.constant 5 : i32
    %mul3A_51 = arith.muli %arg1, %mul3A : i32
    %run_scoped3A = arith.constant 0 : i32
    "tpu.region"() ({
      %run_scoped3A_67 = tpu.sem_alloc : memref<!tpu.dma_semaphore, #tpu.memory_space<semaphore_mem>>
      %dma_start3A = arith.constant 0 : i32
      %dma_start3A_68 = arith.constant 0 : i32
      %dma_start3A_69 = tpu.memref_slice %arg8[%run_scoped3A, %dma_start3A, %dma_start3A_68] : memref<2x128x128xf32, #tpu.memory_space<vmem>> -> memref<1x5x128xf32, #tpu.memory_space<vmem>>
      %dma_start3A_70 = tpu.memref_squeeze %dma_start3A_69 : memref<1x5x128xf32, #tpu.memory_space<vmem>> -> memref<5x128xf32, #tpu.memory_space<vmem>>
      %dma_start3A_71 = arith.constant 0 : i32
      %dma_start3A_72 = tpu.memref_slice %arg16[%mul3A_51, %dma_start3A_71] : memref<80x128xf32, #tpu.memory_space<vmem_shared>> -> memref<5x128xf32, #tpu.memory_space<vmem_shared>>
      %dma_start3A_73 = arith.constant 0 : i32
      %dma_start3A_74 = tpu.memref_slice %arg16[%mul3A_51, %dma_start3A_73] : memref<80x128xf32, #tpu.memory_space<vmem_shared>> -> memref<5x128xf32, #tpu.memory_space<vmem_shared>>
      %dma_start3A_75 = arith.constant 0 : i32
      %dma_start3A_76 = arith.constant 0 : i32
      %dma_start3A_77 = tpu.memref_slice %arg8[%run_scoped3A, %dma_start3A_75, %dma_start3A_76] : memref<2x128x128xf32, #tpu.memory_space<vmem>> -> memref<1x5x128xf32, #tpu.memory_space<vmem>>
      %dma_start3A_78 = tpu.memref_squeeze %dma_start3A_77 : memref<1x5x128xf32, #tpu.memory_space<vmem>> -> memref<5x128xf32, #tpu.memory_space<vmem>>
      tpu.enqueue_dma source(%dma_start3A_78 : memref<5x128xf32, #tpu.memory_space<vmem>>) target(%dma_start3A_74 : memref<5x128xf32, #tpu.memory_space<vmem_shared>>) target_semaphore(%run_scoped3A_67 : memref<!tpu.dma_semaphore, #tpu.memory_space<semaphore_mem>>)
      %dma_wait3A = arith.constant 0 : i32
      %dma_wait3A_79 = arith.constant 0 : i32
      %dma_wait3A_80 = tpu.memref_slice %arg8[%run_scoped3A, %dma_wait3A, %dma_wait3A_79] : memref<2x128x128xf32, #tpu.memory_space<vmem>> -> memref<1x5x128xf32, #tpu.memory_space<vmem>>
      %dma_wait3A_81 = tpu.memref_squeeze %dma_wait3A_80 : memref<1x5x128xf32, #tpu.memory_space<vmem>> -> memref<5x128xf32, #tpu.memory_space<vmem>>
      %dma_wait3A_82 = arith.constant 0 : i32
      %dma_wait3A_83 = tpu.memref_slice %arg16[%mul3A_51, %dma_wait3A_82] : memref<80x128xf32, #tpu.memory_space<vmem_shared>> -> memref<5x128xf32, #tpu.memory_space<vmem_shared>>
      %dma_wait3A_84 = arith.constant 0 : i32
      %dma_wait3A_85 = tpu.memref_slice %arg16[%mul3A_51, %dma_wait3A_84] : memref<80x128xf32, #tpu.memory_space<vmem_shared>> -> memref<5x128xf32, #tpu.memory_space<vmem_shared>>
      %dma_wait3A_86 = arith.constant 0 : i32
      %dma_wait3A_87 = arith.constant 0 : i32
      %dma_wait3A_88 = tpu.memref_slice %arg8[%run_scoped3A, %dma_wait3A_86, %dma_wait3A_87] : memref<2x128x128xf32, #tpu.memory_space<vmem>> -> memref<1x5x128xf32, #tpu.memory_space<vmem>>
      %dma_wait3A_89 = tpu.memref_squeeze %dma_wait3A_88 : memref<1x5x128xf32, #tpu.memory_space<vmem>> -> memref<5x128xf32, #tpu.memory_space<vmem>>
      tpu.wait_dma2 semaphore(%run_scoped3A_67 : memref<!tpu.dma_semaphore, #tpu.memory_space<semaphore_mem>>) src(%dma_wait3A_89 : memref<5x128xf32, #tpu.memory_space<vmem>>) dst(%dma_wait3A_85 : memref<5x128xf32, #tpu.memory_space<vmem_shared>>)
      tpu.yield
    }) : () -> ()
    %barrier3A = arith.constant 0 : index
    tpu.barrier barrier_id(%barrier3A)
    %broadcast_in_dim3A = arith.constant 1.000000e+00 : f32
    %broadcast_in_dim3A_52 = vector.broadcast %broadcast_in_dim3A : f32 to vector<16xf32>
    %run_scoped3A_53 = arith.constant 0 : i32
    "tpu.region"() ({
      %run_scoped3A_67 = tpu.sem_alloc : memref<!tpu.dma_semaphore, #tpu.memory_space<semaphore_mem>>
      %dma_start3A = arith.constant 0 : i32
      %dma_start3A_68 = arith.constant 0 : i32
      %dma_start3A_69 = tpu.memref_slice %arg6[%run_scoped3A_53, %dma_start3A, %dma_start3A_68] : memref<2x8x128xi32, #tpu.memory_space<vmem>> -> memref<1x8x128xi32, #tpu.memory_space<vmem>>
      %dma_start3A_70 = tpu.memref_squeeze %dma_start3A_69 : memref<1x8x128xi32, #tpu.memory_space<vmem>> -> memref<8x128xi32, #tpu.memory_space<vmem>>
      %dma_start3A_71 = arith.constant 0 : i32
      %dma_start3A_72 = arith.constant 0 : i32
      %dma_start3A_73 = tpu.memref_slice %arg3[%arg0, %arg1, %dma_start3A_71, %dma_start3A_72] : memref<2x16x160x128xi32, #tpu.memory_space<hbm>> -> memref<1x1x8x128xi32, #tpu.memory_space<hbm>>
      %dma_start3A_74 = tpu.memref_squeeze %dma_start3A_73 : memref<1x1x8x128xi32, #tpu.memory_space<hbm>> -> memref<8x128xi32, #tpu.memory_space<hbm>>
      %dma_start3A_75 = arith.constant 0 : i32
      %dma_start3A_76 = arith.constant 0 : i32
      %dma_start3A_77 = tpu.memref_slice %arg6[%run_scoped3A_53, %dma_start3A_75, %dma_start3A_76] : memref<2x8x128xi32, #tpu.memory_space<vmem>> -> memref<1x8x128xi32, #tpu.memory_space<vmem>>
      %dma_start3A_78 = tpu.memref_squeeze %dma_start3A_77 : memref<1x8x128xi32, #tpu.memory_space<vmem>> -> memref<8x128xi32, #tpu.memory_space<vmem>>
      %dma_start3A_79 = arith.constant 0 : i32
      %dma_start3A_80 = arith.constant 0 : i32
      %dma_start3A_81 = tpu.memref_slice %arg3[%arg0, %arg1, %dma_start3A_79, %dma_start3A_80] : memref<2x16x160x128xi32, #tpu.memory_space<hbm>> -> memref<1x1x8x128xi32, #tpu.memory_space<hbm>>
      %dma_start3A_82 = tpu.memref_squeeze %dma_start3A_81 : memref<1x1x8x128xi32, #tpu.memory_space<hbm>> -> memref<8x128xi32, #tpu.memory_space<hbm>>
      tpu.enqueue_dma source(%dma_start3A_82 : memref<8x128xi32, #tpu.memory_space<hbm>>) target(%dma_start3A_78 : memref<8x128xi32, #tpu.memory_space<vmem>>) target_semaphore(%run_scoped3A_67 : memref<!tpu.dma_semaphore, #tpu.memory_space<semaphore_mem>>)
      %dma_wait3A = arith.constant 0 : i32
      %dma_wait3A_83 = arith.constant 0 : i32
      %dma_wait3A_84 = tpu.memref_slice %arg6[%run_scoped3A_53, %dma_wait3A, %dma_wait3A_83] : memref<2x8x128xi32, #tpu.memory_space<vmem>> -> memref<1x8x128xi32, #tpu.memory_space<vmem>>
      %dma_wait3A_85 = tpu.memref_squeeze %dma_wait3A_84 : memref<1x8x128xi32, #tpu.memory_space<vmem>> -> memref<8x128xi32, #tpu.memory_space<vmem>>
      %dma_wait3A_86 = arith.constant 0 : i32
      %dma_wait3A_87 = arith.constant 0 : i32
      %dma_wait3A_88 = tpu.memref_slice %arg3[%arg0, %arg1, %dma_wait3A_86, %dma_wait3A_87] : memref<2x16x160x128xi32, #tpu.memory_space<hbm>> -> memref<1x1x8x128xi32, #tpu.memory_space<hbm>>
      %dma_wait3A_89 = tpu.memref_squeeze %dma_wait3A_88 : memref<1x1x8x128xi32, #tpu.memory_space<hbm>> -> memref<8x128xi32, #tpu.memory_space<hbm>>
      %dma_wait3A_90 = arith.constant 0 : i32
      %dma_wait3A_91 = arith.constant 0 : i32
      %dma_wait3A_92 = tpu.memref_slice %arg6[%run_scoped3A_53, %dma_wait3A_90, %dma_wait3A_91] : memref<2x8x128xi32, #tpu.memory_space<vmem>> -> memref<1x8x128xi32, #tpu.memory_space<vmem>>
      %dma_wait3A_93 = tpu.memref_squeeze %dma_wait3A_92 : memref<1x8x128xi32, #tpu.memory_space<vmem>> -> memref<8x128xi32, #tpu.memory_space<vmem>>
      %dma_wait3A_94 = arith.constant 0 : i32
      %dma_wait3A_95 = arith.constant 0 : i32
      %dma_wait3A_96 = tpu.memref_slice %arg3[%arg0, %arg1, %dma_wait3A_94, %dma_wait3A_95] : memref<2x16x160x128xi32, #tpu.memory_space<hbm>> -> memref<1x1x8x128xi32, #tpu.memory_space<hbm>>
      %dma_wait3A_97 = tpu.memref_squeeze %dma_wait3A_96 : memref<1x1x8x128xi32, #tpu.memory_space<hbm>> -> memref<8x128xi32, #tpu.memory_space<hbm>>
      tpu.wait_dma2 semaphore(%run_scoped3A_67 : memref<!tpu.dma_semaphore, #tpu.memory_space<semaphore_mem>>) src(%dma_wait3A_97 : memref<8x128xi32, #tpu.memory_space<hbm>>) dst(%dma_wait3A_93 : memref<8x128xi32, #tpu.memory_space<vmem>>)
      tpu.yield
    }) : () -> ()
    %run_scoped3A_54 = arith.constant 0 : i32
    "tpu.region"() ({
      %run_scoped3A_67 = tpu.sem_alloc : memref<!tpu.dma_semaphore, #tpu.memory_space<semaphore_mem>>
      %dma_start3A = arith.constant 0 : i32
      %dma_start3A_68 = arith.constant 0 : i32
      %dma_start3A_69 = tpu.memref_slice %arg7[%run_scoped3A_54, %dma_start3A, %dma_start3A_68] : memref<2x8x128xi32, #tpu.memory_space<vmem>> -> memref<1x8x128xi32, #tpu.memory_space<vmem>>
      %dma_start3A_70 = tpu.memref_squeeze %dma_start3A_69 : memref<1x8x128xi32, #tpu.memory_space<vmem>> -> memref<8x128xi32, #tpu.memory_space<vmem>>
      %dma_start3A_71 = arith.constant 0 : i32
      %dma_start3A_72 = arith.constant 0 : i32
      %dma_start3A_73 = tpu.memref_slice %arg4[%arg1, %dma_start3A_71, %dma_start3A_72] : memref<16x160x128xi32, #tpu.memory_space<hbm>> -> memref<1x8x128xi32, #tpu.memory_space<hbm>>
      %dma_start3A_74 = tpu.memref_squeeze %dma_start3A_73 : memref<1x8x128xi32, #tpu.memory_space<hbm>> -> memref<8x128xi32, #tpu.memory_space<hbm>>
      %dma_start3A_75 = arith.constant 0 : i32
      %dma_start3A_76 = arith.constant 0 : i32
      %dma_start3A_77 = tpu.memref_slice %arg7[%run_scoped3A_54, %dma_start3A_75, %dma_start3A_76] : memref<2x8x128xi32, #tpu.memory_space<vmem>> -> memref<1x8x128xi32, #tpu.memory_space<vmem>>
      %dma_start3A_78 = tpu.memref_squeeze %dma_start3A_77 : memref<1x8x128xi32, #tpu.memory_space<vmem>> -> memref<8x128xi32, #tpu.memory_space<vmem>>
      %dma_start3A_79 = arith.constant 0 : i32
      %dma_start3A_80 = arith.constant 0 : i32
      %dma_start3A_81 = tpu.memref_slice %arg4[%arg1, %dma_start3A_79, %dma_start3A_80] : memref<16x160x128xi32, #tpu.memory_space<hbm>> -> memref<1x8x128xi32, #tpu.memory_space<hbm>>
      %dma_start3A_82 = tpu.memref_squeeze %dma_start3A_81 : memref<1x8x128xi32, #tpu.memory_space<hbm>> -> memref<8x128xi32, #tpu.memory_space<hbm>>
      tpu.enqueue_dma source(%dma_start3A_82 : memref<8x128xi32, #tpu.memory_space<hbm>>) target(%dma_start3A_78 : memref<8x128xi32, #tpu.memory_space<vmem>>) target_semaphore(%run_scoped3A_67 : memref<!tpu.dma_semaphore, #tpu.memory_space<semaphore_mem>>)
      %dma_wait3A = arith.constant 0 : i32
      %dma_wait3A_83 = arith.constant 0 : i32
      %dma_wait3A_84 = tpu.memref_slice %arg7[%run_scoped3A_54, %dma_wait3A, %dma_wait3A_83] : memref<2x8x128xi32, #tpu.memory_space<vmem>> -> memref<1x8x128xi32, #tpu.memory_space<vmem>>
      %dma_wait3A_85 = tpu.memref_squeeze %dma_wait3A_84 : memref<1x8x128xi32, #tpu.memory_space<vmem>> -> memref<8x128xi32, #tpu.memory_space<vmem>>
      %dma_wait3A_86 = arith.constant 0 : i32
      %dma_wait3A_87 = arith.constant 0 : i32
      %dma_wait3A_88 = tpu.memref_slice %arg4[%arg1, %dma_wait3A_86, %dma_wait3A_87] : memref<16x160x128xi32, #tpu.memory_space<hbm>> -> memref<1x8x128xi32, #tpu.memory_space<hbm>>
      %dma_wait3A_89 = tpu.memref_squeeze %dma_wait3A_88 : memref<1x8x128xi32, #tpu.memory_space<hbm>> -> memref<8x128xi32, #tpu.memory_space<hbm>>
      %dma_wait3A_90 = arith.constant 0 : i32
      %dma_wait3A_91 = arith.constant 0 : i32
      %dma_wait3A_92 = tpu.memref_slice %arg7[%run_scoped3A_54, %dma_wait3A_90, %dma_wait3A_91] : memref<2x8x128xi32, #tpu.memory_space<vmem>> -> memref<1x8x128xi32, #tpu.memory_space<vmem>>
      %dma_wait3A_93 = tpu.memref_squeeze %dma_wait3A_92 : memref<1x8x128xi32, #tpu.memory_space<vmem>> -> memref<8x128xi32, #tpu.memory_space<vmem>>
      %dma_wait3A_94 = arith.constant 0 : i32
      %dma_wait3A_95 = arith.constant 0 : i32
      %dma_wait3A_96 = tpu.memref_slice %arg4[%arg1, %dma_wait3A_94, %dma_wait3A_95] : memref<16x160x128xi32, #tpu.memory_space<hbm>> -> memref<1x8x128xi32, #tpu.memory_space<hbm>>
      %dma_wait3A_97 = tpu.memref_squeeze %dma_wait3A_96 : memref<1x8x128xi32, #tpu.memory_space<hbm>> -> memref<8x128xi32, #tpu.memory_space<hbm>>
      tpu.wait_dma2 semaphore(%run_scoped3A_67 : memref<!tpu.dma_semaphore, #tpu.memory_space<semaphore_mem>>) src(%dma_wait3A_97 : memref<8x128xi32, #tpu.memory_space<hbm>>) dst(%dma_wait3A_93 : memref<8x128xi32, #tpu.memory_space<vmem>>)
      tpu.yield
    }) : () -> ()
    %scan3A_55 = arith.constant 0 : i32
    %scan3A_56 = arith.constant 20 : i32
    %scan3A_57 = arith.addi %scan3A_55, %scan3A_56 : i32
    %scan3A_58 = arith.constant 1 : i32
    scf.for %scan3A_67 = %scan3A_55 to %scan3A_57 step %scan3A_58  : i32 {
      %mul3A_68 = arith.constant 1 : i32
      %mul3A_69 = arith.muli %scan3A_67, %mul3A_68 : i32
      %add3A_70 = arith.constant 0 : i32
      %add3A_71 = arith.addi %add3A_70, %mul3A_69 : i32
      %rem3A = arith.constant 2 : i32
      %rem3A_72 = arith.remsi %add3A_71, %rem3A : i32
      %add3A_73 = arith.constant 1 : i32
      %add3A_74 = arith.addi %add3A_71, %add3A_73 : i32
      %rem3A_75 = arith.constant 2 : i32
      %rem3A_76 = arith.remsi %add3A_74, %rem3A_75 : i32
      %eq3A = arith.constant 19 : i32
      %eq3A_77 = arith.cmpi eq, %add3A_71, %eq3A : i32
      %add3A_78 = arith.constant 1 : i32
      %add3A_79 = arith.addi %add3A_71, %add3A_78 : i32
      %select_n3A = arith.select %eq3A_77, %add3A_71, %add3A_79 : i32
      %mul3A_80 = arith.constant 8 : i32
      %mul3A_81 = arith.muli %select_n3A, %mul3A_80 : i32
      %dma_start3A = arith.constant 0 : i32
      %dma_start3A_82 = arith.constant 0 : i32
      %dma_start3A_83 = tpu.memref_slice %arg6[%rem3A_76, %dma_start3A, %dma_start3A_82] : memref<2x8x128xi32, #tpu.memory_space<vmem>> -> memref<1x8x128xi32, #tpu.memory_space<vmem>>
      %dma_start3A_84 = tpu.memref_squeeze %dma_start3A_83 : memref<1x8x128xi32, #tpu.memory_space<vmem>> -> memref<8x128xi32, #tpu.memory_space<vmem>>
      %dma_start3A_85 = arith.constant 0 : i32
      %dma_start3A_86 = tpu.memref_slice %arg3[%arg0, %arg1, %mul3A_81, %dma_start3A_85] : memref<2x16x160x128xi32, #tpu.memory_space<hbm>> -> memref<1x1x8x128xi32, #tpu.memory_space<hbm>>
      %dma_start3A_87 = tpu.memref_squeeze %dma_start3A_86 : memref<1x1x8x128xi32, #tpu.memory_space<hbm>> -> memref<8x128xi32, #tpu.memory_space<hbm>>
      %dma_start3A_88 = arith.constant 0 : i32
      %dma_start3A_89 = arith.constant 0 : i32
      %dma_start3A_90 = tpu.memref_slice %arg6[%rem3A_76, %dma_start3A_88, %dma_start3A_89] : memref<2x8x128xi32, #tpu.memory_space<vmem>> -> memref<1x8x128xi32, #tpu.memory_space<vmem>>
      %dma_start3A_91 = tpu.memref_squeeze %dma_start3A_90 : memref<1x8x128xi32, #tpu.memory_space<vmem>> -> memref<8x128xi32, #tpu.memory_space<vmem>>
      %dma_start3A_92 = arith.constant 0 : i32
      %dma_start3A_93 = tpu.memref_slice %arg3[%arg0, %arg1, %mul3A_81, %dma_start3A_92] : memref<2x16x160x128xi32, #tpu.memory_space<hbm>> -> memref<1x1x8x128xi32, #tpu.memory_space<hbm>>
      %dma_start3A_94 = tpu.memref_squeeze %dma_start3A_93 : memref<1x1x8x128xi32, #tpu.memory_space<hbm>> -> memref<8x128xi32, #tpu.memory_space<hbm>>
      tpu.enqueue_dma source(%dma_start3A_94 : memref<8x128xi32, #tpu.memory_space<hbm>>) target(%dma_start3A_91 : memref<8x128xi32, #tpu.memory_space<vmem>>) target_semaphore(%arg14 : memref<!tpu.dma_semaphore, #tpu.memory_space<semaphore_mem>>)
      %mul3A_95 = arith.constant 8 : i32
      %mul3A_96 = arith.muli %select_n3A, %mul3A_95 : i32
      %dma_start3A_97 = arith.constant 0 : i32
      %dma_start3A_98 = arith.constant 0 : i32
      %dma_start3A_99 = tpu.memref_slice %arg7[%rem3A_76, %dma_start3A_97, %dma_start3A_98] : memref<2x8x128xi32, #tpu.memory_space<vmem>> -> memref<1x8x128xi32, #tpu.memory_space<vmem>>
      %dma_start3A_100 = tpu.memref_squeeze %dma_start3A_99 : memref<1x8x128xi32, #tpu.memory_space<vmem>> -> memref<8x128xi32, #tpu.memory_space<vmem>>
      %dma_start3A_101 = arith.constant 0 : i32
      %dma_start3A_102 = tpu.memref_slice %arg4[%arg1, %mul3A_96, %dma_start3A_101] : memref<16x160x128xi32, #tpu.memory_space<hbm>> -> memref<1x8x128xi32, #tpu.memory_space<hbm>>
      %dma_start3A_103 = tpu.memref_squeeze %dma_start3A_102 : memref<1x8x128xi32, #tpu.memory_space<hbm>> -> memref<8x128xi32, #tpu.memory_space<hbm>>
      %dma_start3A_104 = arith.constant 0 : i32
      %dma_start3A_105 = arith.constant 0 : i32
      %dma_start3A_106 = tpu.memref_slice %arg7[%rem3A_76, %dma_start3A_104, %dma_start3A_105] : memref<2x8x128xi32, #tpu.memory_space<vmem>> -> memref<1x8x128xi32, #tpu.memory_space<vmem>>
      %dma_start3A_107 = tpu.memref_squeeze %dma_start3A_106 : memref<1x8x128xi32, #tpu.memory_space<vmem>> -> memref<8x128xi32, #tpu.memory_space<vmem>>
      %dma_start3A_108 = arith.constant 0 : i32
      %dma_start3A_109 = tpu.memref_slice %arg4[%arg1, %mul3A_96, %dma_start3A_108] : memref<16x160x128xi32, #tpu.memory_space<hbm>> -> memref<1x8x128xi32, #tpu.memory_space<hbm>>
      %dma_start3A_110 = tpu.memref_squeeze %dma_start3A_109 : memref<1x8x128xi32, #tpu.memory_space<hbm>> -> memref<8x128xi32, #tpu.memory_space<hbm>>
      tpu.enqueue_dma source(%dma_start3A_110 : memref<8x128xi32, #tpu.memory_space<hbm>>) target(%dma_start3A_107 : memref<8x128xi32, #tpu.memory_space<vmem>>) target_semaphore(%arg14 : memref<!tpu.dma_semaphore, #tpu.memory_space<semaphore_mem>>)
      %dma_start3A_111 = arith.constant 0 : i32
      %dma_start3A_112 = arith.constant 0 : i32
      %dma_start3A_113 = arith.constant 0 : i32
      %dma_start3A_114 = arith.constant 0 : i32
      %dma_start3A_115 = tpu.memref_slice %arg8[%dma_start3A_112, %dma_start3A_113, %dma_start3A_114] : memref<2x128x128xf32, #tpu.memory_space<vmem>> -> memref<1x128x128xf32, #tpu.memory_space<vmem>>
      %dma_start3A_116 = tpu.memref_squeeze %dma_start3A_115 : memref<1x128x128xf32, #tpu.memory_space<vmem>> -> memref<128x128xf32, #tpu.memory_space<vmem>>
      %dma_start3A_117 = arith.constant 0 : i32
      %dma_start3A_118 = tpu.memref_slice %arg6[%rem3A_72, %dma_start3A_111, %dma_start3A_117] : memref<2x8x128xi32, #tpu.memory_space<vmem>> -> memref<1x1x128xi32, #tpu.memory_space<vmem>>
      %dma_start3A_119 = tpu.memref_squeeze %dma_start3A_118 : memref<1x1x128xi32, #tpu.memory_space<vmem>> -> memref<128xi32, #tpu.memory_space<vmem>>
      %dma_start3A_120 = arith.constant 0 : i32
      %dma_start3A_121 = arith.constant 0 : i32
      %dma_start3A_122 = tpu.memref_slice %arg2[%dma_start3A_120, %dma_start3A_121] : memref<10400x128xf32, #tpu.memory_space<hbm>> -> memref<10400x128xf32, #tpu.memory_space<hbm>>
      tpu.enqueue_indirect_dma source(%dma_start3A_122 : memref<10400x128xf32, #tpu.memory_space<hbm>>) target(%dma_start3A_116 : memref<128x128xf32, #tpu.memory_space<vmem>>) offsets(%dma_start3A_119 : memref<128xi32, #tpu.memory_space<vmem>>) semaphore(%arg12 : memref<!tpu.dma_semaphore, #tpu.memory_space<semaphore_mem>>)
      %get3A = arith.constant 0 : i32
      %get3A_123 = arith.index_cast %rem3A_72 : i32 to index
      %get3A_124 = arith.index_cast %get3A : i32 to index
      %get3A_125 = arith.constant 0 : index
      %get3A_126 = tpu.vector_load %arg7[%get3A_123, %get3A_124, %get3A_125] {strides = array<i32>} : memref<2x8x128xi32, #tpu.memory_space<vmem>>, vector<16xi32>,
      %shift_right_logical3A = arith.constant 7 : i32
      %shift_right_logical3A_127 = vector.broadcast %shift_right_logical3A : i32 to vector<16xi32>
      %shift_right_logical3A_128 = arith.shrui %get3A_126, %shift_right_logical3A_127 : vector<16xi32>
      %and3A = arith.constant 127 : i32
      %and3A_129 = vector.broadcast %and3A : i32 to vector<16xi32>
      %and3A_130 = arith.andi %get3A_126, %and3A_129 : vector<16xi32>
      tpu.vector_store_idx %arg9[%shift_right_logical3A_128, %and3A_130], %broadcast_in_dim3A_52 {add = true} : memref<80x128xf32, #tpu.memory_space<vmem>>[vector<16xi32>, vector<16xi32>], vector<16xf32>,
      %get3A_131 = arith.constant 0 : i32
      %get3A_132 = arith.index_cast %rem3A_72 : i32 to index
      %get3A_133 = arith.index_cast %get3A_131 : i32 to index
      %get3A_134 = arith.constant 16 : index
      %get3A_135 = tpu.vector_load %arg7[%get3A_132, %get3A_133, %get3A_134] {strides = array<i32>} : memref<2x8x128xi32, #tpu.memory_space<vmem>>, vector<16xi32>,
      %shift_right_logical3A_136 = arith.constant 7 : i32
      %shift_right_logical3A_137 = vector.broadcast %shift_right_logical3A_136 : i32 to vector<16xi32>
      %shift_right_logical3A_138 = arith.shrui %get3A_135, %shift_right_logical3A_137 : vector<16xi32>
      %and3A_139 = arith.constant 127 : i32
      %and3A_140 = vector.broadcast %and3A_139 : i32 to vector<16xi32>
      %and3A_141 = arith.andi %get3A_135, %and3A_140 : vector<16xi32>
      tpu.vector_store_idx %arg9[%shift_right_logical3A_138, %and3A_141], %broadcast_in_dim3A_52 {add = true} : memref<80x128xf32, #tpu.memory_space<vmem>>[vector<16xi32>, vector<16xi32>], vector<16xf32>,
      %get3A_142 = arith.constant 0 : i32
      %get3A_143 = arith.index_cast %rem3A_72 : i32 to index
      %get3A_144 = arith.index_cast %get3A_142 : i32 to index
      %get3A_145 = arith.constant 32 : index
      %get3A_146 = tpu.vector_load %arg7[%get3A_143, %get3A_144, %get3A_145] {strides = array<i32>} : memref<2x8x128xi32, #tpu.memory_space<vmem>>, vector<16xi32>,
      %shift_right_logical3A_147 = arith.constant 7 : i32
      %shift_right_logical3A_148 = vector.broadcast %shift_right_logical3A_147 : i32 to vector<16xi32>
      %shift_right_logical3A_149 = arith.shrui %get3A_146, %shift_right_logical3A_148 : vector<16xi32>
      %and3A_150 = arith.constant 127 : i32
      %and3A_151 = vector.broadcast %and3A_150 : i32 to vector<16xi32>
      %and3A_152 = arith.andi %get3A_146, %and3A_151 : vector<16xi32>
      tpu.vector_store_idx %arg9[%shift_right_logical3A_149, %and3A_152], %broadcast_in_dim3A_52 {add = true} : memref<80x128xf32, #tpu.memory_space<vmem>>[vector<16xi32>, vector<16xi32>], vector<16xf32>,
      %get3A_153 = arith.constant 0 : i32
      %get3A_154 = arith.index_cast %rem3A_72 : i32 to index
      %get3A_155 = arith.index_cast %get3A_153 : i32 to index
      %get3A_156 = arith.constant 48 : index
      %get3A_157 = tpu.vector_load %arg7[%get3A_154, %get3A_155, %get3A_156] {strides = array<i32>} : memref<2x8x128xi32, #tpu.memory_space<vmem>>, vector<16xi32>,
      %shift_right_logical3A_158 = arith.constant 7 : i32
      %shift_right_logical3A_159 = vector.broadcast %shift_right_logical3A_158 : i32 to vector<16xi32>
      %shift_right_logical3A_160 = arith.shrui %get3A_157, %shift_right_logical3A_159 : vector<16xi32>
      %and3A_161 = arith.constant 127 : i32
      %and3A_162 = vector.broadcast %and3A_161 : i32 to vector<16xi32>
      %and3A_163 = arith.andi %get3A_157, %and3A_162 : vector<16xi32>
      tpu.vector_store_idx %arg9[%shift_right_logical3A_160, %and3A_163], %broadcast_in_dim3A_52 {add = true} : memref<80x128xf32, #tpu.memory_space<vmem>>[vector<16xi32>, vector<16xi32>], vector<16xf32>,
      %get3A_164 = arith.constant 0 : i32
      %get3A_165 = arith.index_cast %rem3A_72 : i32 to index
      %get3A_166 = arith.index_cast %get3A_164 : i32 to index
      %get3A_167 = arith.constant 64 : index
      %get3A_168 = tpu.vector_load %arg7[%get3A_165, %get3A_166, %get3A_167] {strides = array<i32>} : memref<2x8x128xi32, #tpu.memory_space<vmem>>, vector<16xi32>,
      %shift_right_logical3A_169 = arith.constant 7 : i32
      %shift_right_logical3A_170 = vector.broadcast %shift_right_logical3A_169 : i32 to vector<16xi32>
      %shift_right_logical3A_171 = arith.shrui %get3A_168, %shift_right_logical3A_170 : vector<16xi32>
      %and3A_172 = arith.constant 127 : i32
      %and3A_173 = vector.broadcast %and3A_172 : i32 to vector<16xi32>
      %and3A_174 = arith.andi %get3A_168, %and3A_173 : vector<16xi32>
      tpu.vector_store_idx %arg9[%shift_right_logical3A_171, %and3A_174], %broadcast_in_dim3A_52 {add = true} : memref<80x128xf32, #tpu.memory_space<vmem>>[vector<16xi32>, vector<16xi32>], vector<16xf32>,
      %get3A_175 = arith.constant 0 : i32
      %get3A_176 = arith.index_cast %rem3A_72 : i32 to index
      %get3A_177 = arith.index_cast %get3A_175 : i32 to index
      %get3A_178 = arith.constant 80 : index
      %get3A_179 = tpu.vector_load %arg7[%get3A_176, %get3A_177, %get3A_178] {strides = array<i32>} : memref<2x8x128xi32, #tpu.memory_space<vmem>>, vector<16xi32>,
      %shift_right_logical3A_180 = arith.constant 7 : i32
      %shift_right_logical3A_181 = vector.broadcast %shift_right_logical3A_180 : i32 to vector<16xi32>
      %shift_right_logical3A_182 = arith.shrui %get3A_179, %shift_right_logical3A_181 : vector<16xi32>
      %and3A_183 = arith.constant 127 : i32
      %and3A_184 = vector.broadcast %and3A_183 : i32 to vector<16xi32>
      %and3A_185 = arith.andi %get3A_179, %and3A_184 : vector<16xi32>
      tpu.vector_store_idx %arg9[%shift_right_logical3A_182, %and3A_185], %broadcast_in_dim3A_52 {add = true} : memref<80x128xf32, #tpu.memory_space<vmem>>[vector<16xi32>, vector<16xi32>], vector<16xf32>,
      %get3A_186 = arith.constant 0 : i32
      %get3A_187 = arith.index_cast %rem3A_72 : i32 to index
      %get3A_188 = arith.index_cast %get3A_186 : i32 to index
      %get3A_189 = arith.constant 96 : index
      %get3A_190 = tpu.vector_load %arg7[%get3A_187, %get3A_188, %get3A_189] {strides = array<i32>} : memref<2x8x128xi32, #tpu.memory_space<vmem>>, vector<16xi32>,
      %shift_right_logical3A_191 = arith.constant 7 : i32
      %shift_right_logical3A_192 = vector.broadcast %shift_right_logical3A_191 : i32 to vector<16xi32>
      %shift_right_logical3A_193 = arith.shrui %get3A_190, %shift_right_logical3A_192 : vector<16xi32>
      %and3A_194 = arith.constant 127 : i32
      %and3A_195 = vector.broadcast %and3A_194 : i32 to vector<16xi32>
      %and3A_196 = arith.andi %get3A_190, %and3A_195 : vector<16xi32>
      tpu.vector_store_idx %arg9[%shift_right_logical3A_193, %and3A_196], %broadcast_in_dim3A_52 {add = true} : memref<80x128xf32, #tpu.memory_space<vmem>>[vector<16xi32>, vector<16xi32>], vector<16xf32>,
      %get3A_197 = arith.constant 0 : i32
      %get3A_198 = arith.index_cast %rem3A_72 : i32 to index
      %get3A_199 = arith.index_cast %get3A_197 : i32 to index
      %get3A_200 = arith.constant 112 : index
      %get3A_201 = tpu.vector_load %arg7[%get3A_198, %get3A_199, %get3A_200] {strides = array<i32>} : memref<2x8x128xi32, #tpu.memory_space<vmem>>, vector<16xi32>,
      %shift_right_logical3A_202 = arith.constant 7 : i32
      %shift_right_logical3A_203 = vector.broadcast %shift_right_logical3A_202 : i32 to vector<16xi32>
      %shift_right_logical3A_204 = arith.shrui %get3A_201, %shift_right_logical3A_203 : vector<16xi32>
      %and3A_205 = arith.constant 127 : i32
      %and3A_206 = vector.broadcast %and3A_205 : i32 to vector<16xi32>
      %and3A_207 = arith.andi %get3A_201, %and3A_206 : vector<16xi32>
      tpu.vector_store_idx %arg9[%shift_right_logical3A_204, %and3A_207], %broadcast_in_dim3A_52 {add = true} : memref<80x128xf32, #tpu.memory_space<vmem>>[vector<16xi32>, vector<16xi32>], vector<16xf32>,
      %dma_wait3A = arith.constant 0 : i32
      %dma_wait3A_208 = arith.constant 0 : i32
      %dma_wait3A_209 = arith.constant 0 : i32
      %dma_wait3A_210 = arith.constant 0 : i32
      %dma_wait3A_211 = tpu.memref_slice %arg8[%dma_wait3A_208, %dma_wait3A_209, %dma_wait3A_210] : memref<2x128x128xf32, #tpu.memory_space<vmem>> -> memref<1x128x128xf32, #tpu.memory_space<vmem>>
      %dma_wait3A_212 = tpu.memref_squeeze %dma_wait3A_211 : memref<1x128x128xf32, #tpu.memory_space<vmem>> -> memref<128x128xf32, #tpu.memory_space<vmem>>
      %dma_wait3A_213 = arith.constant 0 : i32
      %dma_wait3A_214 = tpu.memref_slice %arg6[%rem3A_72, %dma_wait3A, %dma_wait3A_213] : memref<2x8x128xi32, #tpu.memory_space<vmem>> -> memref<1x1x128xi32, #tpu.memory_space<vmem>>
      %dma_wait3A_215 = tpu.memref_squeeze %dma_wait3A_214 : memref<1x1x128xi32, #tpu.memory_space<vmem>> -> memref<128xi32, #tpu.memory_space<vmem>>
      %dma_wait3A_216 = arith.constant 0 : i32
      %dma_wait3A_217 = arith.constant 0 : i32
      %dma_wait3A_218 = tpu.memref_slice %arg2[%dma_wait3A_216, %dma_wait3A_217] : memref<10400x128xf32, #tpu.memory_space<hbm>> -> memref<10400x128xf32, #tpu.memory_space<hbm>>
      tpu.wait_indirect_dma semaphore(%arg12 : memref<!tpu.dma_semaphore, #tpu.memory_space<semaphore_mem>>) src(%dma_wait3A_218 : memref<10400x128xf32, #tpu.memory_space<hbm>>) dst(%dma_wait3A_212 : memref<128x128xf32, #tpu.memory_space<vmem>>)
      %dma_start3A_219 = arith.constant 0 : i32
      %dma_start3A_220 = arith.constant 0 : i32
      %dma_start3A_221 = arith.constant 0 : i32
      %dma_start3A_222 = arith.constant 0 : i32
      %dma_start3A_223 = tpu.memref_slice %arg8[%dma_start3A_219, %dma_start3A_221, %dma_start3A_222] : memref<2x128x128xf32, #tpu.memory_space<vmem>> -> memref<1x128x128xf32, #tpu.memory_space<vmem>>
      %dma_start3A_224 = tpu.memref_squeeze %dma_start3A_223 : memref<1x128x128xf32, #tpu.memory_space<vmem>> -> memref<128x128xf32, #tpu.memory_space<vmem>>
      %dma_start3A_225 = arith.constant 0 : i32
      %dma_start3A_226 = tpu.memref_slice %arg7[%rem3A_72, %dma_start3A_220, %dma_start3A_225] : memref<2x8x128xi32, #tpu.memory_space<vmem>> -> memref<1x1x128xi32, #tpu.memory_space<vmem>>
      %dma_start3A_227 = tpu.memref_squeeze %dma_start3A_226 : memref<1x1x128xi32, #tpu.memory_space<vmem>> -> memref<128xi32, #tpu.memory_space<vmem>>
      %dma_start3A_228 = arith.constant 0 : i32
      %dma_start3A_229 = arith.constant 0 : i32
      %dma_start3A_230 = tpu.memref_slice %arg15[%dma_start3A_228, %dma_start3A_229] : memref<10240x128xf32, #tpu.memory_space<vmem_shared>> -> memref<10240x128xf32, #tpu.memory_space<vmem_shared>>
      tpu.enqueue_indirect_dma source(%dma_start3A_224 : memref<128x128xf32, #tpu.memory_space<vmem>>) target(%dma_start3A_230 : memref<10240x128xf32, #tpu.memory_space<vmem_shared>>) offsets(%dma_start3A_227 : memref<128xi32, #tpu.memory_space<vmem>>) semaphore(%arg13 : memref<!tpu.dma_semaphore, #tpu.memory_space<semaphore_mem>>) {add = true}
      %dma_start3A_231 = arith.constant 1 : i32
      %dma_start3A_232 = arith.constant 1 : i32
      %dma_start3A_233 = arith.constant 0 : i32
      %dma_start3A_234 = arith.constant 0 : i32
      %dma_start3A_235 = tpu.memref_slice %arg8[%dma_start3A_232, %dma_start3A_233, %dma_start3A_234] : memref<2x128x128xf32, #tpu.memory_space<vmem>> -> memref<1x128x128xf32, #tpu.memory_space<vmem>>
      %dma_start3A_236 = tpu.memref_squeeze %dma_start3A_235 : memref<1x128x128xf32, #tpu.memory_space<vmem>> -> memref<128x128xf32, #tpu.memory_space<vmem>>
      %dma_start3A_237 = arith.constant 0 : i32
      %dma_start3A_238 = tpu.memref_slice %arg6[%rem3A_72, %dma_start3A_231, %dma_start3A_237] : memref<2x8x128xi32, #tpu.memory_space<vmem>> -> memref<1x1x128xi32, #tpu.memory_space<vmem>>
      %dma_start3A_239 = tpu.memref_squeeze %dma_start3A_238 : memref<1x1x128xi32, #tpu.memory_space<vmem>> -> memref<128xi32, #tpu.memory_space<vmem>>
      %dma_start3A_240 = arith.constant 0 : i32
      %dma_start3A_241 = arith.constant 0 : i32
      %dma_start3A_242 = tpu.memref_slice %arg2[%dma_start3A_240, %dma_start3A_241] : memref<10400x128xf32, #tpu.memory_space<hbm>> -> memref<10400x128xf32, #tpu.memory_space<hbm>>
      tpu.enqueue_indirect_dma source(%dma_start3A_242 : memref<10400x128xf32, #tpu.memory_space<hbm>>) target(%dma_start3A_236 : memref<128x128xf32, #tpu.memory_space<vmem>>) offsets(%dma_start3A_239 : memref<128xi32, #tpu.memory_space<vmem>>) semaphore(%arg12 : memref<!tpu.dma_semaphore, #tpu.memory_space<semaphore_mem>>)
      %get3A_243 = arith.constant 1 : i32
      %get3A_244 = arith.index_cast %rem3A_72 : i32 to index
      %get3A_245 = arith.index_cast %get3A_243 : i32 to index
      %get3A_246 = arith.constant 0 : index
      %get3A_247 = tpu.vector_load %arg7[%get3A_244, %get3A_245, %get3A_246] {strides = array<i32>} : memref<2x8x128xi32, #tpu.memory_space<vmem>>, vector<16xi32>,
      %shift_right_logical3A_248 = arith.constant 7 : i32
      %shift_right_logical3A_249 = vector.broadcast %shift_right_logical3A_248 : i32 to vector<16xi32>
      %shift_right_logical3A_250 = arith.shrui %get3A_247, %shift_right_logical3A_249 : vector<16xi32>
      %and3A_251 = arith.constant 127 : i32
      %and3A_252 = vector.broadcast %and3A_251 : i32 to vector<16xi32>
      %and3A_253 = arith.andi %get3A_247, %and3A_252 : vector<16xi32>
      tpu.vector_store_idx %arg9[%shift_right_logical3A_250, %and3A_253], %broadcast_in_dim3A_52 {add = true} : memref<80x128xf32, #tpu.memory_space<vmem>>[vector<16xi32>, vector<16xi32>], vector<16xf32>,
      %get3A_254 = arith.constant 1 : i32
      %get3A_255 = arith.index_cast %rem3A_72 : i32 to index
      %get3A_256 = arith.index_cast %get3A_254 : i32 to index
      %get3A_257 = arith.constant 16 : index
      %get3A_258 = tpu.vector_load %arg7[%get3A_255, %get3A_256, %get3A_257] {strides = array<i32>} : memref<2x8x128xi32, #tpu.memory_space<vmem>>, vector<16xi32>,
      %shift_right_logical3A_259 = arith.constant 7 : i32
      %shift_right_logical3A_260 = vector.broadcast %shift_right_logical3A_259 : i32 to vector<16xi32>
      %shift_right_logical3A_261 = arith.shrui %get3A_258, %shift_right_logical3A_260 : vector<16xi32>
      %and3A_262 = arith.constant 127 : i32
      %and3A_263 = vector.broadcast %and3A_262 : i32 to vector<16xi32>
      %and3A_264 = arith.andi %get3A_258, %and3A_263 : vector<16xi32>
      tpu.vector_store_idx %arg9[%shift_right_logical3A_261, %and3A_264], %broadcast_in_dim3A_52 {add = true} : memref<80x128xf32, #tpu.memory_space<vmem>>[vector<16xi32>, vector<16xi32>], vector<16xf32>,
      %get3A_265 = arith.constant 1 : i32
      %get3A_266 = arith.index_cast %rem3A_72 : i32 to index
      %get3A_267 = arith.index_cast %get3A_265 : i32 to index
      %get3A_268 = arith.constant 32 : index
      %get3A_269 = tpu.vector_load %arg7[%get3A_266, %get3A_267, %get3A_268] {strides = array<i32>} : memref<2x8x128xi32, #tpu.memory_space<vmem>>, vector<16xi32>,
      %shift_right_logical3A_270 = arith.constant 7 : i32
      %shift_right_logical3A_271 = vector.broadcast %shift_right_logical3A_270 : i32 to vector<16xi32>
      %shift_right_logical3A_272 = arith.shrui %get3A_269, %shift_right_logical3A_271 : vector<16xi32>
      %and3A_273 = arith.constant 127 : i32
      %and3A_274 = vector.broadcast %and3A_273 : i32 to vector<16xi32>
      %and3A_275 = arith.andi %get3A_269, %and3A_274 : vector<16xi32>
      tpu.vector_store_idx %arg9[%shift_right_logical3A_272, %and3A_275], %broadcast_in_dim3A_52 {add = true} : memref<80x128xf32, #tpu.memory_space<vmem>>[vector<16xi32>, vector<16xi32>], vector<16xf32>,
      %get3A_276 = arith.constant 1 : i32
      %get3A_277 = arith.index_cast %rem3A_72 : i32 to index
      %get3A_278 = arith.index_cast %get3A_276 : i32 to index
      %get3A_279 = arith.constant 48 : index
      %get3A_280 = tpu.vector_load %arg7[%get3A_277, %get3A_278, %get3A_279] {strides = array<i32>} : memref<2x8x128xi32, #tpu.memory_space<vmem>>, vector<16xi32>,
      %shift_right_logical3A_281 = arith.constant 7 : i32
      %shift_right_logical3A_282 = vector.broadcast %shift_right_logical3A_281 : i32 to vector<16xi32>
      %shift_right_logical3A_283 = arith.shrui %get3A_280, %shift_right_logical3A_282 : vector<16xi32>
      %and3A_284 = arith.constant 127 : i32
      %and3A_285 = vector.broadcast %and3A_284 : i32 to vector<16xi32>
      %and3A_286 = arith.andi %get3A_280, %and3A_285 : vector<16xi32>
      tpu.vector_store_idx %arg9[%shift_right_logical3A_283, %and3A_286], %broadcast_in_dim3A_52 {add = true} : memref<80x128xf32, #tpu.memory_space<vmem>>[vector<16xi32>, vector<16xi32>], vector<16xf32>,
      %get3A_287 = arith.constant 1 : i32
      %get3A_288 = arith.index_cast %rem3A_72 : i32 to index
      %get3A_289 = arith.index_cast %get3A_287 : i32 to index
      %get3A_290 = arith.constant 64 : index
      %get3A_291 = tpu.vector_load %arg7[%get3A_288, %get3A_289, %get3A_290] {strides = array<i32>} : memref<2x8x128xi32, #tpu.memory_space<vmem>>, vector<16xi32>,
      %shift_right_logical3A_292 = arith.constant 7 : i32
      %shift_right_logical3A_293 = vector.broadcast %shift_right_logical3A_292 : i32 to vector<16xi32>
      %shift_right_logical3A_294 = arith.shrui %get3A_291, %shift_right_logical3A_293 : vector<16xi32>
      %and3A_295 = arith.constant 127 : i32
      %and3A_296 = vector.broadcast %and3A_295 : i32 to vector<16xi32>
      %and3A_297 = arith.andi %get3A_291, %and3A_296 : vector<16xi32>
      tpu.vector_store_idx %arg9[%shift_right_logical3A_294, %and3A_297], %broadcast_in_dim3A_52 {add = true} : memref<80x128xf32, #tpu.memory_space<vmem>>[vector<16xi32>, vector<16xi32>], vector<16xf32>,
      %get3A_298 = arith.constant 1 : i32
      %get3A_299 = arith.index_cast %rem3A_72 : i32 to index
      %get3A_300 = arith.index_cast %get3A_298 : i32 to index
      %get3A_301 = arith.constant 80 : index
      %get3A_302 = tpu.vector_load %arg7[%get3A_299, %get3A_300, %get3A_301] {strides = array<i32>} : memref<2x8x128xi32, #tpu.memory_space<vmem>>, vector<16xi32>,
      %shift_right_logical3A_303 = arith.constant 7 : i32
      %shift_right_logical3A_304 = vector.broadcast %shift_right_logical3A_303 : i32 to vector<16xi32>
      %shift_right_logical3A_305 = arith.shrui %get3A_302, %shift_right_logical3A_304 : vector<16xi32>
      %and3A_306 = arith.constant 127 : i32
      %and3A_307 = vector.broadcast %and3A_306 : i32 to vector<16xi32>
      %and3A_308 = arith.andi %get3A_302, %and3A_307 : vector<16xi32>
      tpu.vector_store_idx %arg9[%shift_right_logical3A_305, %and3A_308], %broadcast_in_dim3A_52 {add = true} : memref<80x128xf32, #tpu.memory_space<vmem>>[vector<16xi32>, vector<16xi32>], vector<16xf32>,
      %get3A_309 = arith.constant 1 : i32
      %get3A_310 = arith.index_cast %rem3A_72 : i32 to index
      %get3A_311 = arith.index_cast %get3A_309 : i32 to index
      %get3A_312 = arith.constant 96 : index
      %get3A_313 = tpu.vector_load %arg7[%get3A_310, %get3A_311, %get3A_312] {strides = array<i32>} : memref<2x8x128xi32, #tpu.memory_space<vmem>>, vector<16xi32>,
      %shift_right_logical3A_314 = arith.constant 7 : i32
      %shift_right_logical3A_315 = vector.broadcast %shift_right_logical3A_314 : i32 to vector<16xi32>
      %shift_right_logical3A_316 = arith.shrui %get3A_313, %shift_right_logical3A_315 : vector<16xi32>
      %and3A_317 = arith.constant 127 : i32
      %and3A_318 = vector.broadcast %and3A_317 : i32 to vector<16xi32>
      %and3A_319 = arith.andi %get3A_313, %and3A_318 : vector<16xi32>
      tpu.vector_store_idx %arg9[%shift_right_logical3A_316, %and3A_319], %broadcast_in_dim3A_52 {add = true} : memref<80x128xf32, #tpu.memory_space<vmem>>[vector<16xi32>, vector<16xi32>], vector<16xf32>,
      %get3A_320 = arith.constant 1 : i32
      %get3A_321 = arith.index_cast %rem3A_72 : i32 to index
      %get3A_322 = arith.index_cast %get3A_320 : i32 to index
      %get3A_323 = arith.constant 112 : index
      %get3A_324 = tpu.vector_load %arg7[%get3A_321, %get3A_322, %get3A_323] {strides = array<i32>} : memref<2x8x128xi32, #tpu.memory_space<vmem>>, vector<16xi32>,
      %shift_right_logical3A_325 = arith.constant 7 : i32
      %shift_right_logical3A_326 = vector.broadcast %shift_right_logical3A_325 : i32 to vector<16xi32>
      %shift_right_logical3A_327 = arith.shrui %get3A_324, %shift_right_logical3A_326 : vector<16xi32>
      %and3A_328 = arith.constant 127 : i32
      %and3A_329 = vector.broadcast %and3A_328 : i32 to vector<16xi32>
      %and3A_330 = arith.andi %get3A_324, %and3A_329 : vector<16xi32>
      tpu.vector_store_idx %arg9[%shift_right_logical3A_327, %and3A_330], %broadcast_in_dim3A_52 {add = true} : memref<80x128xf32, #tpu.memory_space<vmem>>[vector<16xi32>, vector<16xi32>], vector<16xf32>,
      %dma_wait3A_331 = arith.constant 1 : i32
      %dma_wait3A_332 = arith.constant 1 : i32
      %dma_wait3A_333 = arith.constant 0 : i32
      %dma_wait3A_334 = arith.constant 0 : i32
      %dma_wait3A_335 = tpu.memref_slice %arg8[%dma_wait3A_332, %dma_wait3A_333, %dma_wait3A_334] : memref<2x128x128xf32, #tpu.memory_space<vmem>> -> memref<1x128x128xf32, #tpu.memory_space<vmem>>
      %dma_wait3A_336 = tpu.memref_squeeze %dma_wait3A_335 : memref<1x128x128xf32, #tpu.memory_space<vmem>> -> memref<128x128xf32, #tpu.memory_space<vmem>>
      %dma_wait3A_337 = arith.constant 0 : i32
      %dma_wait3A_338 = tpu.memref_slice %arg6[%rem3A_72, %dma_wait3A_331, %dma_wait3A_337] : memref<2x8x128xi32, #tpu.memory_space<vmem>> -> memref<1x1x128xi32, #tpu.memory_space<vmem>>
      %dma_wait3A_339 = tpu.memref_squeeze %dma_wait3A_338 : memref<1x1x128xi32, #tpu.memory_space<vmem>> -> memref<128xi32, #tpu.memory_space<vmem>>
      %dma_wait3A_340 = arith.constant 0 : i32
      %dma_wait3A_341 = arith.constant 0 : i32
      %dma_wait3A_342 = tpu.memref_slice %arg2[%dma_wait3A_340, %dma_wait3A_341] : memref<10400x128xf32, #tpu.memory_space<hbm>> -> memref<10400x128xf32, #tpu.memory_space<hbm>>
      tpu.wait_indirect_dma semaphore(%arg12 : memref<!tpu.dma_semaphore, #tpu.memory_space<semaphore_mem>>) src(%dma_wait3A_342 : memref<10400x128xf32, #tpu.memory_space<hbm>>) dst(%dma_wait3A_336 : memref<128x128xf32, #tpu.memory_space<vmem>>)
      %dma_start3A_343 = arith.constant 1 : i32
      %dma_start3A_344 = arith.constant 1 : i32
      %dma_start3A_345 = arith.constant 0 : i32
      %dma_start3A_346 = arith.constant 0 : i32
      %dma_start3A_347 = tpu.memref_slice %arg8[%dma_start3A_343, %dma_start3A_345, %dma_start3A_346] : memref<2x128x128xf32, #tpu.memory_space<vmem>> -> memref<1x128x128xf32, #tpu.memory_space<vmem>>
      %dma_start3A_348 = tpu.memref_squeeze %dma_start3A_347 : memref<1x128x128xf32, #tpu.memory_space<vmem>> -> memref<128x128xf32, #tpu.memory_space<vmem>>
      %dma_start3A_349 = arith.constant 0 : i32
      %dma_start3A_350 = tpu.memref_slice %arg7[%rem3A_72, %dma_start3A_344, %dma_start3A_349] : memref<2x8x128xi32, #tpu.memory_space<vmem>> -> memref<1x1x128xi32, #tpu.memory_space<vmem>>
      %dma_start3A_351 = tpu.memref_squeeze %dma_start3A_350 : memref<1x1x128xi32, #tpu.memory_space<vmem>> -> memref<128xi32, #tpu.memory_space<vmem>>
      %dma_start3A_352 = arith.constant 0 : i32
      %dma_start3A_353 = arith.constant 0 : i32
      %dma_start3A_354 = tpu.memref_slice %arg15[%dma_start3A_352, %dma_start3A_353] : memref<10240x128xf32, #tpu.memory_space<vmem_shared>> -> memref<10240x128xf32, #tpu.memory_space<vmem_shared>>
      tpu.enqueue_indirect_dma source(%dma_start3A_348 : memref<128x128xf32, #tpu.memory_space<vmem>>) target(%dma_start3A_354 : memref<10240x128xf32, #tpu.memory_space<vmem_shared>>) offsets(%dma_start3A_351 : memref<128xi32, #tpu.memory_space<vmem>>) semaphore(%arg13 : memref<!tpu.dma_semaphore, #tpu.memory_space<semaphore_mem>>) {add = true}
      %dma_wait3A_355 = arith.constant 0 : i32
      %dma_wait3A_356 = arith.constant 0 : i32
      %dma_wait3A_357 = arith.constant 0 : i32
      %dma_wait3A_358 = arith.constant 0 : i32
      %dma_wait3A_359 = tpu.memref_slice %arg8[%dma_wait3A_355, %dma_wait3A_357, %dma_wait3A_358] : memref<2x128x128xf32, #tpu.memory_space<vmem>> -> memref<1x128x128xf32, #tpu.memory_space<vmem>>
      %dma_wait3A_360 = tpu.memref_squeeze %dma_wait3A_359 : memref<1x128x128xf32, #tpu.memory_space<vmem>> -> memref<128x128xf32, #tpu.memory_space<vmem>>
      %dma_wait3A_361 = arith.constant 0 : i32
      %dma_wait3A_362 = tpu.memref_slice %arg7[%rem3A_72, %dma_wait3A_356, %dma_wait3A_361] : memref<2x8x128xi32, #tpu.memory_space<vmem>> -> memref<1x1x128xi32, #tpu.memory_space<vmem>>
      %dma_wait3A_363 = tpu.memref_squeeze %dma_wait3A_362 : memref<1x1x128xi32, #tpu.memory_space<vmem>> -> memref<128xi32, #tpu.memory_space<vmem>>
      %dma_wait3A_364 = arith.constant 0 : i32
      %dma_wait3A_365 = arith.constant 0 : i32
      %dma_wait3A_366 = tpu.memref_slice %arg15[%dma_wait3A_364, %dma_wait3A_365] : memref<10240x128xf32, #tpu.memory_space<vmem_shared>> -> memref<10240x128xf32, #tpu.memory_space<vmem_shared>>
      tpu.wait_indirect_dma semaphore(%arg13 : memref<!tpu.dma_semaphore, #tpu.memory_space<semaphore_mem>>) src(%dma_wait3A_360 : memref<128x128xf32, #tpu.memory_space<vmem>>) dst(%dma_wait3A_366 : memref<10240x128xf32, #tpu.memory_space<vmem_shared>>)
      %dma_start3A_367 = arith.constant 2 : i32
      %dma_start3A_368 = arith.constant 0 : i32
      %dma_start3A_369 = arith.constant 0 : i32
      %dma_start3A_370 = arith.constant 0 : i32
      %dma_start3A_371 = tpu.memref_slice %arg8[%dma_start3A_368, %dma_start3A_369, %dma_start3A_370] : memref<2x128x128xf32, #tpu.memory_space<vmem>> -> memref<1x128x128xf32, #tpu.memory_space<vmem>>
      %dma_start3A_372 = tpu.memref_squeeze %dma_start3A_371 : memref<1x128x128xf32, #tpu.memory_space<vmem>> -> memref<128x128xf32, #tpu.memory_space<vmem>>
      %dma_start3A_373 = arith.constant 0 : i32
      %dma_start3A_374 = tpu.memref_slice %arg6[%rem3A_72, %dma_start3A_367, %dma_start3A_373] : memref<2x8x128xi32, #tpu.memory_space<vmem>> -> memref<1x1x128xi32, #tpu.memory_space<vmem>>
      %dma_start3A_375 = tpu.memref_squeeze %dma_start3A_374 : memref<1x1x128xi32, #tpu.memory_space<vmem>> -> memref<128xi32, #tpu.memory_space<vmem>>
      %dma_start3A_376 = arith.constant 0 : i32
      %dma_start3A_377 = arith.constant 0 : i32
      %dma_start3A_378 = tpu.memref_slice %arg2[%dma_start3A_376, %dma_start3A_377] : memref<10400x128xf32, #tpu.memory_space<hbm>> -> memref<10400x128xf32, #tpu.memory_space<hbm>>
      tpu.enqueue_indirect_dma source(%dma_start3A_378 : memref<10400x128xf32, #tpu.memory_space<hbm>>) target(%dma_start3A_372 : memref<128x128xf32, #tpu.memory_space<vmem>>) offsets(%dma_start3A_375 : memref<128xi32, #tpu.memory_space<vmem>>) semaphore(%arg12 : memref<!tpu.dma_semaphore, #tpu.memory_space<semaphore_mem>>)
      %get3A_379 = arith.constant 2 : i32
      %get3A_380 = arith.index_cast %rem3A_72 : i32 to index
      %get3A_381 = arith.index_cast %get3A_379 : i32 to index
      %get3A_382 = arith.constant 0 : index
      %get3A_383 = tpu.vector_load %arg7[%get3A_380, %get3A_381, %get3A_382] {strides = array<i32>} : memref<2x8x128xi32, #tpu.memory_space<vmem>>, vector<16xi32>,
      %shift_right_logical3A_384 = arith.constant 7 : i32
      %shift_right_logical3A_385 = vector.broadcast %shift_right_logical3A_384 : i32 to vector<16xi32>
      %shift_right_logical3A_386 = arith.shrui %get3A_383, %shift_right_logical3A_385 : vector<16xi32>
      %and3A_387 = arith.constant 127 : i32
      %and3A_388 = vector.broadcast %and3A_387 : i32 to vector<16xi32>
      %and3A_389 = arith.andi %get3A_383, %and3A_388 : vector<16xi32>
      tpu.vector_store_idx %arg9[%shift_right_logical3A_386, %and3A_389], %broadcast_in_dim3A_52 {add = true} : memref<80x128xf32, #tpu.memory_space<vmem>>[vector<16xi32>, vector<16xi32>], vector<16xf32>,
      %get3A_390 = arith.constant 2 : i32
      %get3A_391 = arith.index_cast %rem3A_72 : i32 to index
      %get3A_392 = arith.index_cast %get3A_390 : i32 to index
      %get3A_393 = arith.constant 16 : index
      %get3A_394 = tpu.vector_load %arg7[%get3A_391, %get3A_392, %get3A_393] {strides = array<i32>} : memref<2x8x128xi32, #tpu.memory_space<vmem>>, vector<16xi32>,
      %shift_right_logical3A_395 = arith.constant 7 : i32
      %shift_right_logical3A_396 = vector.broadcast %shift_right_logical3A_395 : i32 to vector<16xi32>
      %shift_right_logical3A_397 = arith.shrui %get3A_394, %shift_right_logical3A_396 : vector<16xi32>
      %and3A_398 = arith.constant 127 : i32
      %and3A_399 = vector.broadcast %and3A_398 : i32 to vector<16xi32>
      %and3A_400 = arith.andi %get3A_394, %and3A_399 : vector<16xi32>
      tpu.vector_store_idx %arg9[%shift_right_logical3A_397, %and3A_400], %broadcast_in_dim3A_52 {add = true} : memref<80x128xf32, #tpu.memory_space<vmem>>[vector<16xi32>, vector<16xi32>], vector<16xf32>,
      %get3A_401 = arith.constant 2 : i32
      %get3A_402 = arith.index_cast %rem3A_72 : i32 to index
      %get3A_403 = arith.index_cast %get3A_401 : i32 to index
      %get3A_404 = arith.constant 32 : index
      %get3A_405 = tpu.vector_load %arg7[%get3A_402, %get3A_403, %get3A_404] {strides = array<i32>} : memref<2x8x128xi32, #tpu.memory_space<vmem>>, vector<16xi32>,
      %shift_right_logical3A_406 = arith.constant 7 : i32
      %shift_right_logical3A_407 = vector.broadcast %shift_right_logical3A_406 : i32 to vector<16xi32>
      %shift_right_logical3A_408 = arith.shrui %get3A_405, %shift_right_logical3A_407 : vector<16xi32>
      %and3A_409 = arith.constant 127 : i32
      %and3A_410 = vector.broadcast %and3A_409 : i32 to vector<16xi32>
      %and3A_411 = arith.andi %get3A_405, %and3A_410 : vector<16xi32>
      tpu.vector_store_idx %arg9[%shift_right_logical3A_408, %and3A_411], %broadcast_in_dim3A_52 {add = true} : memref<80x128xf32, #tpu.memory_space<vmem>>[vector<16xi32>, vector<16xi32>], vector<16xf32>,
      %get3A_412 = arith.constant 2 : i32
      %get3A_413 = arith.index_cast %rem3A_72 : i32 to index
      %get3A_414 = arith.index_cast %get3A_412 : i32 to index
      %get3A_415 = arith.constant 48 : index
      %get3A_416 = tpu.vector_load %arg7[%get3A_413, %get3A_414, %get3A_415] {strides = array<i32>} : memref<2x8x128xi32, #tpu.memory_space<vmem>>, vector<16xi32>,
      %shift_right_logical3A_417 = arith.constant 7 : i32
      %shift_right_logical3A_418 = vector.broadcast %shift_right_logical3A_417 : i32 to vector<16xi32>
      %shift_right_logical3A_419 = arith.shrui %get3A_416, %shift_right_logical3A_418 : vector<16xi32>
      %and3A_420 = arith.constant 127 : i32
      %and3A_421 = vector.broadcast %and3A_420 : i32 to vector<16xi32>
      %and3A_422 = arith.andi %get3A_416, %and3A_421 : vector<16xi32>
      tpu.vector_store_idx %arg9[%shift_right_logical3A_419, %and3A_422], %broadcast_in_dim3A_52 {add = true} : memref<80x128xf32, #tpu.memory_space<vmem>>[vector<16xi32>, vector<16xi32>], vector<16xf32>,
      %get3A_423 = arith.constant 2 : i32
      %get3A_424 = arith.index_cast %rem3A_72 : i32 to index
      %get3A_425 = arith.index_cast %get3A_423 : i32 to index
      %get3A_426 = arith.constant 64 : index
      %get3A_427 = tpu.vector_load %arg7[%get3A_424, %get3A_425, %get3A_426] {strides = array<i32>} : memref<2x8x128xi32, #tpu.memory_space<vmem>>, vector<16xi32>,
      %shift_right_logical3A_428 = arith.constant 7 : i32
      %shift_right_logical3A_429 = vector.broadcast %shift_right_logical3A_428 : i32 to vector<16xi32>
      %shift_right_logical3A_430 = arith.shrui %get3A_427, %shift_right_logical3A_429 : vector<16xi32>
      %and3A_431 = arith.constant 127 : i32
      %and3A_432 = vector.broadcast %and3A_431 : i32 to vector<16xi32>
      %and3A_433 = arith.andi %get3A_427, %and3A_432 : vector<16xi32>
      tpu.vector_store_idx %arg9[%shift_right_logical3A_430, %and3A_433], %broadcast_in_dim3A_52 {add = true} : memref<80x128xf32, #tpu.memory_space<vmem>>[vector<16xi32>, vector<16xi32>], vector<16xf32>,
      %get3A_434 = arith.constant 2 : i32
      %get3A_435 = arith.index_cast %rem3A_72 : i32 to index
      %get3A_436 = arith.index_cast %get3A_434 : i32 to index
      %get3A_437 = arith.constant 80 : index
      %get3A_438 = tpu.vector_load %arg7[%get3A_435, %get3A_436, %get3A_437] {strides = array<i32>} : memref<2x8x128xi32, #tpu.memory_space<vmem>>, vector<16xi32>,
      %shift_right_logical3A_439 = arith.constant 7 : i32
      %shift_right_logical3A_440 = vector.broadcast %shift_right_logical3A_439 : i32 to vector<16xi32>
      %shift_right_logical3A_441 = arith.shrui %get3A_438, %shift_right_logical3A_440 : vector<16xi32>
      %and3A_442 = arith.constant 127 : i32
      %and3A_443 = vector.broadcast %and3A_442 : i32 to vector<16xi32>
      %and3A_444 = arith.andi %get3A_438, %and3A_443 : vector<16xi32>
      tpu.vector_store_idx %arg9[%shift_right_logical3A_441, %and3A_444], %broadcast_in_dim3A_52 {add = true} : memref<80x128xf32, #tpu.memory_space<vmem>>[vector<16xi32>, vector<16xi32>], vector<16xf32>,
      %get3A_445 = arith.constant 2 : i32
      %get3A_446 = arith.index_cast %rem3A_72 : i32 to index
      %get3A_447 = arith.index_cast %get3A_445 : i32 to index
      %get3A_448 = arith.constant 96 : index
      %get3A_449 = tpu.vector_load %arg7[%get3A_446, %get3A_447, %get3A_448] {strides = array<i32>} : memref<2x8x128xi32, #tpu.memory_space<vmem>>, vector<16xi32>,
      %shift_right_logical3A_450 = arith.constant 7 : i32
      %shift_right_logical3A_451 = vector.broadcast %shift_right_logical3A_450 : i32 to vector<16xi32>
      %shift_right_logical3A_452 = arith.shrui %get3A_449, %shift_right_logical3A_451 : vector<16xi32>
      %and3A_453 = arith.constant 127 : i32
      %and3A_454 = vector.broadcast %and3A_453 : i32 to vector<16xi32>
      %and3A_455 = arith.andi %get3A_449, %and3A_454 : vector<16xi32>
      tpu.vector_store_idx %arg9[%shift_right_logical3A_452, %and3A_455], %broadcast_in_dim3A_52 {add = true} : memref<80x128xf32, #tpu.memory_space<vmem>>[vector<16xi32>, vector<16xi32>], vector<16xf32>,
      %get3A_456 = arith.constant 2 : i32
      %get3A_457 = arith.index_cast %rem3A_72 : i32 to index
      %get3A_458 = arith.index_cast %get3A_456 : i32 to index
      %get3A_459 = arith.constant 112 : index
      %get3A_460 = tpu.vector_load %arg7[%get3A_457, %get3A_458, %get3A_459] {strides = array<i32>} : memref<2x8x128xi32, #tpu.memory_space<vmem>>, vector<16xi32>,
      %shift_right_logical3A_461 = arith.constant 7 : i32
      %shift_right_logical3A_462 = vector.broadcast %shift_right_logical3A_461 : i32 to vector<16xi32>
      %shift_right_logical3A_463 = arith.shrui %get3A_460, %shift_right_logical3A_462 : vector<16xi32>
      %and3A_464 = arith.constant 127 : i32
      %and3A_465 = vector.broadcast %and3A_464 : i32 to vector<16xi32>
      %and3A_466 = arith.andi %get3A_460, %and3A_465 : vector<16xi32>
      tpu.vector_store_idx %arg9[%shift_right_logical3A_463, %and3A_466], %broadcast_in_dim3A_52 {add = true} : memref<80x128xf32, #tpu.memory_space<vmem>>[vector<16xi32>, vector<16xi32>], vector<16xf32>,
      %dma_wait3A_467 = arith.constant 2 : i32
      %dma_wait3A_468 = arith.constant 0 : i32
      %dma_wait3A_469 = arith.constant 0 : i32
      %dma_wait3A_470 = arith.constant 0 : i32
      %dma_wait3A_471 = tpu.memref_slice %arg8[%dma_wait3A_468, %dma_wait3A_469, %dma_wait3A_470] : memref<2x128x128xf32, #tpu.memory_space<vmem>> -> memref<1x128x128xf32, #tpu.memory_space<vmem>>
      %dma_wait3A_472 = tpu.memref_squeeze %dma_wait3A_471 : memref<1x128x128xf32, #tpu.memory_space<vmem>> -> memref<128x128xf32, #tpu.memory_space<vmem>>
      %dma_wait3A_473 = arith.constant 0 : i32
      %dma_wait3A_474 = tpu.memref_slice %arg6[%rem3A_72, %dma_wait3A_467, %dma_wait3A_473] : memref<2x8x128xi32, #tpu.memory_space<vmem>> -> memref<1x1x128xi32, #tpu.memory_space<vmem>>
      %dma_wait3A_475 = tpu.memref_squeeze %dma_wait3A_474 : memref<1x1x128xi32, #tpu.memory_space<vmem>> -> memref<128xi32, #tpu.memory_space<vmem>>
      %dma_wait3A_476 = arith.constant 0 : i32
      %dma_wait3A_477 = arith.constant 0 : i32
      %dma_wait3A_478 = tpu.memref_slice %arg2[%dma_wait3A_476, %dma_wait3A_477] : memref<10400x128xf32, #tpu.memory_space<hbm>> -> memref<10400x128xf32, #tpu.memory_space<hbm>>
      tpu.wait_indirect_dma semaphore(%arg12 : memref<!tpu.dma_semaphore, #tpu.memory_space<semaphore_mem>>) src(%dma_wait3A_478 : memref<10400x128xf32, #tpu.memory_space<hbm>>) dst(%dma_wait3A_472 : memref<128x128xf32, #tpu.memory_space<vmem>>)
      %dma_start3A_479 = arith.constant 0 : i32
      %dma_start3A_480 = arith.constant 2 : i32
      %dma_start3A_481 = arith.constant 0 : i32
      %dma_start3A_482 = arith.constant 0 : i32
      %dma_start3A_483 = tpu.memref_slice %arg8[%dma_start3A_479, %dma_start3A_481, %dma_start3A_482] : memref<2x128x128xf32, #tpu.memory_space<vmem>> -> memref<1x128x128xf32, #tpu.memory_space<vmem>>
      %dma_start3A_484 = tpu.memref_squeeze %dma_start3A_483 : memref<1x128x128xf32, #tpu.memory_space<vmem>> -> memref<128x128xf32, #tpu.memory_space<vmem>>
      %dma_start3A_485 = arith.constant 0 : i32
      %dma_start3A_486 = tpu.memref_slice %arg7[%rem3A_72, %dma_start3A_480, %dma_start3A_485] : memref<2x8x128xi32, #tpu.memory_space<vmem>> -> memref<1x1x128xi32, #tpu.memory_space<vmem>>
      %dma_start3A_487 = tpu.memref_squeeze %dma_start3A_486 : memref<1x1x128xi32, #tpu.memory_space<vmem>> -> memref<128xi32, #tpu.memory_space<vmem>>
      %dma_start3A_488 = arith.constant 0 : i32
      %dma_start3A_489 = arith.constant 0 : i32
      %dma_start3A_490 = tpu.memref_slice %arg15[%dma_start3A_488, %dma_start3A_489] : memref<10240x128xf32, #tpu.memory_space<vmem_shared>> -> memref<10240x128xf32, #tpu.memory_space<vmem_shared>>
      tpu.enqueue_indirect_dma source(%dma_start3A_484 : memref<128x128xf32, #tpu.memory_space<vmem>>) target(%dma_start3A_490 : memref<10240x128xf32, #tpu.memory_space<vmem_shared>>) offsets(%dma_start3A_487 : memref<128xi32, #tpu.memory_space<vmem>>) semaphore(%arg13 : memref<!tpu.dma_semaphore, #tpu.memory_space<semaphore_mem>>) {add = true}
      %dma_wait3A_491 = arith.constant 1 : i32
      %dma_wait3A_492 = arith.constant 1 : i32
      %dma_wait3A_493 = arith.constant 0 : i32
      %dma_wait3A_494 = arith.constant 0 : i32
      %dma_wait3A_495 = tpu.memref_slice %arg8[%dma_wait3A_491, %dma_wait3A_493, %dma_wait3A_494] : memref<2x128x128xf32, #tpu.memory_space<vmem>> -> memref<1x128x128xf32, #tpu.memory_space<vmem>>
      %dma_wait3A_496 = tpu.memref_squeeze %dma_wait3A_495 : memref<1x128x128xf32, #tpu.memory_space<vmem>> -> memref<128x128xf32, #tpu.memory_space<vmem>>
      %dma_wait3A_497 = arith.constant 0 : i32
      %dma_wait3A_498 = tpu.memref_slice %arg7[%rem3A_72, %dma_wait3A_492, %dma_wait3A_497] : memref<2x8x128xi32, #tpu.memory_space<vmem>> -> memref<1x1x128xi32, #tpu.memory_space<vmem>>
      %dma_wait3A_499 = tpu.memref_squeeze %dma_wait3A_498 : memref<1x1x128xi32, #tpu.memory_space<vmem>> -> memref<128xi32, #tpu.memory_space<vmem>>
      %dma_wait3A_500 = arith.constant 0 : i32
      %dma_wait3A_501 = arith.constant 0 : i32
      %dma_wait3A_502 = tpu.memref_slice %arg15[%dma_wait3A_500, %dma_wait3A_501] : memref<10240x128xf32, #tpu.memory_space<vmem_shared>> -> memref<10240x128xf32, #tpu.memory_space<vmem_shared>>
      tpu.wait_indirect_dma semaphore(%arg13 : memref<!tpu.dma_semaphore, #tpu.memory_space<semaphore_mem>>) src(%dma_wait3A_496 : memref<128x128xf32, #tpu.memory_space<vmem>>) dst(%dma_wait3A_502 : memref<10240x128xf32, #tpu.memory_space<vmem_shared>>)
      %dma_start3A_503 = arith.constant 3 : i32
      %dma_start3A_504 = arith.constant 1 : i32
      %dma_start3A_505 = arith.constant 0 : i32
      %dma_start3A_506 = arith.constant 0 : i32
      %dma_start3A_507 = tpu.memref_slice %arg8[%dma_start3A_504, %dma_start3A_505, %dma_start3A_506] : memref<2x128x128xf32, #tpu.memory_space<vmem>> -> memref<1x128x128xf32, #tpu.memory_space<vmem>>
      %dma_start3A_508 = tpu.memref_squeeze %dma_start3A_507 : memref<1x128x128xf32, #tpu.memory_space<vmem>> -> memref<128x128xf32, #tpu.memory_space<vmem>>
      %dma_start3A_509 = arith.constant 0 : i32
      %dma_start3A_510 = tpu.memref_slice %arg6[%rem3A_72, %dma_start3A_503, %dma_start3A_509] : memref<2x8x128xi32, #tpu.memory_space<vmem>> -> memref<1x1x128xi32, #tpu.memory_space<vmem>>
      %dma_start3A_511 = tpu.memref_squeeze %dma_start3A_510 : memref<1x1x128xi32, #tpu.memory_space<vmem>> -> memref<128xi32, #tpu.memory_space<vmem>>
      %dma_start3A_512 = arith.constant 0 : i32
      %dma_start3A_513 = arith.constant 0 : i32
      %dma_start3A_514 = tpu.memref_slice %arg2[%dma_start3A_512, %dma_start3A_513] : memref<10400x128xf32, #tpu.memory_space<hbm>> -> memref<10400x128xf32, #tpu.memory_space<hbm>>
      tpu.enqueue_indirect_dma source(%dma_start3A_514 : memref<10400x128xf32, #tpu.memory_space<hbm>>) target(%dma_start3A_508 : memref<128x128xf32, #tpu.memory_space<vmem>>) offsets(%dma_start3A_511 : memref<128xi32, #tpu.memory_space<vmem>>) semaphore(%arg12 : memref<!tpu.dma_semaphore, #tpu.memory_space<semaphore_mem>>)
      %get3A_515 = arith.constant 3 : i32
      %get3A_516 = arith.index_cast %rem3A_72 : i32 to index
      %get3A_517 = arith.index_cast %get3A_515 : i32 to index
      %get3A_518 = arith.constant 0 : index
      %get3A_519 = tpu.vector_load %arg7[%get3A_516, %get3A_517, %get3A_518] {strides = array<i32>} : memref<2x8x128xi32, #tpu.memory_space<vmem>>, vector<16xi32>,
      %shift_right_logical3A_520 = arith.constant 7 : i32
      %shift_right_logical3A_521 = vector.broadcast %shift_right_logical3A_520 : i32 to vector<16xi32>
      %shift_right_logical3A_522 = arith.shrui %get3A_519, %shift_right_logical3A_521 : vector<16xi32>
      %and3A_523 = arith.constant 127 : i32
      %and3A_524 = vector.broadcast %and3A_523 : i32 to vector<16xi32>
      %and3A_525 = arith.andi %get3A_519, %and3A_524 : vector<16xi32>
      tpu.vector_store_idx %arg9[%shift_right_logical3A_522, %and3A_525], %broadcast_in_dim3A_52 {add = true} : memref<80x128xf32, #tpu.memory_space<vmem>>[vector<16xi32>, vector<16xi32>], vector<16xf32>,
      %get3A_526 = arith.constant 3 : i32
      %get3A_527 = arith.index_cast %rem3A_72 : i32 to index
      %get3A_528 = arith.index_cast %get3A_526 : i32 to index
      %get3A_529 = arith.constant 16 : index
      %get3A_530 = tpu.vector_load %arg7[%get3A_527, %get3A_528, %get3A_529] {strides = array<i32>} : memref<2x8x128xi32, #tpu.memory_space<vmem>>, vector<16xi32>,
      %shift_right_logical3A_531 = arith.constant 7 : i32
      %shift_right_logical3A_532 = vector.broadcast %shift_right_logical3A_531 : i32 to vector<16xi32>
      %shift_right_logical3A_533 = arith.shrui %get3A_530, %shift_right_logical3A_532 : vector<16xi32>
      %and3A_534 = arith.constant 127 : i32
      %and3A_535 = vector.broadcast %and3A_534 : i32 to vector<16xi32>
      %and3A_536 = arith.andi %get3A_530, %and3A_535 : vector<16xi32>
      tpu.vector_store_idx %arg9[%shift_right_logical3A_533, %and3A_536], %broadcast_in_dim3A_52 {add = true} : memref<80x128xf32, #tpu.memory_space<vmem>>[vector<16xi32>, vector<16xi32>], vector<16xf32>,
      %get3A_537 = arith.constant 3 : i32
      %get3A_538 = arith.index_cast %rem3A_72 : i32 to index
      %get3A_539 = arith.index_cast %get3A_537 : i32 to index
      %get3A_540 = arith.constant 32 : index
      %get3A_541 = tpu.vector_load %arg7[%get3A_538, %get3A_539, %get3A_540] {strides = array<i32>} : memref<2x8x128xi32, #tpu.memory_space<vmem>>, vector<16xi32>,
      %shift_right_logical3A_542 = arith.constant 7 : i32
      %shift_right_logical3A_543 = vector.broadcast %shift_right_logical3A_542 : i32 to vector<16xi32>
      %shift_right_logical3A_544 = arith.shrui %get3A_541, %shift_right_logical3A_543 : vector<16xi32>
      %and3A_545 = arith.constant 127 : i32
      %and3A_546 = vector.broadcast %and3A_545 : i32 to vector<16xi32>
      %and3A_547 = arith.andi %get3A_541, %and3A_546 : vector<16xi32>
      tpu.vector_store_idx %arg9[%shift_right_logical3A_544, %and3A_547], %broadcast_in_dim3A_52 {add = true} : memref<80x128xf32, #tpu.memory_space<vmem>>[vector<16xi32>, vector<16xi32>], vector<16xf32>,
      %get3A_548 = arith.constant 3 : i32
      %get3A_549 = arith.index_cast %rem3A_72 : i32 to index
      %get3A_550 = arith.index_cast %get3A_548 : i32 to index
      %get3A_551 = arith.constant 48 : index
      %get3A_552 = tpu.vector_load %arg7[%get3A_549, %get3A_550, %get3A_551] {strides = array<i32>} : memref<2x8x128xi32, #tpu.memory_space<vmem>>, vector<16xi32>,
      %shift_right_logical3A_553 = arith.constant 7 : i32
      %shift_right_logical3A_554 = vector.broadcast %shift_right_logical3A_553 : i32 to vector<16xi32>
      %shift_right_logical3A_555 = arith.shrui %get3A_552, %shift_right_logical3A_554 : vector<16xi32>
      %and3A_556 = arith.constant 127 : i32
      %and3A_557 = vector.broadcast %and3A_556 : i32 to vector<16xi32>
      %and3A_558 = arith.andi %get3A_552, %and3A_557 : vector<16xi32>
      tpu.vector_store_idx %arg9[%shift_right_logical3A_555, %and3A_558], %broadcast_in_dim3A_52 {add = true} : memref<80x128xf32, #tpu.memory_space<vmem>>[vector<16xi32>, vector<16xi32>], vector<16xf32>,
      %get3A_559 = arith.constant 3 : i32
      %get3A_560 = arith.index_cast %rem3A_72 : i32 to index
      %get3A_561 = arith.index_cast %get3A_559 : i32 to index
      %get3A_562 = arith.constant 64 : index
      %get3A_563 = tpu.vector_load %arg7[%get3A_560, %get3A_561, %get3A_562] {strides = array<i32>} : memref<2x8x128xi32, #tpu.memory_space<vmem>>, vector<16xi32>,
      %shift_right_logical3A_564 = arith.constant 7 : i32
      %shift_right_logical3A_565 = vector.broadcast %shift_right_logical3A_564 : i32 to vector<16xi32>
      %shift_right_logical3A_566 = arith.shrui %get3A_563, %shift_right_logical3A_565 : vector<16xi32>
      %and3A_567 = arith.constant 127 : i32
      %and3A_568 = vector.broadcast %and3A_567 : i32 to vector<16xi32>
      %and3A_569 = arith.andi %get3A_563, %and3A_568 : vector<16xi32>
      tpu.vector_store_idx %arg9[%shift_right_logical3A_566, %and3A_569], %broadcast_in_dim3A_52 {add = true} : memref<80x128xf32, #tpu.memory_space<vmem>>[vector<16xi32>, vector<16xi32>], vector<16xf32>,
      %get3A_570 = arith.constant 3 : i32
      %get3A_571 = arith.index_cast %rem3A_72 : i32 to index
      %get3A_572 = arith.index_cast %get3A_570 : i32 to index
      %get3A_573 = arith.constant 80 : index
      %get3A_574 = tpu.vector_load %arg7[%get3A_571, %get3A_572, %get3A_573] {strides = array<i32>} : memref<2x8x128xi32, #tpu.memory_space<vmem>>, vector<16xi32>,
      %shift_right_logical3A_575 = arith.constant 7 : i32
      %shift_right_logical3A_576 = vector.broadcast %shift_right_logical3A_575 : i32 to vector<16xi32>
      %shift_right_logical3A_577 = arith.shrui %get3A_574, %shift_right_logical3A_576 : vector<16xi32>
      %and3A_578 = arith.constant 127 : i32
      %and3A_579 = vector.broadcast %and3A_578 : i32 to vector<16xi32>
      %and3A_580 = arith.andi %get3A_574, %and3A_579 : vector<16xi32>
      tpu.vector_store_idx %arg9[%shift_right_logical3A_577, %and3A_580], %broadcast_in_dim3A_52 {add = true} : memref<80x128xf32, #tpu.memory_space<vmem>>[vector<16xi32>, vector<16xi32>], vector<16xf32>,
      %get3A_581 = arith.constant 3 : i32
      %get3A_582 = arith.index_cast %rem3A_72 : i32 to index
      %get3A_583 = arith.index_cast %get3A_581 : i32 to index
      %get3A_584 = arith.constant 96 : index
      %get3A_585 = tpu.vector_load %arg7[%get3A_582, %get3A_583, %get3A_584] {strides = array<i32>} : memref<2x8x128xi32, #tpu.memory_space<vmem>>, vector<16xi32>,
      %shift_right_logical3A_586 = arith.constant 7 : i32
      %shift_right_logical3A_587 = vector.broadcast %shift_right_logical3A_586 : i32 to vector<16xi32>
      %shift_right_logical3A_588 = arith.shrui %get3A_585, %shift_right_logical3A_587 : vector<16xi32>
      %and3A_589 = arith.constant 127 : i32
      %and3A_590 = vector.broadcast %and3A_589 : i32 to vector<16xi32>
      %and3A_591 = arith.andi %get3A_585, %and3A_590 : vector<16xi32>
      tpu.vector_store_idx %arg9[%shift_right_logical3A_588, %and3A_591], %broadcast_in_dim3A_52 {add = true} : memref<80x128xf32, #tpu.memory_space<vmem>>[vector<16xi32>, vector<16xi32>], vector<16xf32>,
      %get3A_592 = arith.constant 3 : i32
      %get3A_593 = arith.index_cast %rem3A_72 : i32 to index
      %get3A_594 = arith.index_cast %get3A_592 : i32 to index
      %get3A_595 = arith.constant 112 : index
      %get3A_596 = tpu.vector_load %arg7[%get3A_593, %get3A_594, %get3A_595] {strides = array<i32>} : memref<2x8x128xi32, #tpu.memory_space<vmem>>, vector<16xi32>,
      %shift_right_logical3A_597 = arith.constant 7 : i32
      %shift_right_logical3A_598 = vector.broadcast %shift_right_logical3A_597 : i32 to vector<16xi32>
      %shift_right_logical3A_599 = arith.shrui %get3A_596, %shift_right_logical3A_598 : vector<16xi32>
      %and3A_600 = arith.constant 127 : i32
      %and3A_601 = vector.broadcast %and3A_600 : i32 to vector<16xi32>
      %and3A_602 = arith.andi %get3A_596, %and3A_601 : vector<16xi32>
      tpu.vector_store_idx %arg9[%shift_right_logical3A_599, %and3A_602], %broadcast_in_dim3A_52 {add = true} : memref<80x128xf32, #tpu.memory_space<vmem>>[vector<16xi32>, vector<16xi32>], vector<16xf32>,
      %dma_wait3A_603 = arith.constant 3 : i32
      %dma_wait3A_604 = arith.constant 1 : i32
      %dma_wait3A_605 = arith.constant 0 : i32
      %dma_wait3A_606 = arith.constant 0 : i32
      %dma_wait3A_607 = tpu.memref_slice %arg8[%dma_wait3A_604, %dma_wait3A_605, %dma_wait3A_606] : memref<2x128x128xf32, #tpu.memory_space<vmem>> -> memref<1x128x128xf32, #tpu.memory_space<vmem>>
      %dma_wait3A_608 = tpu.memref_squeeze %dma_wait3A_607 : memref<1x128x128xf32, #tpu.memory_space<vmem>> -> memref<128x128xf32, #tpu.memory_space<vmem>>
      %dma_wait3A_609 = arith.constant 0 : i32
      %dma_wait3A_610 = tpu.memref_slice %arg6[%rem3A_72, %dma_wait3A_603, %dma_wait3A_609] : memref<2x8x128xi32, #tpu.memory_space<vmem>> -> memref<1x1x128xi32, #tpu.memory_space<vmem>>
      %dma_wait3A_611 = tpu.memref_squeeze %dma_wait3A_610 : memref<1x1x128xi32, #tpu.memory_space<vmem>> -> memref<128xi32, #tpu.memory_space<vmem>>
      %dma_wait3A_612 = arith.constant 0 : i32
      %dma_wait3A_613 = arith.constant 0 : i32
      %dma_wait3A_614 = tpu.memref_slice %arg2[%dma_wait3A_612, %dma_wait3A_613] : memref<10400x128xf32, #tpu.memory_space<hbm>> -> memref<10400x128xf32, #tpu.memory_space<hbm>>
      tpu.wait_indirect_dma semaphore(%arg12 : memref<!tpu.dma_semaphore, #tpu.memory_space<semaphore_mem>>) src(%dma_wait3A_614 : memref<10400x128xf32, #tpu.memory_space<hbm>>) dst(%dma_wait3A_608 : memref<128x128xf32, #tpu.memory_space<vmem>>)
      %dma_start3A_615 = arith.constant 1 : i32
      %dma_start3A_616 = arith.constant 3 : i32
      %dma_start3A_617 = arith.constant 0 : i32
      %dma_start3A_618 = arith.constant 0 : i32
      %dma_start3A_619 = tpu.memref_slice %arg8[%dma_start3A_615, %dma_start3A_617, %dma_start3A_618] : memref<2x128x128xf32, #tpu.memory_space<vmem>> -> memref<1x128x128xf32, #tpu.memory_space<vmem>>
      %dma_start3A_620 = tpu.memref_squeeze %dma_start3A_619 : memref<1x128x128xf32, #tpu.memory_space<vmem>> -> memref<128x128xf32, #tpu.memory_space<vmem>>
      %dma_start3A_621 = arith.constant 0 : i32
      %dma_start3A_622 = tpu.memref_slice %arg7[%rem3A_72, %dma_start3A_616, %dma_start3A_621] : memref<2x8x128xi32, #tpu.memory_space<vmem>> -> memref<1x1x128xi32, #tpu.memory_space<vmem>>
      %dma_start3A_623 = tpu.memref_squeeze %dma_start3A_622 : memref<1x1x128xi32, #tpu.memory_space<vmem>> -> memref<128xi32, #tpu.memory_space<vmem>>
      %dma_start3A_624 = arith.constant 0 : i32
      %dma_start3A_625 = arith.constant 0 : i32
      %dma_start3A_626 = tpu.memref_slice %arg15[%dma_start3A_624, %dma_start3A_625] : memref<10240x128xf32, #tpu.memory_space<vmem_shared>> -> memref<10240x128xf32, #tpu.memory_space<vmem_shared>>
      tpu.enqueue_indirect_dma source(%dma_start3A_620 : memref<128x128xf32, #tpu.memory_space<vmem>>) target(%dma_start3A_626 : memref<10240x128xf32, #tpu.memory_space<vmem_shared>>) offsets(%dma_start3A_623 : memref<128xi32, #tpu.memory_space<vmem>>) semaphore(%arg13 : memref<!tpu.dma_semaphore, #tpu.memory_space<semaphore_mem>>) {add = true}
      %dma_wait3A_627 = arith.constant 0 : i32
      %dma_wait3A_628 = arith.constant 2 : i32
      %dma_wait3A_629 = arith.constant 0 : i32
      %dma_wait3A_630 = arith.constant 0 : i32
      %dma_wait3A_631 = tpu.memref_slice %arg8[%dma_wait3A_627, %dma_wait3A_629, %dma_wait3A_630] : memref<2x128x128xf32, #tpu.memory_space<vmem>> -> memref<1x128x128xf32, #tpu.memory_space<vmem>>
      %dma_wait3A_632 = tpu.memref_squeeze %dma_wait3A_631 : memref<1x128x128xf32, #tpu.memory_space<vmem>> -> memref<128x128xf32, #tpu.memory_space<vmem>>
      %dma_wait3A_633 = arith.constant 0 : i32
      %dma_wait3A_634 = tpu.memref_slice %arg7[%rem3A_72, %dma_wait3A_628, %dma_wait3A_633] : memref<2x8x128xi32, #tpu.memory_space<vmem>> -> memref<1x1x128xi32, #tpu.memory_space<vmem>>
      %dma_wait3A_635 = tpu.memref_squeeze %dma_wait3A_634 : memref<1x1x128xi32, #tpu.memory_space<vmem>> -> memref<128xi32, #tpu.memory_space<vmem>>
      %dma_wait3A_636 = arith.constant 0 : i32
      %dma_wait3A_637 = arith.constant 0 : i32
      %dma_wait3A_638 = tpu.memref_slice %arg15[%dma_wait3A_636, %dma_wait3A_637] : memref<10240x128xf32, #tpu.memory_space<vmem_shared>> -> memref<10240x128xf32, #tpu.memory_space<vmem_shared>>
      tpu.wait_indirect_dma semaphore(%arg13 : memref<!tpu.dma_semaphore, #tpu.memory_space<semaphore_mem>>) src(%dma_wait3A_632 : memref<128x128xf32, #tpu.memory_space<vmem>>) dst(%dma_wait3A_638 : memref<10240x128xf32, #tpu.memory_space<vmem_shared>>)
      %dma_start3A_639 = arith.constant 4 : i32
      %dma_start3A_640 = arith.constant 0 : i32
      %dma_start3A_641 = arith.constant 0 : i32
      %dma_start3A_642 = arith.constant 0 : i32
      %dma_start3A_643 = tpu.memref_slice %arg8[%dma_start3A_640, %dma_start3A_641, %dma_start3A_642] : memref<2x128x128xf32, #tpu.memory_space<vmem>> -> memref<1x128x128xf32, #tpu.memory_space<vmem>>
      %dma_start3A_644 = tpu.memref_squeeze %dma_start3A_643 : memref<1x128x128xf32, #tpu.memory_space<vmem>> -> memref<128x128xf32, #tpu.memory_space<vmem>>
      %dma_start3A_645 = arith.constant 0 : i32
      %dma_start3A_646 = tpu.memref_slice %arg6[%rem3A_72, %dma_start3A_639, %dma_start3A_645] : memref<2x8x128xi32, #tpu.memory_space<vmem>> -> memref<1x1x128xi32, #tpu.memory_space<vmem>>
      %dma_start3A_647 = tpu.memref_squeeze %dma_start3A_646 : memref<1x1x128xi32, #tpu.memory_space<vmem>> -> memref<128xi32, #tpu.memory_space<vmem>>
      %dma_start3A_648 = arith.constant 0 : i32
      %dma_start3A_649 = arith.constant 0 : i32
      %dma_start3A_650 = tpu.memref_slice %arg2[%dma_start3A_648, %dma_start3A_649] : memref<10400x128xf32, #tpu.memory_space<hbm>> -> memref<10400x128xf32, #tpu.memory_space<hbm>>
      tpu.enqueue_indirect_dma source(%dma_start3A_650 : memref<10400x128xf32, #tpu.memory_space<hbm>>) target(%dma_start3A_644 : memref<128x128xf32, #tpu.memory_space<vmem>>) offsets(%dma_start3A_647 : memref<128xi32, #tpu.memory_space<vmem>>) semaphore(%arg12 : memref<!tpu.dma_semaphore, #tpu.memory_space<semaphore_mem>>)
      %get3A_651 = arith.constant 4 : i32
      %get3A_652 = arith.index_cast %rem3A_72 : i32 to index
      %get3A_653 = arith.index_cast %get3A_651 : i32 to index
      %get3A_654 = arith.constant 0 : index
      %get3A_655 = tpu.vector_load %arg7[%get3A_652, %get3A_653, %get3A_654] {strides = array<i32>} : memref<2x8x128xi32, #tpu.memory_space<vmem>>, vector<16xi32>,
      %shift_right_logical3A_656 = arith.constant 7 : i32
      %shift_right_logical3A_657 = vector.broadcast %shift_right_logical3A_656 : i32 to vector<16xi32>
      %shift_right_logical3A_658 = arith.shrui %get3A_655, %shift_right_logical3A_657 : vector<16xi32>
      %and3A_659 = arith.constant 127 : i32
      %and3A_660 = vector.broadcast %and3A_659 : i32 to vector<16xi32>
      %and3A_661 = arith.andi %get3A_655, %and3A_660 : vector<16xi32>
      tpu.vector_store_idx %arg9[%shift_right_logical3A_658, %and3A_661], %broadcast_in_dim3A_52 {add = true} : memref<80x128xf32, #tpu.memory_space<vmem>>[vector<16xi32>, vector<16xi32>], vector<16xf32>,
      %get3A_662 = arith.constant 4 : i32
      %get3A_663 = arith.index_cast %rem3A_72 : i32 to index
      %get3A_664 = arith.index_cast %get3A_662 : i32 to index
      %get3A_665 = arith.constant 16 : index
      %get3A_666 = tpu.vector_load %arg7[%get3A_663, %get3A_664, %get3A_665] {strides = array<i32>} : memref<2x8x128xi32, #tpu.memory_space<vmem>>, vector<16xi32>,
      %shift_right_logical3A_667 = arith.constant 7 : i32
      %shift_right_logical3A_668 = vector.broadcast %shift_right_logical3A_667 : i32 to vector<16xi32>
      %shift_right_logical3A_669 = arith.shrui %get3A_666, %shift_right_logical3A_668 : vector<16xi32>
      %and3A_670 = arith.constant 127 : i32
      %and3A_671 = vector.broadcast %and3A_670 : i32 to vector<16xi32>
      %and3A_672 = arith.andi %get3A_666, %and3A_671 : vector<16xi32>
      tpu.vector_store_idx %arg9[%shift_right_logical3A_669, %and3A_672], %broadcast_in_dim3A_52 {add = true} : memref<80x128xf32, #tpu.memory_space<vmem>>[vector<16xi32>, vector<16xi32>], vector<16xf32>,
      %get3A_673 = arith.constant 4 : i32
      %get3A_674 = arith.index_cast %rem3A_72 : i32 to index
      %get3A_675 = arith.index_cast %get3A_673 : i32 to index
      %get3A_676 = arith.constant 32 : index
      %get3A_677 = tpu.vector_load %arg7[%get3A_674, %get3A_675, %get3A_676] {strides = array<i32>} : memref<2x8x128xi32, #tpu.memory_space<vmem>>, vector<16xi32>,
      %shift_right_logical3A_678 = arith.constant 7 : i32
      %shift_right_logical3A_679 = vector.broadcast %shift_right_logical3A_678 : i32 to vector<16xi32>
      %shift_right_logical3A_680 = arith.shrui %get3A_677, %shift_right_logical3A_679 : vector<16xi32>
      %and3A_681 = arith.constant 127 : i32
      %and3A_682 = vector.broadcast %and3A_681 : i32 to vector<16xi32>
      %and3A_683 = arith.andi %get3A_677, %and3A_682 : vector<16xi32>
      tpu.vector_store_idx %arg9[%shift_right_logical3A_680, %and3A_683], %broadcast_in_dim3A_52 {add = true} : memref<80x128xf32, #tpu.memory_space<vmem>>[vector<16xi32>, vector<16xi32>], vector<16xf32>,
      %get3A_684 = arith.constant 4 : i32
      %get3A_685 = arith.index_cast %rem3A_72 : i32 to index
      %get3A_686 = arith.index_cast %get3A_684 : i32 to index
      %get3A_687 = arith.constant 48 : index
      %get3A_688 = tpu.vector_load %arg7[%get3A_685, %get3A_686, %get3A_687] {strides = array<i32>} : memref<2x8x128xi32, #tpu.memory_space<vmem>>, vector<16xi32>,
      %shift_right_logical3A_689 = arith.constant 7 : i32
      %shift_right_logical3A_690 = vector.broadcast %shift_right_logical3A_689 : i32 to vector<16xi32>
      %shift_right_logical3A_691 = arith.shrui %get3A_688, %shift_right_logical3A_690 : vector<16xi32>
      %and3A_692 = arith.constant 127 : i32
      %and3A_693 = vector.broadcast %and3A_692 : i32 to vector<16xi32>
      %and3A_694 = arith.andi %get3A_688, %and3A_693 : vector<16xi32>
      tpu.vector_store_idx %arg9[%shift_right_logical3A_691, %and3A_694], %broadcast_in_dim3A_52 {add = true} : memref<80x128xf32, #tpu.memory_space<vmem>>[vector<16xi32>, vector<16xi32>], vector<16xf32>,
      %get3A_695 = arith.constant 4 : i32
      %get3A_696 = arith.index_cast %rem3A_72 : i32 to index
      %get3A_697 = arith.index_cast %get3A_695 : i32 to index
      %get3A_698 = arith.constant 64 : index
      %get3A_699 = tpu.vector_load %arg7[%get3A_696, %get3A_697, %get3A_698] {strides = array<i32>} : memref<2x8x128xi32, #tpu.memory_space<vmem>>, vector<16xi32>,
      %shift_right_logical3A_700 = arith.constant 7 : i32
      %shift_right_logical3A_701 = vector.broadcast %shift_right_logical3A_700 : i32 to vector<16xi32>
      %shift_right_logical3A_702 = arith.shrui %get3A_699, %shift_right_logical3A_701 : vector<16xi32>
      %and3A_703 = arith.constant 127 : i32
      %and3A_704 = vector.broadcast %and3A_703 : i32 to vector<16xi32>
      %and3A_705 = arith.andi %get3A_699, %and3A_704 : vector<16xi32>
      tpu.vector_store_idx %arg9[%shift_right_logical3A_702, %and3A_705], %broadcast_in_dim3A_52 {add = true} : memref<80x128xf32, #tpu.memory_space<vmem>>[vector<16xi32>, vector<16xi32>], vector<16xf32>,
      %get3A_706 = arith.constant 4 : i32
      %get3A_707 = arith.index_cast %rem3A_72 : i32 to index
      %get3A_708 = arith.index_cast %get3A_706 : i32 to index
      %get3A_709 = arith.constant 80 : index
      %get3A_710 = tpu.vector_load %arg7[%get3A_707, %get3A_708, %get3A_709] {strides = array<i32>} : memref<2x8x128xi32, #tpu.memory_space<vmem>>, vector<16xi32>,
      %shift_right_logical3A_711 = arith.constant 7 : i32
      %shift_right_logical3A_712 = vector.broadcast %shift_right_logical3A_711 : i32 to vector<16xi32>
      %shift_right_logical3A_713 = arith.shrui %get3A_710, %shift_right_logical3A_712 : vector<16xi32>
      %and3A_714 = arith.constant 127 : i32
      %and3A_715 = vector.broadcast %and3A_714 : i32 to vector<16xi32>
      %and3A_716 = arith.andi %get3A_710, %and3A_715 : vector<16xi32>
      tpu.vector_store_idx %arg9[%shift_right_logical3A_713, %and3A_716], %broadcast_in_dim3A_52 {add = true} : memref<80x128xf32, #tpu.memory_space<vmem>>[vector<16xi32>, vector<16xi32>], vector<16xf32>,
      %get3A_717 = arith.constant 4 : i32
      %get3A_718 = arith.index_cast %rem3A_72 : i32 to index
      %get3A_719 = arith.index_cast %get3A_717 : i32 to index
      %get3A_720 = arith.constant 96 : index
      %get3A_721 = tpu.vector_load %arg7[%get3A_718, %get3A_719, %get3A_720] {strides = array<i32>} : memref<2x8x128xi32, #tpu.memory_space<vmem>>, vector<16xi32>,
      %shift_right_logical3A_722 = arith.constant 7 : i32
      %shift_right_logical3A_723 = vector.broadcast %shift_right_logical3A_722 : i32 to vector<16xi32>
      %shift_right_logical3A_724 = arith.shrui %get3A_721, %shift_right_logical3A_723 : vector<16xi32>
      %and3A_725 = arith.constant 127 : i32
      %and3A_726 = vector.broadcast %and3A_725 : i32 to vector<16xi32>
      %and3A_727 = arith.andi %get3A_721, %and3A_726 : vector<16xi32>
      tpu.vector_store_idx %arg9[%shift_right_logical3A_724, %and3A_727], %broadcast_in_dim3A_52 {add = true} : memref<80x128xf32, #tpu.memory_space<vmem>>[vector<16xi32>, vector<16xi32>], vector<16xf32>,
      %get3A_728 = arith.constant 4 : i32
      %get3A_729 = arith.index_cast %rem3A_72 : i32 to index
      %get3A_730 = arith.index_cast %get3A_728 : i32 to index
      %get3A_731 = arith.constant 112 : index
      %get3A_732 = tpu.vector_load %arg7[%get3A_729, %get3A_730, %get3A_731] {strides = array<i32>} : memref<2x8x128xi32, #tpu.memory_space<vmem>>, vector<16xi32>,
      %shift_right_logical3A_733 = arith.constant 7 : i32
      %shift_right_logical3A_734 = vector.broadcast %shift_right_logical3A_733 : i32 to vector<16xi32>
      %shift_right_logical3A_735 = arith.shrui %get3A_732, %shift_right_logical3A_734 : vector<16xi32>
      %and3A_736 = arith.constant 127 : i32
      %and3A_737 = vector.broadcast %and3A_736 : i32 to vector<16xi32>
      %and3A_738 = arith.andi %get3A_732, %and3A_737 : vector<16xi32>
      tpu.vector_store_idx %arg9[%shift_right_logical3A_735, %and3A_738], %broadcast_in_dim3A_52 {add = true} : memref<80x128xf32, #tpu.memory_space<vmem>>[vector<16xi32>, vector<16xi32>], vector<16xf32>,
      %dma_wait3A_739 = arith.constant 4 : i32
      %dma_wait3A_740 = arith.constant 0 : i32
      %dma_wait3A_741 = arith.constant 0 : i32
      %dma_wait3A_742 = arith.constant 0 : i32
      %dma_wait3A_743 = tpu.memref_slice %arg8[%dma_wait3A_740, %dma_wait3A_741, %dma_wait3A_742] : memref<2x128x128xf32, #tpu.memory_space<vmem>> -> memref<1x128x128xf32, #tpu.memory_space<vmem>>
      %dma_wait3A_744 = tpu.memref_squeeze %dma_wait3A_743 : memref<1x128x128xf32, #tpu.memory_space<vmem>> -> memref<128x128xf32, #tpu.memory_space<vmem>>
      %dma_wait3A_745 = arith.constant 0 : i32
      %dma_wait3A_746 = tpu.memref_slice %arg6[%rem3A_72, %dma_wait3A_739, %dma_wait3A_745] : memref<2x8x128xi32, #tpu.memory_space<vmem>> -> memref<1x1x128xi32, #tpu.memory_space<vmem>>
      %dma_wait3A_747 = tpu.memref_squeeze %dma_wait3A_746 : memref<1x1x128xi32, #tpu.memory_space<vmem>> -> memref<128xi32, #tpu.memory_space<vmem>>
      %dma_wait3A_748 = arith.constant 0 : i32
      %dma_wait3A_749 = arith.constant 0 : i32
      %dma_wait3A_750 = tpu.memref_slice %arg2[%dma_wait3A_748, %dma_wait3A_749] : memref<10400x128xf32, #tpu.memory_space<hbm>> -> memref<10400x128xf32, #tpu.memory_space<hbm>>
      tpu.wait_indirect_dma semaphore(%arg12 : memref<!tpu.dma_semaphore, #tpu.memory_space<semaphore_mem>>) src(%dma_wait3A_750 : memref<10400x128xf32, #tpu.memory_space<hbm>>) dst(%dma_wait3A_744 : memref<128x128xf32, #tpu.memory_space<vmem>>)
      %dma_start3A_751 = arith.constant 0 : i32
      %dma_start3A_752 = arith.constant 4 : i32
      %dma_start3A_753 = arith.constant 0 : i32
      %dma_start3A_754 = arith.constant 0 : i32
      %dma_start3A_755 = tpu.memref_slice %arg8[%dma_start3A_751, %dma_start3A_753, %dma_start3A_754] : memref<2x128x128xf32, #tpu.memory_space<vmem>> -> memref<1x128x128xf32, #tpu.memory_space<vmem>>
      %dma_start3A_756 = tpu.memref_squeeze %dma_start3A_755 : memref<1x128x128xf32, #tpu.memory_space<vmem>> -> memref<128x128xf32, #tpu.memory_space<vmem>>
      %dma_start3A_757 = arith.constant 0 : i32
      %dma_start3A_758 = tpu.memref_slice %arg7[%rem3A_72, %dma_start3A_752, %dma_start3A_757] : memref<2x8x128xi32, #tpu.memory_space<vmem>> -> memref<1x1x128xi32, #tpu.memory_space<vmem>>
      %dma_start3A_759 = tpu.memref_squeeze %dma_start3A_758 : memref<1x1x128xi32, #tpu.memory_space<vmem>> -> memref<128xi32, #tpu.memory_space<vmem>>
      %dma_start3A_760 = arith.constant 0 : i32
      %dma_start3A_761 = arith.constant 0 : i32
      %dma_start3A_762 = tpu.memref_slice %arg15[%dma_start3A_760, %dma_start3A_761] : memref<10240x128xf32, #tpu.memory_space<vmem_shared>> -> memref<10240x128xf32, #tpu.memory_space<vmem_shared>>
      tpu.enqueue_indirect_dma source(%dma_start3A_756 : memref<128x128xf32, #tpu.memory_space<vmem>>) target(%dma_start3A_762 : memref<10240x128xf32, #tpu.memory_space<vmem_shared>>) offsets(%dma_start3A_759 : memref<128xi32, #tpu.memory_space<vmem>>) semaphore(%arg13 : memref<!tpu.dma_semaphore, #tpu.memory_space<semaphore_mem>>) {add = true}
      %dma_wait3A_763 = arith.constant 1 : i32
      %dma_wait3A_764 = arith.constant 3 : i32
      %dma_wait3A_765 = arith.constant 0 : i32
      %dma_wait3A_766 = arith.constant 0 : i32
      %dma_wait3A_767 = tpu.memref_slice %arg8[%dma_wait3A_763, %dma_wait3A_765, %dma_wait3A_766] : memref<2x128x128xf32, #tpu.memory_space<vmem>> -> memref<1x128x128xf32, #tpu.memory_space<vmem>>
      %dma_wait3A_768 = tpu.memref_squeeze %dma_wait3A_767 : memref<1x128x128xf32, #tpu.memory_space<vmem>> -> memref<128x128xf32, #tpu.memory_space<vmem>>
      %dma_wait3A_769 = arith.constant 0 : i32
      %dma_wait3A_770 = tpu.memref_slice %arg7[%rem3A_72, %dma_wait3A_764, %dma_wait3A_769] : memref<2x8x128xi32, #tpu.memory_space<vmem>> -> memref<1x1x128xi32, #tpu.memory_space<vmem>>
      %dma_wait3A_771 = tpu.memref_squeeze %dma_wait3A_770 : memref<1x1x128xi32, #tpu.memory_space<vmem>> -> memref<128xi32, #tpu.memory_space<vmem>>
      %dma_wait3A_772 = arith.constant 0 : i32
      %dma_wait3A_773 = arith.constant 0 : i32
      %dma_wait3A_774 = tpu.memref_slice %arg15[%dma_wait3A_772, %dma_wait3A_773] : memref<10240x128xf32, #tpu.memory_space<vmem_shared>> -> memref<10240x128xf32, #tpu.memory_space<vmem_shared>>
      tpu.wait_indirect_dma semaphore(%arg13 : memref<!tpu.dma_semaphore, #tpu.memory_space<semaphore_mem>>) src(%dma_wait3A_768 : memref<128x128xf32, #tpu.memory_space<vmem>>) dst(%dma_wait3A_774 : memref<10240x128xf32, #tpu.memory_space<vmem_shared>>)
      %dma_start3A_775 = arith.constant 5 : i32
      %dma_start3A_776 = arith.constant 1 : i32
      %dma_start3A_777 = arith.constant 0 : i32
      %dma_start3A_778 = arith.constant 0 : i32
      %dma_start3A_779 = tpu.memref_slice %arg8[%dma_start3A_776, %dma_start3A_777, %dma_start3A_778] : memref<2x128x128xf32, #tpu.memory_space<vmem>> -> memref<1x128x128xf32, #tpu.memory_space<vmem>>
      %dma_start3A_780 = tpu.memref_squeeze %dma_start3A_779 : memref<1x128x128xf32, #tpu.memory_space<vmem>> -> memref<128x128xf32, #tpu.memory_space<vmem>>
      %dma_start3A_781 = arith.constant 0 : i32
      %dma_start3A_782 = tpu.memref_slice %arg6[%rem3A_72, %dma_start3A_775, %dma_start3A_781] : memref<2x8x128xi32, #tpu.memory_space<vmem>> -> memref<1x1x128xi32, #tpu.memory_space<vmem>>
      %dma_start3A_783 = tpu.memref_squeeze %dma_start3A_782 : memref<1x1x128xi32, #tpu.memory_space<vmem>> -> memref<128xi32, #tpu.memory_space<vmem>>
      %dma_start3A_784 = arith.constant 0 : i32
      %dma_start3A_785 = arith.constant 0 : i32
      %dma_start3A_786 = tpu.memref_slice %arg2[%dma_start3A_784, %dma_start3A_785] : memref<10400x128xf32, #tpu.memory_space<hbm>> -> memref<10400x128xf32, #tpu.memory_space<hbm>>
      tpu.enqueue_indirect_dma source(%dma_start3A_786 : memref<10400x128xf32, #tpu.memory_space<hbm>>) target(%dma_start3A_780 : memref<128x128xf32, #tpu.memory_space<vmem>>) offsets(%dma_start3A_783 : memref<128xi32, #tpu.memory_space<vmem>>) semaphore(%arg12 : memref<!tpu.dma_semaphore, #tpu.memory_space<semaphore_mem>>)
      %get3A_787 = arith.constant 5 : i32
      %get3A_788 = arith.index_cast %rem3A_72 : i32 to index
      %get3A_789 = arith.index_cast %get3A_787 : i32 to index
      %get3A_790 = arith.constant 0 : index
      %get3A_791 = tpu.vector_load %arg7[%get3A_788, %get3A_789, %get3A_790] {strides = array<i32>} : memref<2x8x128xi32, #tpu.memory_space<vmem>>, vector<16xi32>,
      %shift_right_logical3A_792 = arith.constant 7 : i32
      %shift_right_logical3A_793 = vector.broadcast %shift_right_logical3A_792 : i32 to vector<16xi32>
      %shift_right_logical3A_794 = arith.shrui %get3A_791, %shift_right_logical3A_793 : vector<16xi32>
      %and3A_795 = arith.constant 127 : i32
      %and3A_796 = vector.broadcast %and3A_795 : i32 to vector<16xi32>
      %and3A_797 = arith.andi %get3A_791, %and3A_796 : vector<16xi32>
      tpu.vector_store_idx %arg9[%shift_right_logical3A_794, %and3A_797], %broadcast_in_dim3A_52 {add = true} : memref<80x128xf32, #tpu.memory_space<vmem>>[vector<16xi32>, vector<16xi32>], vector<16xf32>,
      %get3A_798 = arith.constant 5 : i32
      %get3A_799 = arith.index_cast %rem3A_72 : i32 to index
      %get3A_800 = arith.index_cast %get3A_798 : i32 to index
      %get3A_801 = arith.constant 16 : index
      %get3A_802 = tpu.vector_load %arg7[%get3A_799, %get3A_800, %get3A_801] {strides = array<i32>} : memref<2x8x128xi32, #tpu.memory_space<vmem>>, vector<16xi32>,
      %shift_right_logical3A_803 = arith.constant 7 : i32
      %shift_right_logical3A_804 = vector.broadcast %shift_right_logical3A_803 : i32 to vector<16xi32>
      %shift_right_logical3A_805 = arith.shrui %get3A_802, %shift_right_logical3A_804 : vector<16xi32>
      %and3A_806 = arith.constant 127 : i32
      %and3A_807 = vector.broadcast %and3A_806 : i32 to vector<16xi32>
      %and3A_808 = arith.andi %get3A_802, %and3A_807 : vector<16xi32>
      tpu.vector_store_idx %arg9[%shift_right_logical3A_805, %and3A_808], %broadcast_in_dim3A_52 {add = true} : memref<80x128xf32, #tpu.memory_space<vmem>>[vector<16xi32>, vector<16xi32>], vector<16xf32>,
      %get3A_809 = arith.constant 5 : i32
      %get3A_810 = arith.index_cast %rem3A_72 : i32 to index
      %get3A_811 = arith.index_cast %get3A_809 : i32 to index
      %get3A_812 = arith.constant 32 : index
      %get3A_813 = tpu.vector_load %arg7[%get3A_810, %get3A_811, %get3A_812] {strides = array<i32>} : memref<2x8x128xi32, #tpu.memory_space<vmem>>, vector<16xi32>,
      %shift_right_logical3A_814 = arith.constant 7 : i32
      %shift_right_logical3A_815 = vector.broadcast %shift_right_logical3A_814 : i32 to vector<16xi32>
      %shift_right_logical3A_816 = arith.shrui %get3A_813, %shift_right_logical3A_815 : vector<16xi32>
      %and3A_817 = arith.constant 127 : i32
      %and3A_818 = vector.broadcast %and3A_817 : i32 to vector<16xi32>
      %and3A_819 = arith.andi %get3A_813, %and3A_818 : vector<16xi32>
      tpu.vector_store_idx %arg9[%shift_right_logical3A_816, %and3A_819], %broadcast_in_dim3A_52 {add = true} : memref<80x128xf32, #tpu.memory_space<vmem>>[vector<16xi32>, vector<16xi32>], vector<16xf32>,
      %get3A_820 = arith.constant 5 : i32
      %get3A_821 = arith.index_cast %rem3A_72 : i32 to index
      %get3A_822 = arith.index_cast %get3A_820 : i32 to index
      %get3A_823 = arith.constant 48 : index
      %get3A_824 = tpu.vector_load %arg7[%get3A_821, %get3A_822, %get3A_823] {strides = array<i32>} : memref<2x8x128xi32, #tpu.memory_space<vmem>>, vector<16xi32>,
      %shift_right_logical3A_825 = arith.constant 7 : i32
      %shift_right_logical3A_826 = vector.broadcast %shift_right_logical3A_825 : i32 to vector<16xi32>
      %shift_right_logical3A_827 = arith.shrui %get3A_824, %shift_right_logical3A_826 : vector<16xi32>
      %and3A_828 = arith.constant 127 : i32
      %and3A_829 = vector.broadcast %and3A_828 : i32 to vector<16xi32>
      %and3A_830 = arith.andi %get3A_824, %and3A_829 : vector<16xi32>
      tpu.vector_store_idx %arg9[%shift_right_logical3A_827, %and3A_830], %broadcast_in_dim3A_52 {add = true} : memref<80x128xf32, #tpu.memory_space<vmem>>[vector<16xi32>, vector<16xi32>], vector<16xf32>,
      %get3A_831 = arith.constant 5 : i32
      %get3A_832 = arith.index_cast %rem3A_72 : i32 to index
      %get3A_833 = arith.index_cast %get3A_831 : i32 to index
      %get3A_834 = arith.constant 64 : index
      %get3A_835 = tpu.vector_load %arg7[%get3A_832, %get3A_833, %get3A_834] {strides = array<i32>} : memref<2x8x128xi32, #tpu.memory_space<vmem>>, vector<16xi32>,
      %shift_right_logical3A_836 = arith.constant 7 : i32
      %shift_right_logical3A_837 = vector.broadcast %shift_right_logical3A_836 : i32 to vector<16xi32>
      %shift_right_logical3A_838 = arith.shrui %get3A_835, %shift_right_logical3A_837 : vector<16xi32>
      %and3A_839 = arith.constant 127 : i32
      %and3A_840 = vector.broadcast %and3A_839 : i32 to vector<16xi32>
      %and3A_841 = arith.andi %get3A_835, %and3A_840 : vector<16xi32>
      tpu.vector_store_idx %arg9[%shift_right_logical3A_838, %and3A_841], %broadcast_in_dim3A_52 {add = true} : memref<80x128xf32, #tpu.memory_space<vmem>>[vector<16xi32>, vector<16xi32>], vector<16xf32>,
      %get3A_842 = arith.constant 5 : i32
      %get3A_843 = arith.index_cast %rem3A_72 : i32 to index
      %get3A_844 = arith.index_cast %get3A_842 : i32 to index
      %get3A_845 = arith.constant 80 : index
      %get3A_846 = tpu.vector_load %arg7[%get3A_843, %get3A_844, %get3A_845] {strides = array<i32>} : memref<2x8x128xi32, #tpu.memory_space<vmem>>, vector<16xi32>,
      %shift_right_logical3A_847 = arith.constant 7 : i32
      %shift_right_logical3A_848 = vector.broadcast %shift_right_logical3A_847 : i32 to vector<16xi32>
      %shift_right_logical3A_849 = arith.shrui %get3A_846, %shift_right_logical3A_848 : vector<16xi32>
      %and3A_850 = arith.constant 127 : i32
      %and3A_851 = vector.broadcast %and3A_850 : i32 to vector<16xi32>
      %and3A_852 = arith.andi %get3A_846, %and3A_851 : vector<16xi32>
      tpu.vector_store_idx %arg9[%shift_right_logical3A_849, %and3A_852], %broadcast_in_dim3A_52 {add = true} : memref<80x128xf32, #tpu.memory_space<vmem>>[vector<16xi32>, vector<16xi32>], vector<16xf32>,
      %get3A_853 = arith.constant 5 : i32
      %get3A_854 = arith.index_cast %rem3A_72 : i32 to index
      %get3A_855 = arith.index_cast %get3A_853 : i32 to index
      %get3A_856 = arith.constant 96 : index
      %get3A_857 = tpu.vector_load %arg7[%get3A_854, %get3A_855, %get3A_856] {strides = array<i32>} : memref<2x8x128xi32, #tpu.memory_space<vmem>>, vector<16xi32>,
      %shift_right_logical3A_858 = arith.constant 7 : i32
      %shift_right_logical3A_859 = vector.broadcast %shift_right_logical3A_858 : i32 to vector<16xi32>
      %shift_right_logical3A_860 = arith.shrui %get3A_857, %shift_right_logical3A_859 : vector<16xi32>
      %and3A_861 = arith.constant 127 : i32
      %and3A_862 = vector.broadcast %and3A_861 : i32 to vector<16xi32>
      %and3A_863 = arith.andi %get3A_857, %and3A_862 : vector<16xi32>
      tpu.vector_store_idx %arg9[%shift_right_logical3A_860, %and3A_863], %broadcast_in_dim3A_52 {add = true} : memref<80x128xf32, #tpu.memory_space<vmem>>[vector<16xi32>, vector<16xi32>], vector<16xf32>,
      %get3A_864 = arith.constant 5 : i32
      %get3A_865 = arith.index_cast %rem3A_72 : i32 to index
      %get3A_866 = arith.index_cast %get3A_864 : i32 to index
      %get3A_867 = arith.constant 112 : index
      %get3A_868 = tpu.vector_load %arg7[%get3A_865, %get3A_866, %get3A_867] {strides = array<i32>} : memref<2x8x128xi32, #tpu.memory_space<vmem>>, vector<16xi32>,
      %shift_right_logical3A_869 = arith.constant 7 : i32
      %shift_right_logical3A_870 = vector.broadcast %shift_right_logical3A_869 : i32 to vector<16xi32>
      %shift_right_logical3A_871 = arith.shrui %get3A_868, %shift_right_logical3A_870 : vector<16xi32>
      %and3A_872 = arith.constant 127 : i32
      %and3A_873 = vector.broadcast %and3A_872 : i32 to vector<16xi32>
      %and3A_874 = arith.andi %get3A_868, %and3A_873 : vector<16xi32>
      tpu.vector_store_idx %arg9[%shift_right_logical3A_871, %and3A_874], %broadcast_in_dim3A_52 {add = true} : memref<80x128xf32, #tpu.memory_space<vmem>>[vector<16xi32>, vector<16xi32>], vector<16xf32>,
      %dma_wait3A_875 = arith.constant 5 : i32
      %dma_wait3A_876 = arith.constant 1 : i32
      %dma_wait3A_877 = arith.constant 0 : i32
      %dma_wait3A_878 = arith.constant 0 : i32
      %dma_wait3A_879 = tpu.memref_slice %arg8[%dma_wait3A_876, %dma_wait3A_877, %dma_wait3A_878] : memref<2x128x128xf32, #tpu.memory_space<vmem>> -> memref<1x128x128xf32, #tpu.memory_space<vmem>>
      %dma_wait3A_880 = tpu.memref_squeeze %dma_wait3A_879 : memref<1x128x128xf32, #tpu.memory_space<vmem>> -> memref<128x128xf32, #tpu.memory_space<vmem>>
      %dma_wait3A_881 = arith.constant 0 : i32
      %dma_wait3A_882 = tpu.memref_slice %arg6[%rem3A_72, %dma_wait3A_875, %dma_wait3A_881] : memref<2x8x128xi32, #tpu.memory_space<vmem>> -> memref<1x1x128xi32, #tpu.memory_space<vmem>>
      %dma_wait3A_883 = tpu.memref_squeeze %dma_wait3A_882 : memref<1x1x128xi32, #tpu.memory_space<vmem>> -> memref<128xi32, #tpu.memory_space<vmem>>
      %dma_wait3A_884 = arith.constant 0 : i32
      %dma_wait3A_885 = arith.constant 0 : i32
      %dma_wait3A_886 = tpu.memref_slice %arg2[%dma_wait3A_884, %dma_wait3A_885] : memref<10400x128xf32, #tpu.memory_space<hbm>> -> memref<10400x128xf32, #tpu.memory_space<hbm>>
      tpu.wait_indirect_dma semaphore(%arg12 : memref<!tpu.dma_semaphore, #tpu.memory_space<semaphore_mem>>) src(%dma_wait3A_886 : memref<10400x128xf32, #tpu.memory_space<hbm>>) dst(%dma_wait3A_880 : memref<128x128xf32, #tpu.memory_space<vmem>>)
      %dma_start3A_887 = arith.constant 1 : i32
      %dma_start3A_888 = arith.constant 5 : i32
      %dma_start3A_889 = arith.constant 0 : i32
      %dma_start3A_890 = arith.constant 0 : i32
      %dma_start3A_891 = tpu.memref_slice %arg8[%dma_start3A_887, %dma_start3A_889, %dma_start3A_890] : memref<2x128x128xf32, #tpu.memory_space<vmem>> -> memref<1x128x128xf32, #tpu.memory_space<vmem>>
      %dma_start3A_892 = tpu.memref_squeeze %dma_start3A_891 : memref<1x128x128xf32, #tpu.memory_space<vmem>> -> memref<128x128xf32, #tpu.memory_space<vmem>>
      %dma_start3A_893 = arith.constant 0 : i32
      %dma_start3A_894 = tpu.memref_slice %arg7[%rem3A_72, %dma_start3A_888, %dma_start3A_893] : memref<2x8x128xi32, #tpu.memory_space<vmem>> -> memref<1x1x128xi32, #tpu.memory_space<vmem>>
      %dma_start3A_895 = tpu.memref_squeeze %dma_start3A_894 : memref<1x1x128xi32, #tpu.memory_space<vmem>> -> memref<128xi32, #tpu.memory_space<vmem>>
      %dma_start3A_896 = arith.constant 0 : i32
      %dma_start3A_897 = arith.constant 0 : i32
      %dma_start3A_898 = tpu.memref_slice %arg15[%dma_start3A_896, %dma_start3A_897] : memref<10240x128xf32, #tpu.memory_space<vmem_shared>> -> memref<10240x128xf32, #tpu.memory_space<vmem_shared>>
      tpu.enqueue_indirect_dma source(%dma_start3A_892 : memref<128x128xf32, #tpu.memory_space<vmem>>) target(%dma_start3A_898 : memref<10240x128xf32, #tpu.memory_space<vmem_shared>>) offsets(%dma_start3A_895 : memref<128xi32, #tpu.memory_space<vmem>>) semaphore(%arg13 : memref<!tpu.dma_semaphore, #tpu.memory_space<semaphore_mem>>) {add = true}
      %dma_wait3A_899 = arith.constant 0 : i32
      %dma_wait3A_900 = arith.constant 4 : i32
      %dma_wait3A_901 = arith.constant 0 : i32
      %dma_wait3A_902 = arith.constant 0 : i32
      %dma_wait3A_903 = tpu.memref_slice %arg8[%dma_wait3A_899, %dma_wait3A_901, %dma_wait3A_902] : memref<2x128x128xf32, #tpu.memory_space<vmem>> -> memref<1x128x128xf32, #tpu.memory_space<vmem>>
      %dma_wait3A_904 = tpu.memref_squeeze %dma_wait3A_903 : memref<1x128x128xf32, #tpu.memory_space<vmem>> -> memref<128x128xf32, #tpu.memory_space<vmem>>
      %dma_wait3A_905 = arith.constant 0 : i32
      %dma_wait3A_906 = tpu.memref_slice %arg7[%rem3A_72, %dma_wait3A_900, %dma_wait3A_905] : memref<2x8x128xi32, #tpu.memory_space<vmem>> -> memref<1x1x128xi32, #tpu.memory_space<vmem>>
      %dma_wait3A_907 = tpu.memref_squeeze %dma_wait3A_906 : memref<1x1x128xi32, #tpu.memory_space<vmem>> -> memref<128xi32, #tpu.memory_space<vmem>>
      %dma_wait3A_908 = arith.constant 0 : i32
      %dma_wait3A_909 = arith.constant 0 : i32
      %dma_wait3A_910 = tpu.memref_slice %arg15[%dma_wait3A_908, %dma_wait3A_909] : memref<10240x128xf32, #tpu.memory_space<vmem_shared>> -> memref<10240x128xf32, #tpu.memory_space<vmem_shared>>
      tpu.wait_indirect_dma semaphore(%arg13 : memref<!tpu.dma_semaphore, #tpu.memory_space<semaphore_mem>>) src(%dma_wait3A_904 : memref<128x128xf32, #tpu.memory_space<vmem>>) dst(%dma_wait3A_910 : memref<10240x128xf32, #tpu.memory_space<vmem_shared>>)
      %dma_start3A_911 = arith.constant 6 : i32
      %dma_start3A_912 = arith.constant 0 : i32
      %dma_start3A_913 = arith.constant 0 : i32
      %dma_start3A_914 = arith.constant 0 : i32
      %dma_start3A_915 = tpu.memref_slice %arg8[%dma_start3A_912, %dma_start3A_913, %dma_start3A_914] : memref<2x128x128xf32, #tpu.memory_space<vmem>> -> memref<1x128x128xf32, #tpu.memory_space<vmem>>
      %dma_start3A_916 = tpu.memref_squeeze %dma_start3A_915 : memref<1x128x128xf32, #tpu.memory_space<vmem>> -> memref<128x128xf32, #tpu.memory_space<vmem>>
      %dma_start3A_917 = arith.constant 0 : i32
      %dma_start3A_918 = tpu.memref_slice %arg6[%rem3A_72, %dma_start3A_911, %dma_start3A_917] : memref<2x8x128xi32, #tpu.memory_space<vmem>> -> memref<1x1x128xi32, #tpu.memory_space<vmem>>
      %dma_start3A_919 = tpu.memref_squeeze %dma_start3A_918 : memref<1x1x128xi32, #tpu.memory_space<vmem>> -> memref<128xi32, #tpu.memory_space<vmem>>
      %dma_start3A_920 = arith.constant 0 : i32
      %dma_start3A_921 = arith.constant 0 : i32
      %dma_start3A_922 = tpu.memref_slice %arg2[%dma_start3A_920, %dma_start3A_921] : memref<10400x128xf32, #tpu.memory_space<hbm>> -> memref<10400x128xf32, #tpu.memory_space<hbm>>
      tpu.enqueue_indirect_dma source(%dma_start3A_922 : memref<10400x128xf32, #tpu.memory_space<hbm>>) target(%dma_start3A_916 : memref<128x128xf32, #tpu.memory_space<vmem>>) offsets(%dma_start3A_919 : memref<128xi32, #tpu.memory_space<vmem>>) semaphore(%arg12 : memref<!tpu.dma_semaphore, #tpu.memory_space<semaphore_mem>>)
      %get3A_923 = arith.constant 6 : i32
      %get3A_924 = arith.index_cast %rem3A_72 : i32 to index
      %get3A_925 = arith.index_cast %get3A_923 : i32 to index
      %get3A_926 = arith.constant 0 : index
      %get3A_927 = tpu.vector_load %arg7[%get3A_924, %get3A_925, %get3A_926] {strides = array<i32>} : memref<2x8x128xi32, #tpu.memory_space<vmem>>, vector<16xi32>,
      %shift_right_logical3A_928 = arith.constant 7 : i32
      %shift_right_logical3A_929 = vector.broadcast %shift_right_logical3A_928 : i32 to vector<16xi32>
      %shift_right_logical3A_930 = arith.shrui %get3A_927, %shift_right_logical3A_929 : vector<16xi32>
      %and3A_931 = arith.constant 127 : i32
      %and3A_932 = vector.broadcast %and3A_931 : i32 to vector<16xi32>
      %and3A_933 = arith.andi %get3A_927, %and3A_932 : vector<16xi32>
      tpu.vector_store_idx %arg9[%shift_right_logical3A_930, %and3A_933], %broadcast_in_dim3A_52 {add = true} : memref<80x128xf32, #tpu.memory_space<vmem>>[vector<16xi32>, vector<16xi32>], vector<16xf32>,
      %get3A_934 = arith.constant 6 : i32
      %get3A_935 = arith.index_cast %rem3A_72 : i32 to index
      %get3A_936 = arith.index_cast %get3A_934 : i32 to index
      %get3A_937 = arith.constant 16 : index
      %get3A_938 = tpu.vector_load %arg7[%get3A_935, %get3A_936, %get3A_937] {strides = array<i32>} : memref<2x8x128xi32, #tpu.memory_space<vmem>>, vector<16xi32>,
      %shift_right_logical3A_939 = arith.constant 7 : i32
      %shift_right_logical3A_940 = vector.broadcast %shift_right_logical3A_939 : i32 to vector<16xi32>
      %shift_right_logical3A_941 = arith.shrui %get3A_938, %shift_right_logical3A_940 : vector<16xi32>
      %and3A_942 = arith.constant 127 : i32
      %and3A_943 = vector.broadcast %and3A_942 : i32 to vector<16xi32>
      %and3A_944 = arith.andi %get3A_938, %and3A_943 : vector<16xi32>
      tpu.vector_store_idx %arg9[%shift_right_logical3A_941, %and3A_944], %broadcast_in_dim3A_52 {add = true} : memref<80x128xf32, #tpu.memory_space<vmem>>[vector<16xi32>, vector<16xi32>], vector<16xf32>,
      %get3A_945 = arith.constant 6 : i32
      %get3A_946 = arith.index_cast %rem3A_72 : i32 to index
      %get3A_947 = arith.index_cast %get3A_945 : i32 to index
      %get3A_948 = arith.constant 32 : index
      %get3A_949 = tpu.vector_load %arg7[%get3A_946, %get3A_947, %get3A_948] {strides = array<i32>} : memref<2x8x128xi32, #tpu.memory_space<vmem>>, vector<16xi32>,
      %shift_right_logical3A_950 = arith.constant 7 : i32
      %shift_right_logical3A_951 = vector.broadcast %shift_right_logical3A_950 : i32 to vector<16xi32>
      %shift_right_logical3A_952 = arith.shrui %get3A_949, %shift_right_logical3A_951 : vector<16xi32>
      %and3A_953 = arith.constant 127 : i32
      %and3A_954 = vector.broadcast %and3A_953 : i32 to vector<16xi32>
      %and3A_955 = arith.andi %get3A_949, %and3A_954 : vector<16xi32>
      tpu.vector_store_idx %arg9[%shift_right_logical3A_952, %and3A_955], %broadcast_in_dim3A_52 {add = true} : memref<80x128xf32, #tpu.memory_space<vmem>>[vector<16xi32>, vector<16xi32>], vector<16xf32>,
      %get3A_956 = arith.constant 6 : i32
      %get3A_957 = arith.index_cast %rem3A_72 : i32 to index
      %get3A_958 = arith.index_cast %get3A_956 : i32 to index
      %get3A_959 = arith.constant 48 : index
      %get3A_960 = tpu.vector_load %arg7[%get3A_957, %get3A_958, %get3A_959] {strides = array<i32>} : memref<2x8x128xi32, #tpu.memory_space<vmem>>, vector<16xi32>,
      %shift_right_logical3A_961 = arith.constant 7 : i32
      %shift_right_logical3A_962 = vector.broadcast %shift_right_logical3A_961 : i32 to vector<16xi32>
      %shift_right_logical3A_963 = arith.shrui %get3A_960, %shift_right_logical3A_962 : vector<16xi32>
      %and3A_964 = arith.constant 127 : i32
      %and3A_965 = vector.broadcast %and3A_964 : i32 to vector<16xi32>
      %and3A_966 = arith.andi %get3A_960, %and3A_965 : vector<16xi32>
      tpu.vector_store_idx %arg9[%shift_right_logical3A_963, %and3A_966], %broadcast_in_dim3A_52 {add = true} : memref<80x128xf32, #tpu.memory_space<vmem>>[vector<16xi32>, vector<16xi32>], vector<16xf32>,
      %get3A_967 = arith.constant 6 : i32
      %get3A_968 = arith.index_cast %rem3A_72 : i32 to index
      %get3A_969 = arith.index_cast %get3A_967 : i32 to index
      %get3A_970 = arith.constant 64 : index
      %get3A_971 = tpu.vector_load %arg7[%get3A_968, %get3A_969, %get3A_970] {strides = array<i32>} : memref<2x8x128xi32, #tpu.memory_space<vmem>>, vector<16xi32>,
      %shift_right_logical3A_972 = arith.constant 7 : i32
      %shift_right_logical3A_973 = vector.broadcast %shift_right_logical3A_972 : i32 to vector<16xi32>
      %shift_right_logical3A_974 = arith.shrui %get3A_971, %shift_right_logical3A_973 : vector<16xi32>
      %and3A_975 = arith.constant 127 : i32
      %and3A_976 = vector.broadcast %and3A_975 : i32 to vector<16xi32>
      %and3A_977 = arith.andi %get3A_971, %and3A_976 : vector<16xi32>
      tpu.vector_store_idx %arg9[%shift_right_logical3A_974, %and3A_977], %broadcast_in_dim3A_52 {add = true} : memref<80x128xf32, #tpu.memory_space<vmem>>[vector<16xi32>, vector<16xi32>], vector<16xf32>,
      %get3A_978 = arith.constant 6 : i32
      %get3A_979 = arith.index_cast %rem3A_72 : i32 to index
      %get3A_980 = arith.index_cast %get3A_978 : i32 to index
      %get3A_981 = arith.constant 80 : index
      %get3A_982 = tpu.vector_load %arg7[%get3A_979, %get3A_980, %get3A_981] {strides = array<i32>} : memref<2x8x128xi32, #tpu.memory_space<vmem>>, vector<16xi32>,
      %shift_right_logical3A_983 = arith.constant 7 : i32
      %shift_right_logical3A_984 = vector.broadcast %shift_right_logical3A_983 : i32 to vector<16xi32>
      %shift_right_logical3A_985 = arith.shrui %get3A_982, %shift_right_logical3A_984 : vector<16xi32>
      %and3A_986 = arith.constant 127 : i32
      %and3A_987 = vector.broadcast %and3A_986 : i32 to vector<16xi32>
      %and3A_988 = arith.andi %get3A_982, %and3A_987 : vector<16xi32>
      tpu.vector_store_idx %arg9[%shift_right_logical3A_985, %and3A_988], %broadcast_in_dim3A_52 {add = true} : memref<80x128xf32, #tpu.memory_space<vmem>>[vector<16xi32>, vector<16xi32>], vector<16xf32>,
      %get3A_989 = arith.constant 6 : i32
      %get3A_990 = arith.index_cast %rem3A_72 : i32 to index
      %get3A_991 = arith.index_cast %get3A_989 : i32 to index
      %get3A_992 = arith.constant 96 : index
      %get3A_993 = tpu.vector_load %arg7[%get3A_990, %get3A_991, %get3A_992] {strides = array<i32>} : memref<2x8x128xi32, #tpu.memory_space<vmem>>, vector<16xi32>,
      %shift_right_logical3A_994 = arith.constant 7 : i32
      %shift_right_logical3A_995 = vector.broadcast %shift_right_logical3A_994 : i32 to vector<16xi32>
      %shift_right_logical3A_996 = arith.shrui %get3A_993, %shift_right_logical3A_995 : vector<16xi32>
      %and3A_997 = arith.constant 127 : i32
      %and3A_998 = vector.broadcast %and3A_997 : i32 to vector<16xi32>
      %and3A_999 = arith.andi %get3A_993, %and3A_998 : vector<16xi32>
      tpu.vector_store_idx %arg9[%shift_right_logical3A_996, %and3A_999], %broadcast_in_dim3A_52 {add = true} : memref<80x128xf32, #tpu.memory_space<vmem>>[vector<16xi32>, vector<16xi32>], vector<16xf32>,
      %get3A_1000 = arith.constant 6 : i32
      %get3A_1001 = arith.index_cast %rem3A_72 : i32 to index
      %get3A_1002 = arith.index_cast %get3A_1000 : i32 to index
      %get3A_1003 = arith.constant 112 : index
      %get3A_1004 = tpu.vector_load %arg7[%get3A_1001, %get3A_1002, %get3A_1003] {strides = array<i32>} : memref<2x8x128xi32, #tpu.memory_space<vmem>>, vector<16xi32>,
      %shift_right_logical3A_1005 = arith.constant 7 : i32
      %shift_right_logical3A_1006 = vector.broadcast %shift_right_logical3A_1005 : i32 to vector<16xi32>
      %shift_right_logical3A_1007 = arith.shrui %get3A_1004, %shift_right_logical3A_1006 : vector<16xi32>
      %and3A_1008 = arith.constant 127 : i32
      %and3A_1009 = vector.broadcast %and3A_1008 : i32 to vector<16xi32>
      %and3A_1010 = arith.andi %get3A_1004, %and3A_1009 : vector<16xi32>
      tpu.vector_store_idx %arg9[%shift_right_logical3A_1007, %and3A_1010], %broadcast_in_dim3A_52 {add = true} : memref<80x128xf32, #tpu.memory_space<vmem>>[vector<16xi32>, vector<16xi32>], vector<16xf32>,
      %dma_wait3A_1011 = arith.constant 6 : i32
      %dma_wait3A_1012 = arith.constant 0 : i32
      %dma_wait3A_1013 = arith.constant 0 : i32
      %dma_wait3A_1014 = arith.constant 0 : i32
      %dma_wait3A_1015 = tpu.memref_slice %arg8[%dma_wait3A_1012, %dma_wait3A_1013, %dma_wait3A_1014] : memref<2x128x128xf32, #tpu.memory_space<vmem>> -> memref<1x128x128xf32, #tpu.memory_space<vmem>>
      %dma_wait3A_1016 = tpu.memref_squeeze %dma_wait3A_1015 : memref<1x128x128xf32, #tpu.memory_space<vmem>> -> memref<128x128xf32, #tpu.memory_space<vmem>>
      %dma_wait3A_1017 = arith.constant 0 : i32
      %dma_wait3A_1018 = tpu.memref_slice %arg6[%rem3A_72, %dma_wait3A_1011, %dma_wait3A_1017] : memref<2x8x128xi32, #tpu.memory_space<vmem>> -> memref<1x1x128xi32, #tpu.memory_space<vmem>>
      %dma_wait3A_1019 = tpu.memref_squeeze %dma_wait3A_1018 : memref<1x1x128xi32, #tpu.memory_space<vmem>> -> memref<128xi32, #tpu.memory_space<vmem>>
      %dma_wait3A_1020 = arith.constant 0 : i32
      %dma_wait3A_1021 = arith.constant 0 : i32
      %dma_wait3A_1022 = tpu.memref_slice %arg2[%dma_wait3A_1020, %dma_wait3A_1021] : memref<10400x128xf32, #tpu.memory_space<hbm>> -> memref<10400x128xf32, #tpu.memory_space<hbm>>
      tpu.wait_indirect_dma semaphore(%arg12 : memref<!tpu.dma_semaphore, #tpu.memory_space<semaphore_mem>>) src(%dma_wait3A_1022 : memref<10400x128xf32, #tpu.memory_space<hbm>>) dst(%dma_wait3A_1016 : memref<128x128xf32, #tpu.memory_space<vmem>>)
      %dma_start3A_1023 = arith.constant 0 : i32
      %dma_start3A_1024 = arith.constant 6 : i32
      %dma_start3A_1025 = arith.constant 0 : i32
      %dma_start3A_1026 = arith.constant 0 : i32
      %dma_start3A_1027 = tpu.memref_slice %arg8[%dma_start3A_1023, %dma_start3A_1025, %dma_start3A_1026] : memref<2x128x128xf32, #tpu.memory_space<vmem>> -> memref<1x128x128xf32, #tpu.memory_space<vmem>>
      %dma_start3A_1028 = tpu.memref_squeeze %dma_start3A_1027 : memref<1x128x128xf32, #tpu.memory_space<vmem>> -> memref<128x128xf32, #tpu.memory_space<vmem>>
      %dma_start3A_1029 = arith.constant 0 : i32
      %dma_start3A_1030 = tpu.memref_slice %arg7[%rem3A_72, %dma_start3A_1024, %dma_start3A_1029] : memref<2x8x128xi32, #tpu.memory_space<vmem>> -> memref<1x1x128xi32, #tpu.memory_space<vmem>>
      %dma_start3A_1031 = tpu.memref_squeeze %dma_start3A_1030 : memref<1x1x128xi32, #tpu.memory_space<vmem>> -> memref<128xi32, #tpu.memory_space<vmem>>
      %dma_start3A_1032 = arith.constant 0 : i32
      %dma_start3A_1033 = arith.constant 0 : i32
      %dma_start3A_1034 = tpu.memref_slice %arg15[%dma_start3A_1032, %dma_start3A_1033] : memref<10240x128xf32, #tpu.memory_space<vmem_shared>> -> memref<10240x128xf32, #tpu.memory_space<vmem_shared>>
      tpu.enqueue_indirect_dma source(%dma_start3A_1028 : memref<128x128xf32, #tpu.memory_space<vmem>>) target(%dma_start3A_1034 : memref<10240x128xf32, #tpu.memory_space<vmem_shared>>) offsets(%dma_start3A_1031 : memref<128xi32, #tpu.memory_space<vmem>>) semaphore(%arg13 : memref<!tpu.dma_semaphore, #tpu.memory_space<semaphore_mem>>) {add = true}
      %dma_wait3A_1035 = arith.constant 1 : i32
      %dma_wait3A_1036 = arith.constant 5 : i32
      %dma_wait3A_1037 = arith.constant 0 : i32
      %dma_wait3A_1038 = arith.constant 0 : i32
      %dma_wait3A_1039 = tpu.memref_slice %arg8[%dma_wait3A_1035, %dma_wait3A_1037, %dma_wait3A_1038] : memref<2x128x128xf32, #tpu.memory_space<vmem>> -> memref<1x128x128xf32, #tpu.memory_space<vmem>>
      %dma_wait3A_1040 = tpu.memref_squeeze %dma_wait3A_1039 : memref<1x128x128xf32, #tpu.memory_space<vmem>> -> memref<128x128xf32, #tpu.memory_space<vmem>>
      %dma_wait3A_1041 = arith.constant 0 : i32
      %dma_wait3A_1042 = tpu.memref_slice %arg7[%rem3A_72, %dma_wait3A_1036, %dma_wait3A_1041] : memref<2x8x128xi32, #tpu.memory_space<vmem>> -> memref<1x1x128xi32, #tpu.memory_space<vmem>>
      %dma_wait3A_1043 = tpu.memref_squeeze %dma_wait3A_1042 : memref<1x1x128xi32, #tpu.memory_space<vmem>> -> memref<128xi32, #tpu.memory_space<vmem>>
      %dma_wait3A_1044 = arith.constant 0 : i32
      %dma_wait3A_1045 = arith.constant 0 : i32
      %dma_wait3A_1046 = tpu.memref_slice %arg15[%dma_wait3A_1044, %dma_wait3A_1045] : memref<10240x128xf32, #tpu.memory_space<vmem_shared>> -> memref<10240x128xf32, #tpu.memory_space<vmem_shared>>
      tpu.wait_indirect_dma semaphore(%arg13 : memref<!tpu.dma_semaphore, #tpu.memory_space<semaphore_mem>>) src(%dma_wait3A_1040 : memref<128x128xf32, #tpu.memory_space<vmem>>) dst(%dma_wait3A_1046 : memref<10240x128xf32, #tpu.memory_space<vmem_shared>>)
      %dma_start3A_1047 = arith.constant 7 : i32
      %dma_start3A_1048 = arith.constant 1 : i32
      %dma_start3A_1049 = arith.constant 0 : i32
      %dma_start3A_1050 = arith.constant 0 : i32
      %dma_start3A_1051 = tpu.memref_slice %arg8[%dma_start3A_1048, %dma_start3A_1049, %dma_start3A_1050] : memref<2x128x128xf32, #tpu.memory_space<vmem>> -> memref<1x128x128xf32, #tpu.memory_space<vmem>>
      %dma_start3A_1052 = tpu.memref_squeeze %dma_start3A_1051 : memref<1x128x128xf32, #tpu.memory_space<vmem>> -> memref<128x128xf32, #tpu.memory_space<vmem>>
      %dma_start3A_1053 = arith.constant 0 : i32
      %dma_start3A_1054 = tpu.memref_slice %arg6[%rem3A_72, %dma_start3A_1047, %dma_start3A_1053] : memref<2x8x128xi32, #tpu.memory_space<vmem>> -> memref<1x1x128xi32, #tpu.memory_space<vmem>>
      %dma_start3A_1055 = tpu.memref_squeeze %dma_start3A_1054 : memref<1x1x128xi32, #tpu.memory_space<vmem>> -> memref<128xi32, #tpu.memory_space<vmem>>
      %dma_start3A_1056 = arith.constant 0 : i32
      %dma_start3A_1057 = arith.constant 0 : i32
      %dma_start3A_1058 = tpu.memref_slice %arg2[%dma_start3A_1056, %dma_start3A_1057] : memref<10400x128xf32, #tpu.memory_space<hbm>> -> memref<10400x128xf32, #tpu.memory_space<hbm>>
      tpu.enqueue_indirect_dma source(%dma_start3A_1058 : memref<10400x128xf32, #tpu.memory_space<hbm>>) target(%dma_start3A_1052 : memref<128x128xf32, #tpu.memory_space<vmem>>) offsets(%dma_start3A_1055 : memref<128xi32, #tpu.memory_space<vmem>>) semaphore(%arg12 : memref<!tpu.dma_semaphore, #tpu.memory_space<semaphore_mem>>)
      %get3A_1059 = arith.constant 7 : i32
      %get3A_1060 = arith.index_cast %rem3A_72 : i32 to index
      %get3A_1061 = arith.index_cast %get3A_1059 : i32 to index
      %get3A_1062 = arith.constant 0 : index
      %get3A_1063 = tpu.vector_load %arg7[%get3A_1060, %get3A_1061, %get3A_1062] {strides = array<i32>} : memref<2x8x128xi32, #tpu.memory_space<vmem>>, vector<16xi32>,
      %shift_right_logical3A_1064 = arith.constant 7 : i32
      %shift_right_logical3A_1065 = vector.broadcast %shift_right_logical3A_1064 : i32 to vector<16xi32>
      %shift_right_logical3A_1066 = arith.shrui %get3A_1063, %shift_right_logical3A_1065 : vector<16xi32>
      %and3A_1067 = arith.constant 127 : i32
      %and3A_1068 = vector.broadcast %and3A_1067 : i32 to vector<16xi32>
      %and3A_1069 = arith.andi %get3A_1063, %and3A_1068 : vector<16xi32>
      tpu.vector_store_idx %arg9[%shift_right_logical3A_1066, %and3A_1069], %broadcast_in_dim3A_52 {add = true} : memref<80x128xf32, #tpu.memory_space<vmem>>[vector<16xi32>, vector<16xi32>], vector<16xf32>,
      %get3A_1070 = arith.constant 7 : i32
      %get3A_1071 = arith.index_cast %rem3A_72 : i32 to index
      %get3A_1072 = arith.index_cast %get3A_1070 : i32 to index
      %get3A_1073 = arith.constant 16 : index
      %get3A_1074 = tpu.vector_load %arg7[%get3A_1071, %get3A_1072, %get3A_1073] {strides = array<i32>} : memref<2x8x128xi32, #tpu.memory_space<vmem>>, vector<16xi32>,
      %shift_right_logical3A_1075 = arith.constant 7 : i32
      %shift_right_logical3A_1076 = vector.broadcast %shift_right_logical3A_1075 : i32 to vector<16xi32>
      %shift_right_logical3A_1077 = arith.shrui %get3A_1074, %shift_right_logical3A_1076 : vector<16xi32>
      %and3A_1078 = arith.constant 127 : i32
      %and3A_1079 = vector.broadcast %and3A_1078 : i32 to vector<16xi32>
      %and3A_1080 = arith.andi %get3A_1074, %and3A_1079 : vector<16xi32>
      tpu.vector_store_idx %arg9[%shift_right_logical3A_1077, %and3A_1080], %broadcast_in_dim3A_52 {add = true} : memref<80x128xf32, #tpu.memory_space<vmem>>[vector<16xi32>, vector<16xi32>], vector<16xf32>,
      %get3A_1081 = arith.constant 7 : i32
      %get3A_1082 = arith.index_cast %rem3A_72 : i32 to index
      %get3A_1083 = arith.index_cast %get3A_1081 : i32 to index
      %get3A_1084 = arith.constant 32 : index
      %get3A_1085 = tpu.vector_load %arg7[%get3A_1082, %get3A_1083, %get3A_1084] {strides = array<i32>} : memref<2x8x128xi32, #tpu.memory_space<vmem>>, vector<16xi32>,
      %shift_right_logical3A_1086 = arith.constant 7 : i32
      %shift_right_logical3A_1087 = vector.broadcast %shift_right_logical3A_1086 : i32 to vector<16xi32>
      %shift_right_logical3A_1088 = arith.shrui %get3A_1085, %shift_right_logical3A_1087 : vector<16xi32>
      %and3A_1089 = arith.constant 127 : i32
      %and3A_1090 = vector.broadcast %and3A_1089 : i32 to vector<16xi32>
      %and3A_1091 = arith.andi %get3A_1085, %and3A_1090 : vector<16xi32>
      tpu.vector_store_idx %arg9[%shift_right_logical3A_1088, %and3A_1091], %broadcast_in_dim3A_52 {add = true} : memref<80x128xf32, #tpu.memory_space<vmem>>[vector<16xi32>, vector<16xi32>], vector<16xf32>,
      %get3A_1092 = arith.constant 7 : i32
      %get3A_1093 = arith.index_cast %rem3A_72 : i32 to index
      %get3A_1094 = arith.index_cast %get3A_1092 : i32 to index
      %get3A_1095 = arith.constant 48 : index
      %get3A_1096 = tpu.vector_load %arg7[%get3A_1093, %get3A_1094, %get3A_1095] {strides = array<i32>} : memref<2x8x128xi32, #tpu.memory_space<vmem>>, vector<16xi32>,
      %shift_right_logical3A_1097 = arith.constant 7 : i32
      %shift_right_logical3A_1098 = vector.broadcast %shift_right_logical3A_1097 : i32 to vector<16xi32>
      %shift_right_logical3A_1099 = arith.shrui %get3A_1096, %shift_right_logical3A_1098 : vector<16xi32>
      %and3A_1100 = arith.constant 127 : i32
      %and3A_1101 = vector.broadcast %and3A_1100 : i32 to vector<16xi32>
      %and3A_1102 = arith.andi %get3A_1096, %and3A_1101 : vector<16xi32>
      tpu.vector_store_idx %arg9[%shift_right_logical3A_1099, %and3A_1102], %broadcast_in_dim3A_52 {add = true} : memref<80x128xf32, #tpu.memory_space<vmem>>[vector<16xi32>, vector<16xi32>], vector<16xf32>,
      %get3A_1103 = arith.constant 7 : i32
      %get3A_1104 = arith.index_cast %rem3A_72 : i32 to index
      %get3A_1105 = arith.index_cast %get3A_1103 : i32 to index
      %get3A_1106 = arith.constant 64 : index
      %get3A_1107 = tpu.vector_load %arg7[%get3A_1104, %get3A_1105, %get3A_1106] {strides = array<i32>} : memref<2x8x128xi32, #tpu.memory_space<vmem>>, vector<16xi32>,
      %shift_right_logical3A_1108 = arith.constant 7 : i32
      %shift_right_logical3A_1109 = vector.broadcast %shift_right_logical3A_1108 : i32 to vector<16xi32>
      %shift_right_logical3A_1110 = arith.shrui %get3A_1107, %shift_right_logical3A_1109 : vector<16xi32>
      %and3A_1111 = arith.constant 127 : i32
      %and3A_1112 = vector.broadcast %and3A_1111 : i32 to vector<16xi32>
      %and3A_1113 = arith.andi %get3A_1107, %and3A_1112 : vector<16xi32>
      tpu.vector_store_idx %arg9[%shift_right_logical3A_1110, %and3A_1113], %broadcast_in_dim3A_52 {add = true} : memref<80x128xf32, #tpu.memory_space<vmem>>[vector<16xi32>, vector<16xi32>], vector<16xf32>,
      %get3A_1114 = arith.constant 7 : i32
      %get3A_1115 = arith.index_cast %rem3A_72 : i32 to index
      %get3A_1116 = arith.index_cast %get3A_1114 : i32 to index
      %get3A_1117 = arith.constant 80 : index
      %get3A_1118 = tpu.vector_load %arg7[%get3A_1115, %get3A_1116, %get3A_1117] {strides = array<i32>} : memref<2x8x128xi32, #tpu.memory_space<vmem>>, vector<16xi32>,
      %shift_right_logical3A_1119 = arith.constant 7 : i32
      %shift_right_logical3A_1120 = vector.broadcast %shift_right_logical3A_1119 : i32 to vector<16xi32>
      %shift_right_logical3A_1121 = arith.shrui %get3A_1118, %shift_right_logical3A_1120 : vector<16xi32>
      %and3A_1122 = arith.constant 127 : i32
      %and3A_1123 = vector.broadcast %and3A_1122 : i32 to vector<16xi32>
      %and3A_1124 = arith.andi %get3A_1118, %and3A_1123 : vector<16xi32>
      tpu.vector_store_idx %arg9[%shift_right_logical3A_1121, %and3A_1124], %broadcast_in_dim3A_52 {add = true} : memref<80x128xf32, #tpu.memory_space<vmem>>[vector<16xi32>, vector<16xi32>], vector<16xf32>,
      %get3A_1125 = arith.constant 7 : i32
      %get3A_1126 = arith.index_cast %rem3A_72 : i32 to index
      %get3A_1127 = arith.index_cast %get3A_1125 : i32 to index
      %get3A_1128 = arith.constant 96 : index
      %get3A_1129 = tpu.vector_load %arg7[%get3A_1126, %get3A_1127, %get3A_1128] {strides = array<i32>} : memref<2x8x128xi32, #tpu.memory_space<vmem>>, vector<16xi32>,
      %shift_right_logical3A_1130 = arith.constant 7 : i32
      %shift_right_logical3A_1131 = vector.broadcast %shift_right_logical3A_1130 : i32 to vector<16xi32>
      %shift_right_logical3A_1132 = arith.shrui %get3A_1129, %shift_right_logical3A_1131 : vector<16xi32>
      %and3A_1133 = arith.constant 127 : i32
      %and3A_1134 = vector.broadcast %and3A_1133 : i32 to vector<16xi32>
      %and3A_1135 = arith.andi %get3A_1129, %and3A_1134 : vector<16xi32>
      tpu.vector_store_idx %arg9[%shift_right_logical3A_1132, %and3A_1135], %broadcast_in_dim3A_52 {add = true} : memref<80x128xf32, #tpu.memory_space<vmem>>[vector<16xi32>, vector<16xi32>], vector<16xf32>,
      %get3A_1136 = arith.constant 7 : i32
      %get3A_1137 = arith.index_cast %rem3A_72 : i32 to index
      %get3A_1138 = arith.index_cast %get3A_1136 : i32 to index
      %get3A_1139 = arith.constant 112 : index
      %get3A_1140 = tpu.vector_load %arg7[%get3A_1137, %get3A_1138, %get3A_1139] {strides = array<i32>} : memref<2x8x128xi32, #tpu.memory_space<vmem>>, vector<16xi32>,
      %shift_right_logical3A_1141 = arith.constant 7 : i32
      %shift_right_logical3A_1142 = vector.broadcast %shift_right_logical3A_1141 : i32 to vector<16xi32>
      %shift_right_logical3A_1143 = arith.shrui %get3A_1140, %shift_right_logical3A_1142 : vector<16xi32>
      %and3A_1144 = arith.constant 127 : i32
      %and3A_1145 = vector.broadcast %and3A_1144 : i32 to vector<16xi32>
      %and3A_1146 = arith.andi %get3A_1140, %and3A_1145 : vector<16xi32>
      tpu.vector_store_idx %arg9[%shift_right_logical3A_1143, %and3A_1146], %broadcast_in_dim3A_52 {add = true} : memref<80x128xf32, #tpu.memory_space<vmem>>[vector<16xi32>, vector<16xi32>], vector<16xf32>,
      %dma_wait3A_1147 = arith.constant 7 : i32
      %dma_wait3A_1148 = arith.constant 1 : i32
      %dma_wait3A_1149 = arith.constant 0 : i32
      %dma_wait3A_1150 = arith.constant 0 : i32
      %dma_wait3A_1151 = tpu.memref_slice %arg8[%dma_wait3A_1148, %dma_wait3A_1149, %dma_wait3A_1150] : memref<2x128x128xf32, #tpu.memory_space<vmem>> -> memref<1x128x128xf32, #tpu.memory_space<vmem>>
      %dma_wait3A_1152 = tpu.memref_squeeze %dma_wait3A_1151 : memref<1x128x128xf32, #tpu.memory_space<vmem>> -> memref<128x128xf32, #tpu.memory_space<vmem>>
      %dma_wait3A_1153 = arith.constant 0 : i32
      %dma_wait3A_1154 = tpu.memref_slice %arg6[%rem3A_72, %dma_wait3A_1147, %dma_wait3A_1153] : memref<2x8x128xi32, #tpu.memory_space<vmem>> -> memref<1x1x128xi32, #tpu.memory_space<vmem>>
      %dma_wait3A_1155 = tpu.memref_squeeze %dma_wait3A_1154 : memref<1x1x128xi32, #tpu.memory_space<vmem>> -> memref<128xi32, #tpu.memory_space<vmem>>
      %dma_wait3A_1156 = arith.constant 0 : i32
      %dma_wait3A_1157 = arith.constant 0 : i32
      %dma_wait3A_1158 = tpu.memref_slice %arg2[%dma_wait3A_1156, %dma_wait3A_1157] : memref<10400x128xf32, #tpu.memory_space<hbm>> -> memref<10400x128xf32, #tpu.memory_space<hbm>>
      tpu.wait_indirect_dma semaphore(%arg12 : memref<!tpu.dma_semaphore, #tpu.memory_space<semaphore_mem>>) src(%dma_wait3A_1158 : memref<10400x128xf32, #tpu.memory_space<hbm>>) dst(%dma_wait3A_1152 : memref<128x128xf32, #tpu.memory_space<vmem>>)
      %dma_start3A_1159 = arith.constant 1 : i32
      %dma_start3A_1160 = arith.constant 7 : i32
      %dma_start3A_1161 = arith.constant 0 : i32
      %dma_start3A_1162 = arith.constant 0 : i32
      %dma_start3A_1163 = tpu.memref_slice %arg8[%dma_start3A_1159, %dma_start3A_1161, %dma_start3A_1162] : memref<2x128x128xf32, #tpu.memory_space<vmem>> -> memref<1x128x128xf32, #tpu.memory_space<vmem>>
      %dma_start3A_1164 = tpu.memref_squeeze %dma_start3A_1163 : memref<1x128x128xf32, #tpu.memory_space<vmem>> -> memref<128x128xf32, #tpu.memory_space<vmem>>
      %dma_start3A_1165 = arith.constant 0 : i32
      %dma_start3A_1166 = tpu.memref_slice %arg7[%rem3A_72, %dma_start3A_1160, %dma_start3A_1165] : memref<2x8x128xi32, #tpu.memory_space<vmem>> -> memref<1x1x128xi32, #tpu.memory_space<vmem>>
      %dma_start3A_1167 = tpu.memref_squeeze %dma_start3A_1166 : memref<1x1x128xi32, #tpu.memory_space<vmem>> -> memref<128xi32, #tpu.memory_space<vmem>>
      %dma_start3A_1168 = arith.constant 0 : i32
      %dma_start3A_1169 = arith.constant 0 : i32
      %dma_start3A_1170 = tpu.memref_slice %arg15[%dma_start3A_1168, %dma_start3A_1169] : memref<10240x128xf32, #tpu.memory_space<vmem_shared>> -> memref<10240x128xf32, #tpu.memory_space<vmem_shared>>
      tpu.enqueue_indirect_dma source(%dma_start3A_1164 : memref<128x128xf32, #tpu.memory_space<vmem>>) target(%dma_start3A_1170 : memref<10240x128xf32, #tpu.memory_space<vmem_shared>>) offsets(%dma_start3A_1167 : memref<128xi32, #tpu.memory_space<vmem>>) semaphore(%arg13 : memref<!tpu.dma_semaphore, #tpu.memory_space<semaphore_mem>>) {add = true}
      %dma_wait3A_1171 = arith.constant 0 : i32
      %dma_wait3A_1172 = arith.constant 0 : i32
      %dma_wait3A_1173 = tpu.memref_slice %arg6[%rem3A_76, %dma_wait3A_1171, %dma_wait3A_1172] : memref<2x8x128xi32, #tpu.memory_space<vmem>> -> memref<1x8x128xi32, #tpu.memory_space<vmem>>
      %dma_wait3A_1174 = tpu.memref_squeeze %dma_wait3A_1173 : memref<1x8x128xi32, #tpu.memory_space<vmem>> -> memref<8x128xi32, #tpu.memory_space<vmem>>
      %dma_wait3A_1175 = arith.constant 0 : i32
      %dma_wait3A_1176 = tpu.memref_slice %arg3[%arg0, %arg1, %mul3A_81, %dma_wait3A_1175] : memref<2x16x160x128xi32, #tpu.memory_space<hbm>> -> memref<1x1x8x128xi32, #tpu.memory_space<hbm>>
      %dma_wait3A_1177 = tpu.memref_squeeze %dma_wait3A_1176 : memref<1x1x8x128xi32, #tpu.memory_space<hbm>> -> memref<8x128xi32, #tpu.memory_space<hbm>>
      %dma_wait3A_1178 = arith.constant 0 : i32
      %dma_wait3A_1179 = arith.constant 0 : i32
      %dma_wait3A_1180 = tpu.memref_slice %arg6[%rem3A_76, %dma_wait3A_1178, %dma_wait3A_1179] : memref<2x8x128xi32, #tpu.memory_space<vmem>> -> memref<1x8x128xi32, #tpu.memory_space<vmem>>
      %dma_wait3A_1181 = tpu.memref_squeeze %dma_wait3A_1180 : memref<1x8x128xi32, #tpu.memory_space<vmem>> -> memref<8x128xi32, #tpu.memory_space<vmem>>
      %dma_wait3A_1182 = arith.constant 0 : i32
      %dma_wait3A_1183 = tpu.memref_slice %arg3[%arg0, %arg1, %mul3A_81, %dma_wait3A_1182] : memref<2x16x160x128xi32, #tpu.memory_space<hbm>> -> memref<1x1x8x128xi32, #tpu.memory_space<hbm>>
      %dma_wait3A_1184 = tpu.memref_squeeze %dma_wait3A_1183 : memref<1x1x8x128xi32, #tpu.memory_space<hbm>> -> memref<8x128xi32, #tpu.memory_space<hbm>>
      tpu.wait_dma2 semaphore(%arg14 : memref<!tpu.dma_semaphore, #tpu.memory_space<semaphore_mem>>) src(%dma_wait3A_1184 : memref<8x128xi32, #tpu.memory_space<hbm>>) dst(%dma_wait3A_1181 : memref<8x128xi32, #tpu.memory_space<vmem>>)
      %dma_wait3A_1185 = arith.constant 0 : i32
      %dma_wait3A_1186 = arith.constant 0 : i32
      %dma_wait3A_1187 = tpu.memref_slice %arg7[%rem3A_76, %dma_wait3A_1185, %dma_wait3A_1186] : memref<2x8x128xi32, #tpu.memory_space<vmem>> -> memref<1x8x128xi32, #tpu.memory_space<vmem>>
      %dma_wait3A_1188 = tpu.memref_squeeze %dma_wait3A_1187 : memref<1x8x128xi32, #tpu.memory_space<vmem>> -> memref<8x128xi32, #tpu.memory_space<vmem>>
      %dma_wait3A_1189 = arith.constant 0 : i32
      %dma_wait3A_1190 = tpu.memref_slice %arg4[%arg1, %mul3A_96, %dma_wait3A_1189] : memref<16x160x128xi32, #tpu.memory_space<hbm>> -> memref<1x8x128xi32, #tpu.memory_space<hbm>>
      %dma_wait3A_1191 = tpu.memref_squeeze %dma_wait3A_1190 : memref<1x8x128xi32, #tpu.memory_space<hbm>> -> memref<8x128xi32, #tpu.memory_space<hbm>>
      %dma_wait3A_1192 = arith.constant 0 : i32
      %dma_wait3A_1193 = arith.constant 0 : i32
      %dma_wait3A_1194 = tpu.memref_slice %arg7[%rem3A_76, %dma_wait3A_1192, %dma_wait3A_1193] : memref<2x8x128xi32, #tpu.memory_space<vmem>> -> memref<1x8x128xi32, #tpu.memory_space<vmem>>
      %dma_wait3A_1195 = tpu.memref_squeeze %dma_wait3A_1194 : memref<1x8x128xi32, #tpu.memory_space<vmem>> -> memref<8x128xi32, #tpu.memory_space<vmem>>
      %dma_wait3A_1196 = arith.constant 0 : i32
      %dma_wait3A_1197 = tpu.memref_slice %arg4[%arg1, %mul3A_96, %dma_wait3A_1196] : memref<16x160x128xi32, #tpu.memory_space<hbm>> -> memref<1x8x128xi32, #tpu.memory_space<hbm>>
      %dma_wait3A_1198 = tpu.memref_squeeze %dma_wait3A_1197 : memref<1x8x128xi32, #tpu.memory_space<hbm>> -> memref<8x128xi32, #tpu.memory_space<hbm>>
      tpu.wait_dma2 semaphore(%arg14 : memref<!tpu.dma_semaphore, #tpu.memory_space<semaphore_mem>>) src(%dma_wait3A_1198 : memref<8x128xi32, #tpu.memory_space<hbm>>) dst(%dma_wait3A_1195 : memref<8x128xi32, #tpu.memory_space<vmem>>)
      %dma_wait3A_1199 = arith.constant 0 : i32
      %dma_wait3A_1200 = arith.constant 6 : i32
      %dma_wait3A_1201 = arith.constant 0 : i32
      %dma_wait3A_1202 = arith.constant 0 : i32
      %dma_wait3A_1203 = tpu.memref_slice %arg8[%dma_wait3A_1199, %dma_wait3A_1201, %dma_wait3A_1202] : memref<2x128x128xf32, #tpu.memory_space<vmem>> -> memref<1x128x128xf32, #tpu.memory_space<vmem>>
      %dma_wait3A_1204 = tpu.memref_squeeze %dma_wait3A_1203 : memref<1x128x128xf32, #tpu.memory_space<vmem>> -> memref<128x128xf32, #tpu.memory_space<vmem>>
      %dma_wait3A_1205 = arith.constant 0 : i32
      %dma_wait3A_1206 = tpu.memref_slice %arg7[%rem3A_72, %dma_wait3A_1200, %dma_wait3A_1205] : memref<2x8x128xi32, #tpu.memory_space<vmem>> -> memref<1x1x128xi32, #tpu.memory_space<vmem>>
      %dma_wait3A_1207 = tpu.memref_squeeze %dma_wait3A_1206 : memref<1x1x128xi32, #tpu.memory_space<vmem>> -> memref<128xi32, #tpu.memory_space<vmem>>
      %dma_wait3A_1208 = arith.constant 0 : i32
      %dma_wait3A_1209 = arith.constant 0 : i32
      %dma_wait3A_1210 = tpu.memref_slice %arg15[%dma_wait3A_1208, %dma_wait3A_1209] : memref<10240x128xf32, #tpu.memory_space<vmem_shared>> -> memref<10240x128xf32, #tpu.memory_space<vmem_shared>>
      tpu.wait_indirect_dma semaphore(%arg13 : memref<!tpu.dma_semaphore, #tpu.memory_space<semaphore_mem>>) src(%dma_wait3A_1204 : memref<128x128xf32, #tpu.memory_space<vmem>>) dst(%dma_wait3A_1210 : memref<10240x128xf32, #tpu.memory_space<vmem_shared>>)
      %dma_wait3A_1211 = arith.constant 1 : i32
      %dma_wait3A_1212 = arith.constant 7 : i32
      %dma_wait3A_1213 = arith.constant 0 : i32
      %dma_wait3A_1214 = arith.constant 0 : i32
      %dma_wait3A_1215 = tpu.memref_slice %arg8[%dma_wait3A_1211, %dma_wait3A_1213, %dma_wait3A_1214] : memref<2x128x128xf32, #tpu.memory_space<vmem>> -> memref<1x128x128xf32, #tpu.memory_space<vmem>>
      %dma_wait3A_1216 = tpu.memref_squeeze %dma_wait3A_1215 : memref<1x128x128xf32, #tpu.memory_space<vmem>> -> memref<128x128xf32, #tpu.memory_space<vmem>>
      %dma_wait3A_1217 = arith.constant 0 : i32
      %dma_wait3A_1218 = tpu.memref_slice %arg7[%rem3A_72, %dma_wait3A_1212, %dma_wait3A_1217] : memref<2x8x128xi32, #tpu.memory_space<vmem>> -> memref<1x1x128xi32, #tpu.memory_space<vmem>>
      %dma_wait3A_1219 = tpu.memref_squeeze %dma_wait3A_1218 : memref<1x1x128xi32, #tpu.memory_space<vmem>> -> memref<128xi32, #tpu.memory_space<vmem>>
      %dma_wait3A_1220 = arith.constant 0 : i32
      %dma_wait3A_1221 = arith.constant 0 : i32
      %dma_wait3A_1222 = tpu.memref_slice %arg15[%dma_wait3A_1220, %dma_wait3A_1221] : memref<10240x128xf32, #tpu.memory_space<vmem_shared>> -> memref<10240x128xf32, #tpu.memory_space<vmem_shared>>
      tpu.wait_indirect_dma semaphore(%arg13 : memref<!tpu.dma_semaphore, #tpu.memory_space<semaphore_mem>>) src(%dma_wait3A_1216 : memref<128x128xf32, #tpu.memory_space<vmem>>) dst(%dma_wait3A_1222 : memref<10240x128xf32, #tpu.memory_space<vmem_shared>>)
    }
    %scan3A_59 = arith.constant 20 : i32
    %run_scoped3A_60 = arith.constant 0 : i32
    "tpu.region"() ({
      %run_scoped3A_67 = tpu.sem_alloc : memref<!tpu.dma_semaphore, #tpu.memory_space<semaphore_mem>>
      %dma_start3A = arith.constant 0 : i32
      %dma_start3A_68 = tpu.memref_slice %arg10[%run_scoped3A_60, %dma_start3A] : memref<1x80xi32, #tpu.memory_space<vmem>> -> memref<1x80xi32, #tpu.memory_space<vmem>>
      %dma_start3A_69 = tpu.memref_squeeze %dma_start3A_68 : memref<1x80xi32, #tpu.memory_space<vmem>> -> memref<80xi32, #tpu.memory_space<vmem>>
      %dma_start3A_70 = arith.constant 0 : i32
      %dma_start3A_71 = arith.constant 0 : i32
      %dma_start3A_72 = tpu.memref_slice %arg16[%dma_start3A_70, %dma_start3A_71] : memref<80x128xf32, #tpu.memory_space<vmem_shared>> -> memref<80x128xf32, #tpu.memory_space<vmem_shared>>
      tpu.enqueue_indirect_dma source(%arg9 : memref<80x128xf32, #tpu.memory_space<vmem>>) target(%dma_start3A_72 : memref<80x128xf32, #tpu.memory_space<vmem_shared>>) offsets(%dma_start3A_69 : memref<80xi32, #tpu.memory_space<vmem>>) semaphore(%run_scoped3A_67 : memref<!tpu.dma_semaphore, #tpu.memory_space<semaphore_mem>>) {add = true}
      %dma_wait3A = arith.constant 0 : i32
      %dma_wait3A_73 = tpu.memref_slice %arg10[%run_scoped3A_60, %dma_wait3A] : memref<1x80xi32, #tpu.memory_space<vmem>> -> memref<1x80xi32, #tpu.memory_space<vmem>>
      %dma_wait3A_74 = tpu.memref_squeeze %dma_wait3A_73 : memref<1x80xi32, #tpu.memory_space<vmem>> -> memref<80xi32, #tpu.memory_space<vmem>>
      %dma_wait3A_75 = arith.constant 0 : i32
      %dma_wait3A_76 = arith.constant 0 : i32
      %dma_wait3A_77 = tpu.memref_slice %arg16[%dma_wait3A_75, %dma_wait3A_76] : memref<80x128xf32, #tpu.memory_space<vmem_shared>> -> memref<80x128xf32, #tpu.memory_space<vmem_shared>>
      tpu.wait_indirect_dma semaphore(%run_scoped3A_67 : memref<!tpu.dma_semaphore, #tpu.memory_space<semaphore_mem>>) src(%arg9 : memref<80x128xf32, #tpu.memory_space<vmem>>) dst(%dma_wait3A_77 : memref<80x128xf32, #tpu.memory_space<vmem_shared>>)
      tpu.yield
    }) : () -> ()
    %barrier3A_61 = arith.constant 0 : index
    tpu.barrier barrier_id(%barrier3A_61)
    %scan3A_62 = arith.constant 0 : i32
    %scan3A_63 = arith.constant 5 : i32
    %scan3A_64 = arith.addi %scan3A_62, %scan3A_63 : i32
    %scan3A_65 = arith.constant 1 : i32
    scf.for %scan3A_67 = %scan3A_62 to %scan3A_64 step %scan3A_65  : i32 {
      %mul3A_68 = arith.constant 1 : i32
      %mul3A_69 = arith.muli %scan3A_67, %mul3A_68 : i32
      %add3A_70 = arith.constant 0 : i32
      %add3A_71 = arith.addi %add3A_70, %mul3A_69 : i32
      %mul3A_72 = arith.constant 640 : i32
      %mul3A_73 = arith.muli %arg1, %mul3A_72 : i32
      %mul3A_74 = arith.constant 128 : i32
      %mul3A_75 = arith.muli %add3A_71, %mul3A_74 : i32
      %add3A_76 = arith.addi %mul3A_73, %mul3A_75 : i32
      %mul3A_77 = arith.constant 5 : i32
      %mul3A_78 = arith.muli %arg1, %mul3A_77 : i32
      %add3A_79 = arith.addi %mul3A_78, %add3A_71 : i32
      %run_scoped3A_80 = arith.constant 0 : i32
      "tpu.region"() ({
        %run_scoped3A_218 = tpu.sem_alloc : memref<!tpu.dma_semaphore, #tpu.memory_space<semaphore_mem>>
        %dma_start3A = arith.constant 0 : i32
        %dma_start3A_219 = arith.constant 0 : i32
        %dma_start3A_220 = tpu.memref_slice %arg8[%run_scoped3A_80, %dma_start3A, %dma_start3A_219] : memref<2x128x128xf32, #tpu.memory_space<vmem>> -> memref<1x128x128xf32, #tpu.memory_space<vmem>>
        %dma_start3A_221 = tpu.memref_squeeze %dma_start3A_220 : memref<1x128x128xf32, #tpu.memory_space<vmem>> -> memref<128x128xf32, #tpu.memory_space<vmem>>
        %dma_start3A_222 = arith.constant 0 : i32
        %dma_start3A_223 = tpu.memref_slice %arg15[%add3A_76, %dma_start3A_222] : memref<10240x128xf32, #tpu.memory_space<vmem_shared>> -> memref<128x128xf32, #tpu.memory_space<vmem_shared>>
        %dma_start3A_224 = arith.constant 0 : i32
        %dma_start3A_225 = arith.constant 0 : i32
        %dma_start3A_226 = tpu.memref_slice %arg8[%run_scoped3A_80, %dma_start3A_224, %dma_start3A_225] : memref<2x128x128xf32, #tpu.memory_space<vmem>> -> memref<1x128x128xf32, #tpu.memory_space<vmem>>
        %dma_start3A_227 = tpu.memref_squeeze %dma_start3A_226 : memref<1x128x128xf32, #tpu.memory_space<vmem>> -> memref<128x128xf32, #tpu.memory_space<vmem>>
        %dma_start3A_228 = arith.constant 0 : i32
        %dma_start3A_229 = tpu.memref_slice %arg15[%add3A_76, %dma_start3A_228] : memref<10240x128xf32, #tpu.memory_space<vmem_shared>> -> memref<128x128xf32, #tpu.memory_space<vmem_shared>>
        tpu.enqueue_dma source(%dma_start3A_229 : memref<128x128xf32, #tpu.memory_space<vmem_shared>>) target(%dma_start3A_227 : memref<128x128xf32, #tpu.memory_space<vmem>>) target_semaphore(%run_scoped3A_218 : memref<!tpu.dma_semaphore, #tpu.memory_space<semaphore_mem>>)
        %dma_wait3A = arith.constant 0 : i32
        %dma_wait3A_230 = arith.constant 0 : i32
        %dma_wait3A_231 = tpu.memref_slice %arg8[%run_scoped3A_80, %dma_wait3A, %dma_wait3A_230] : memref<2x128x128xf32, #tpu.memory_space<vmem>> -> memref<1x128x128xf32, #tpu.memory_space<vmem>>
        %dma_wait3A_232 = tpu.memref_squeeze %dma_wait3A_231 : memref<1x128x128xf32, #tpu.memory_space<vmem>> -> memref<128x128xf32, #tpu.memory_space<vmem>>
        %dma_wait3A_233 = arith.constant 0 : i32
        %dma_wait3A_234 = tpu.memref_slice %arg15[%add3A_76, %dma_wait3A_233] : memref<10240x128xf32, #tpu.memory_space<vmem_shared>> -> memref<128x128xf32, #tpu.memory_space<vmem_shared>>
        %dma_wait3A_235 = arith.constant 0 : i32
        %dma_wait3A_236 = arith.constant 0 : i32
        %dma_wait3A_237 = tpu.memref_slice %arg8[%run_scoped3A_80, %dma_wait3A_235, %dma_wait3A_236] : memref<2x128x128xf32, #tpu.memory_space<vmem>> -> memref<1x128x128xf32, #tpu.memory_space<vmem>>
        %dma_wait3A_238 = tpu.memref_squeeze %dma_wait3A_237 : memref<1x128x128xf32, #tpu.memory_space<vmem>> -> memref<128x128xf32, #tpu.memory_space<vmem>>
        %dma_wait3A_239 = arith.constant 0 : i32
        %dma_wait3A_240 = tpu.memref_slice %arg15[%add3A_76, %dma_wait3A_239] : memref<10240x128xf32, #tpu.memory_space<vmem_shared>> -> memref<128x128xf32, #tpu.memory_space<vmem_shared>>
        tpu.wait_dma2 semaphore(%run_scoped3A_218 : memref<!tpu.dma_semaphore, #tpu.memory_space<semaphore_mem>>) src(%dma_wait3A_240 : memref<128x128xf32, #tpu.memory_space<vmem_shared>>) dst(%dma_wait3A_238 : memref<128x128xf32, #tpu.memory_space<vmem>>)
        tpu.yield
      }) : () -> ()
      "tpu.region"() ({
        %run_scoped3A_218 = tpu.sem_alloc : memref<!tpu.dma_semaphore, #tpu.memory_space<semaphore_mem>>
        %dma_start3A = arith.constant 0 : i32
        %dma_start3A_219 = tpu.memref_slice %arg16[%add3A_79, %dma_start3A] : memref<80x128xf32, #tpu.memory_space<vmem_shared>> -> memref<1x128xf32, #tpu.memory_space<vmem_shared>>
        %dma_start3A_220 = arith.constant 0 : i32
        %dma_start3A_221 = tpu.memref_slice %arg16[%add3A_79, %dma_start3A_220] : memref<80x128xf32, #tpu.memory_space<vmem_shared>> -> memref<1x128xf32, #tpu.memory_space<vmem_shared>>
        tpu.enqueue_dma source(%dma_start3A_221 : memref<1x128xf32, #tpu.memory_space<vmem_shared>>) target(%arg11 : memref<1x128xf32, #tpu.memory_space<vmem>>) target_semaphore(%run_scoped3A_218 : memref<!tpu.dma_semaphore, #tpu.memory_space<semaphore_mem>>)
        %dma_wait3A = arith.constant 0 : i32
        %dma_wait3A_222 = tpu.memref_slice %arg16[%add3A_79, %dma_wait3A] : memref<80x128xf32, #tpu.memory_space<vmem_shared>> -> memref<1x128xf32, #tpu.memory_space<vmem_shared>>
        %dma_wait3A_223 = arith.constant 0 : i32
        %dma_wait3A_224 = tpu.memref_slice %arg16[%add3A_79, %dma_wait3A_223] : memref<80x128xf32, #tpu.memory_space<vmem_shared>> -> memref<1x128xf32, #tpu.memory_space<vmem_shared>>
        tpu.wait_dma2 semaphore(%run_scoped3A_218 : memref<!tpu.dma_semaphore, #tpu.memory_space<semaphore_mem>>) src(%dma_wait3A_224 : memref<1x128xf32, #tpu.memory_space<vmem_shared>>) dst(%arg11 : memref<1x128xf32, #tpu.memory_space<vmem>>)
        tpu.yield
      }) : () -> ()
      %get3A = arith.constant 0 : i32
      %get3A_81 = arith.index_cast %get3A : i32 to index
      %get3A_82 = arith.constant 0 : index
      %get3A_83 = tpu.vector_load %arg11[%get3A_81, %get3A_82] {strides = array<i32>} : memref<1x128xf32, #tpu.memory_space<vmem>>, vector<16xf32>,
      %eq3A = arith.constant 0.000000e+00 : f32
      %eq3A_84 = vector.broadcast %eq3A : f32 to vector<16xf32>
      %eq3A_85 = arith.cmpf oeq, %get3A_83, %eq3A_84 : vector<16xf32>
      %jit3A = arith.constant 1.000000e+00 : f32
      %broadcast_in_dim3A_86 = vector.broadcast %jit3A : f32 to vector<16xf32>
      %select_n3A = arith.select %eq3A_85, %broadcast_in_dim3A_86, %get3A_83 : vector<16xi1>, vector<16xf32>
      %div3A = arith.constant 1.000000e+00 : f32
      %div3A_87 = vector.broadcast %div3A : f32 to vector<16xf32>
      %div3A_88 = arith.divf %div3A_87, %select_n3A : vector<16xf32>
      %swap3A_89 = arith.constant 0 : i32
      %swap3A_90 = arith.index_cast %swap3A_89 : i32 to index
      %swap3A_91 = arith.constant 0 : index
      %swap3A_92 = tpu.vector_load %arg11[%swap3A_90, %swap3A_91] {strides = array<i32>} : memref<1x128xf32, #tpu.memory_space<vmem>>, vector<16xf32>,
      tpu.vector_store %arg11[%swap3A_90, %swap3A_91], %div3A_88 {strides = array<i32>} : memref<1x128xf32, #tpu.memory_space<vmem>>, vector<16xf32>,
      %get3A_93 = arith.constant 0 : i32
      %get3A_94 = arith.index_cast %get3A_93 : i32 to index
      %get3A_95 = arith.constant 16 : index
      %get3A_96 = tpu.vector_load %arg11[%get3A_94, %get3A_95] {strides = array<i32>} : memref<1x128xf32, #tpu.memory_space<vmem>>, vector<16xf32>,
      %eq3A_97 = arith.constant 0.000000e+00 : f32
      %eq3A_98 = vector.broadcast %eq3A_97 : f32 to vector<16xf32>
      %eq3A_99 = arith.cmpf oeq, %get3A_96, %eq3A_98 : vector<16xf32>
      %jit3A_100 = arith.constant 1.000000e+00 : f32
      %broadcast_in_dim3A_101 = vector.broadcast %jit3A_100 : f32 to vector<16xf32>
      %select_n3A_102 = arith.select %eq3A_99, %broadcast_in_dim3A_101, %get3A_96 : vector<16xi1>, vector<16xf32>
      %div3A_103 = arith.constant 1.000000e+00 : f32
      %div3A_104 = vector.broadcast %div3A_103 : f32 to vector<16xf32>
      %div3A_105 = arith.divf %div3A_104, %select_n3A_102 : vector<16xf32>
      %swap3A_106 = arith.constant 0 : i32
      %swap3A_107 = arith.index_cast %swap3A_106 : i32 to index
      %swap3A_108 = arith.constant 16 : index
      %swap3A_109 = tpu.vector_load %arg11[%swap3A_107, %swap3A_108] {strides = array<i32>} : memref<1x128xf32, #tpu.memory_space<vmem>>, vector<16xf32>,
      tpu.vector_store %arg11[%swap3A_107, %swap3A_108], %div3A_105 {strides = array<i32>} : memref<1x128xf32, #tpu.memory_space<vmem>>, vector<16xf32>,
      %get3A_110 = arith.constant 0 : i32
      %get3A_111 = arith.index_cast %get3A_110 : i32 to index
      %get3A_112 = arith.constant 32 : index
      %get3A_113 = tpu.vector_load %arg11[%get3A_111, %get3A_112] {strides = array<i32>} : memref<1x128xf32, #tpu.memory_space<vmem>>, vector<16xf32>,
      %eq3A_114 = arith.constant 0.000000e+00 : f32
      %eq3A_115 = vector.broadcast %eq3A_114 : f32 to vector<16xf32>
      %eq3A_116 = arith.cmpf oeq, %get3A_113, %eq3A_115 : vector<16xf32>
      %jit3A_117 = arith.constant 1.000000e+00 : f32
      %broadcast_in_dim3A_118 = vector.broadcast %jit3A_117 : f32 to vector<16xf32>
      %select_n3A_119 = arith.select %eq3A_116, %broadcast_in_dim3A_118, %get3A_113 : vector<16xi1>, vector<16xf32>
      %div3A_120 = arith.constant 1.000000e+00 : f32
      %div3A_121 = vector.broadcast %div3A_120 : f32 to vector<16xf32>
      %div3A_122 = arith.divf %div3A_121, %select_n3A_119 : vector<16xf32>
      %swap3A_123 = arith.constant 0 : i32
      %swap3A_124 = arith.index_cast %swap3A_123 : i32 to index
      %swap3A_125 = arith.constant 32 : index
      %swap3A_126 = tpu.vector_load %arg11[%swap3A_124, %swap3A_125] {strides = array<i32>} : memref<1x128xf32, #tpu.memory_space<vmem>>, vector<16xf32>,
      tpu.vector_store %arg11[%swap3A_124, %swap3A_125], %div3A_122 {strides = array<i32>} : memref<1x128xf32, #tpu.memory_space<vmem>>, vector<16xf32>,
      %get3A_127 = arith.constant 0 : i32
      %get3A_128 = arith.index_cast %get3A_127 : i32 to index
      %get3A_129 = arith.constant 48 : index
      %get3A_130 = tpu.vector_load %arg11[%get3A_128, %get3A_129] {strides = array<i32>} : memref<1x128xf32, #tpu.memory_space<vmem>>, vector<16xf32>,
      %eq3A_131 = arith.constant 0.000000e+00 : f32
      %eq3A_132 = vector.broadcast %eq3A_131 : f32 to vector<16xf32>
      %eq3A_133 = arith.cmpf oeq, %get3A_130, %eq3A_132 : vector<16xf32>
      %jit3A_134 = arith.constant 1.000000e+00 : f32
      %broadcast_in_dim3A_135 = vector.broadcast %jit3A_134 : f32 to vector<16xf32>
      %select_n3A_136 = arith.select %eq3A_133, %broadcast_in_dim3A_135, %get3A_130 : vector<16xi1>, vector<16xf32>
      %div3A_137 = arith.constant 1.000000e+00 : f32
      %div3A_138 = vector.broadcast %div3A_137 : f32 to vector<16xf32>
      %div3A_139 = arith.divf %div3A_138, %select_n3A_136 : vector<16xf32>
      %swap3A_140 = arith.constant 0 : i32
      %swap3A_141 = arith.index_cast %swap3A_140 : i32 to index
      %swap3A_142 = arith.constant 48 : index
      %swap3A_143 = tpu.vector_load %arg11[%swap3A_141, %swap3A_142] {strides = array<i32>} : memref<1x128xf32, #tpu.memory_space<vmem>>, vector<16xf32>,
      tpu.vector_store %arg11[%swap3A_141, %swap3A_142], %div3A_139 {strides = array<i32>} : memref<1x128xf32, #tpu.memory_space<vmem>>, vector<16xf32>,
      %get3A_144 = arith.constant 0 : i32
      %get3A_145 = arith.index_cast %get3A_144 : i32 to index
      %get3A_146 = arith.constant 64 : index
      %get3A_147 = tpu.vector_load %arg11[%get3A_145, %get3A_146] {strides = array<i32>} : memref<1x128xf32, #tpu.memory_space<vmem>>, vector<16xf32>,
      %eq3A_148 = arith.constant 0.000000e+00 : f32
      %eq3A_149 = vector.broadcast %eq3A_148 : f32 to vector<16xf32>
      %eq3A_150 = arith.cmpf oeq, %get3A_147, %eq3A_149 : vector<16xf32>
      %jit3A_151 = arith.constant 1.000000e+00 : f32
      %broadcast_in_dim3A_152 = vector.broadcast %jit3A_151 : f32 to vector<16xf32>
      %select_n3A_153 = arith.select %eq3A_150, %broadcast_in_dim3A_152, %get3A_147 : vector<16xi1>, vector<16xf32>
      %div3A_154 = arith.constant 1.000000e+00 : f32
      %div3A_155 = vector.broadcast %div3A_154 : f32 to vector<16xf32>
      %div3A_156 = arith.divf %div3A_155, %select_n3A_153 : vector<16xf32>
      %swap3A_157 = arith.constant 0 : i32
      %swap3A_158 = arith.index_cast %swap3A_157 : i32 to index
      %swap3A_159 = arith.constant 64 : index
      %swap3A_160 = tpu.vector_load %arg11[%swap3A_158, %swap3A_159] {strides = array<i32>} : memref<1x128xf32, #tpu.memory_space<vmem>>, vector<16xf32>,
      tpu.vector_store %arg11[%swap3A_158, %swap3A_159], %div3A_156 {strides = array<i32>} : memref<1x128xf32, #tpu.memory_space<vmem>>, vector<16xf32>,
      %get3A_161 = arith.constant 0 : i32
      %get3A_162 = arith.index_cast %get3A_161 : i32 to index
      %get3A_163 = arith.constant 80 : index
      %get3A_164 = tpu.vector_load %arg11[%get3A_162, %get3A_163] {strides = array<i32>} : memref<1x128xf32, #tpu.memory_space<vmem>>, vector<16xf32>,
      %eq3A_165 = arith.constant 0.000000e+00 : f32
      %eq3A_166 = vector.broadcast %eq3A_165 : f32 to vector<16xf32>
      %eq3A_167 = arith.cmpf oeq, %get3A_164, %eq3A_166 : vector<16xf32>
      %jit3A_168 = arith.constant 1.000000e+00 : f32
      %broadcast_in_dim3A_169 = vector.broadcast %jit3A_168 : f32 to vector<16xf32>
      %select_n3A_170 = arith.select %eq3A_167, %broadcast_in_dim3A_169, %get3A_164 : vector<16xi1>, vector<16xf32>
      %div3A_171 = arith.constant 1.000000e+00 : f32
      %div3A_172 = vector.broadcast %div3A_171 : f32 to vector<16xf32>
      %div3A_173 = arith.divf %div3A_172, %select_n3A_170 : vector<16xf32>
      %swap3A_174 = arith.constant 0 : i32
      %swap3A_175 = arith.index_cast %swap3A_174 : i32 to index
      %swap3A_176 = arith.constant 80 : index
      %swap3A_177 = tpu.vector_load %arg11[%swap3A_175, %swap3A_176] {strides = array<i32>} : memref<1x128xf32, #tpu.memory_space<vmem>>, vector<16xf32>,
      tpu.vector_store %arg11[%swap3A_175, %swap3A_176], %div3A_173 {strides = array<i32>} : memref<1x128xf32, #tpu.memory_space<vmem>>, vector<16xf32>,
      %get3A_178 = arith.constant 0 : i32
      %get3A_179 = arith.index_cast %get3A_178 : i32 to index
      %get3A_180 = arith.constant 96 : index
      %get3A_181 = tpu.vector_load %arg11[%get3A_179, %get3A_180] {strides = array<i32>} : memref<1x128xf32, #tpu.memory_space<vmem>>, vector<16xf32>,
      %eq3A_182 = arith.constant 0.000000e+00 : f32
      %eq3A_183 = vector.broadcast %eq3A_182 : f32 to vector<16xf32>
      %eq3A_184 = arith.cmpf oeq, %get3A_181, %eq3A_183 : vector<16xf32>
      %jit3A_185 = arith.constant 1.000000e+00 : f32
      %broadcast_in_dim3A_186 = vector.broadcast %jit3A_185 : f32 to vector<16xf32>
      %select_n3A_187 = arith.select %eq3A_184, %broadcast_in_dim3A_186, %get3A_181 : vector<16xi1>, vector<16xf32>
      %div3A_188 = arith.constant 1.000000e+00 : f32
      %div3A_189 = vector.broadcast %div3A_188 : f32 to vector<16xf32>
      %div3A_190 = arith.divf %div3A_189, %select_n3A_187 : vector<16xf32>
      %swap3A_191 = arith.constant 0 : i32
      %swap3A_192 = arith.index_cast %swap3A_191 : i32 to index
      %swap3A_193 = arith.constant 96 : index
      %swap3A_194 = tpu.vector_load %arg11[%swap3A_192, %swap3A_193] {strides = array<i32>} : memref<1x128xf32, #tpu.memory_space<vmem>>, vector<16xf32>,
      tpu.vector_store %arg11[%swap3A_192, %swap3A_193], %div3A_190 {strides = array<i32>} : memref<1x128xf32, #tpu.memory_space<vmem>>, vector<16xf32>,
      %get3A_195 = arith.constant 0 : i32
      %get3A_196 = arith.index_cast %get3A_195 : i32 to index
      %get3A_197 = arith.constant 112 : index
      %get3A_198 = tpu.vector_load %arg11[%get3A_196, %get3A_197] {strides = array<i32>} : memref<1x128xf32, #tpu.memory_space<vmem>>, vector<16xf32>,
      %eq3A_199 = arith.constant 0.000000e+00 : f32
      %eq3A_200 = vector.broadcast %eq3A_199 : f32 to vector<16xf32>
      %eq3A_201 = arith.cmpf oeq, %get3A_198, %eq3A_200 : vector<16xf32>
      %jit3A_202 = arith.constant 1.000000e+00 : f32
      %broadcast_in_dim3A_203 = vector.broadcast %jit3A_202 : f32 to vector<16xf32>
      %select_n3A_204 = arith.select %eq3A_201, %broadcast_in_dim3A_203, %get3A_198 : vector<16xi1>, vector<16xf32>
      %div3A_205 = arith.constant 1.000000e+00 : f32
      %div3A_206 = vector.broadcast %div3A_205 : f32 to vector<16xf32>
      %div3A_207 = arith.divf %div3A_206, %select_n3A_204 : vector<16xf32>
      %swap3A_208 = arith.constant 0 : i32
      %swap3A_209 = arith.index_cast %swap3A_208 : i32 to index
      %swap3A_210 = arith.constant 112 : index
      %swap3A_211 = tpu.vector_load %arg11[%swap3A_209, %swap3A_210] {strides = array<i32>} : memref<1x128xf32, #tpu.memory_space<vmem>>, vector<16xf32>,
      tpu.vector_store %arg11[%swap3A_209, %swap3A_210], %div3A_207 {strides = array<i32>} : memref<1x128xf32, #tpu.memory_space<vmem>>, vector<16xf32>,
      %scan3A_212 = arith.constant 0 : i32
      %scan3A_213 = arith.constant 128 : i32
      %scan3A_214 = arith.addi %scan3A_212, %scan3A_213 : i32
      %scan3A_215 = arith.constant 1 : i32
      scf.for %scan3A_218 = %scan3A_212 to %scan3A_214 step %scan3A_215  : i32 {
        %mul3A_219 = arith.constant 1 : i32
        %mul3A_220 = arith.muli %scan3A_218, %mul3A_219 : i32
        %add3A_221 = arith.constant 0 : i32
        %add3A_222 = arith.addi %add3A_221, %mul3A_220 : i32
        %broadcast_in_dim3A_223 = arith.constant 0 : i32
        %broadcast_in_dim3A_224 = vector.broadcast %broadcast_in_dim3A_223 : i32 to vector<16xi32>
        %broadcast_in_dim3A_225 = vector.broadcast %add3A_222 : i32 to vector<16xi32>
        %gather3A = tpu.vector_load_idx %arg11[%broadcast_in_dim3A_224, %broadcast_in_dim3A_225] : memref<1x128xf32, #tpu.memory_space<vmem>>[vector<16xi32>, vector<16xi32>], vector<16xf32>,
        %get3A_226 = arith.constant 0 : i32
        %get3A_227 = arith.index_cast %get3A_226 : i32 to index
        %get3A_228 = arith.index_cast %add3A_222 : i32 to index
        %get3A_229 = arith.constant 0 : index
        %get3A_230 = tpu.vector_load %arg8[%get3A_227, %get3A_228, %get3A_229] {strides = array<i32>} : memref<2x128x128xf32, #tpu.memory_space<vmem>>, vector<16xf32>,
        %mul3A_231 = arith.mulf %get3A_230, %gather3A : vector<16xf32>
        %swap3A_232 = arith.constant 0 : i32
        %swap3A_233 = arith.index_cast %swap3A_232 : i32 to index
        %swap3A_234 = arith.index_cast %add3A_222 : i32 to index
        %swap3A_235 = arith.constant 0 : index
        %swap3A_236 = tpu.vector_load %arg8[%swap3A_233, %swap3A_234, %swap3A_235] {strides = array<i32>} : memref<2x128x128xf32, #tpu.memory_space<vmem>>, vector<16xf32>,
        tpu.vector_store %arg8[%swap3A_233, %swap3A_234, %swap3A_235], %mul3A_231 {strides = array<i32>} : memref<2x128x128xf32, #tpu.memory_space<vmem>>, vector<16xf32>,
        %get3A_237 = arith.constant 0 : i32
        %get3A_238 = arith.index_cast %get3A_237 : i32 to index
        %get3A_239 = arith.index_cast %add3A_222 : i32 to index
        %get3A_240 = arith.constant 16 : index
        %get3A_241 = tpu.vector_load %arg8[%get3A_238, %get3A_239, %get3A_240] {strides = array<i32>} : memref<2x128x128xf32, #tpu.memory_space<vmem>>, vector<16xf32>,
        %mul3A_242 = arith.mulf %get3A_241, %gather3A : vector<16xf32>
        %swap3A_243 = arith.constant 0 : i32
        %swap3A_244 = arith.index_cast %swap3A_243 : i32 to index
        %swap3A_245 = arith.index_cast %add3A_222 : i32 to index
        %swap3A_246 = arith.constant 16 : index
        %swap3A_247 = tpu.vector_load %arg8[%swap3A_244, %swap3A_245, %swap3A_246] {strides = array<i32>} : memref<2x128x128xf32, #tpu.memory_space<vmem>>, vector<16xf32>,
        tpu.vector_store %arg8[%swap3A_244, %swap3A_245, %swap3A_246], %mul3A_242 {strides = array<i32>} : memref<2x128x128xf32, #tpu.memory_space<vmem>>, vector<16xf32>,
        %get3A_248 = arith.constant 0 : i32
        %get3A_249 = arith.index_cast %get3A_248 : i32 to index
        %get3A_250 = arith.index_cast %add3A_222 : i32 to index
        %get3A_251 = arith.constant 32 : index
        %get3A_252 = tpu.vector_load %arg8[%get3A_249, %get3A_250, %get3A_251] {strides = array<i32>} : memref<2x128x128xf32, #tpu.memory_space<vmem>>, vector<16xf32>,
        %mul3A_253 = arith.mulf %get3A_252, %gather3A : vector<16xf32>
        %swap3A_254 = arith.constant 0 : i32
        %swap3A_255 = arith.index_cast %swap3A_254 : i32 to index
        %swap3A_256 = arith.index_cast %add3A_222 : i32 to index
        %swap3A_257 = arith.constant 32 : index
        %swap3A_258 = tpu.vector_load %arg8[%swap3A_255, %swap3A_256, %swap3A_257] {strides = array<i32>} : memref<2x128x128xf32, #tpu.memory_space<vmem>>, vector<16xf32>,
        tpu.vector_store %arg8[%swap3A_255, %swap3A_256, %swap3A_257], %mul3A_253 {strides = array<i32>} : memref<2x128x128xf32, #tpu.memory_space<vmem>>, vector<16xf32>,
        %get3A_259 = arith.constant 0 : i32
        %get3A_260 = arith.index_cast %get3A_259 : i32 to index
        %get3A_261 = arith.index_cast %add3A_222 : i32 to index
        %get3A_262 = arith.constant 48 : index
        %get3A_263 = tpu.vector_load %arg8[%get3A_260, %get3A_261, %get3A_262] {strides = array<i32>} : memref<2x128x128xf32, #tpu.memory_space<vmem>>, vector<16xf32>,
        %mul3A_264 = arith.mulf %get3A_263, %gather3A : vector<16xf32>
        %swap3A_265 = arith.constant 0 : i32
        %swap3A_266 = arith.index_cast %swap3A_265 : i32 to index
        %swap3A_267 = arith.index_cast %add3A_222 : i32 to index
        %swap3A_268 = arith.constant 48 : index
        %swap3A_269 = tpu.vector_load %arg8[%swap3A_266, %swap3A_267, %swap3A_268] {strides = array<i32>} : memref<2x128x128xf32, #tpu.memory_space<vmem>>, vector<16xf32>,
        tpu.vector_store %arg8[%swap3A_266, %swap3A_267, %swap3A_268], %mul3A_264 {strides = array<i32>} : memref<2x128x128xf32, #tpu.memory_space<vmem>>, vector<16xf32>,
        %get3A_270 = arith.constant 0 : i32
        %get3A_271 = arith.index_cast %get3A_270 : i32 to index
        %get3A_272 = arith.index_cast %add3A_222 : i32 to index
        %get3A_273 = arith.constant 64 : index
        %get3A_274 = tpu.vector_load %arg8[%get3A_271, %get3A_272, %get3A_273] {strides = array<i32>} : memref<2x128x128xf32, #tpu.memory_space<vmem>>, vector<16xf32>,
        %mul3A_275 = arith.mulf %get3A_274, %gather3A : vector<16xf32>
        %swap3A_276 = arith.constant 0 : i32
        %swap3A_277 = arith.index_cast %swap3A_276 : i32 to index
        %swap3A_278 = arith.index_cast %add3A_222 : i32 to index
        %swap3A_279 = arith.constant 64 : index
        %swap3A_280 = tpu.vector_load %arg8[%swap3A_277, %swap3A_278, %swap3A_279] {strides = array<i32>} : memref<2x128x128xf32, #tpu.memory_space<vmem>>, vector<16xf32>,
        tpu.vector_store %arg8[%swap3A_277, %swap3A_278, %swap3A_279], %mul3A_275 {strides = array<i32>} : memref<2x128x128xf32, #tpu.memory_space<vmem>>, vector<16xf32>,
        %get3A_281 = arith.constant 0 : i32
        %get3A_282 = arith.index_cast %get3A_281 : i32 to index
        %get3A_283 = arith.index_cast %add3A_222 : i32 to index
        %get3A_284 = arith.constant 80 : index
        %get3A_285 = tpu.vector_load %arg8[%get3A_282, %get3A_283, %get3A_284] {strides = array<i32>} : memref<2x128x128xf32, #tpu.memory_space<vmem>>, vector<16xf32>,
        %mul3A_286 = arith.mulf %get3A_285, %gather3A : vector<16xf32>
        %swap3A_287 = arith.constant 0 : i32
        %swap3A_288 = arith.index_cast %swap3A_287 : i32 to index
        %swap3A_289 = arith.index_cast %add3A_222 : i32 to index
        %swap3A_290 = arith.constant 80 : index
        %swap3A_291 = tpu.vector_load %arg8[%swap3A_288, %swap3A_289, %swap3A_290] {strides = array<i32>} : memref<2x128x128xf32, #tpu.memory_space<vmem>>, vector<16xf32>,
        tpu.vector_store %arg8[%swap3A_288, %swap3A_289, %swap3A_290], %mul3A_286 {strides = array<i32>} : memref<2x128x128xf32, #tpu.memory_space<vmem>>, vector<16xf32>,
        %get3A_292 = arith.constant 0 : i32
        %get3A_293 = arith.index_cast %get3A_292 : i32 to index
        %get3A_294 = arith.index_cast %add3A_222 : i32 to index
        %get3A_295 = arith.constant 96 : index
        %get3A_296 = tpu.vector_load %arg8[%get3A_293, %get3A_294, %get3A_295] {strides = array<i32>} : memref<2x128x128xf32, #tpu.memory_space<vmem>>, vector<16xf32>,
        %mul3A_297 = arith.mulf %get3A_296, %gather3A : vector<16xf32>
        %swap3A_298 = arith.constant 0 : i32
        %swap3A_299 = arith.index_cast %swap3A_298 : i32 to index
        %swap3A_300 = arith.index_cast %add3A_222 : i32 to index
        %swap3A_301 = arith.constant 96 : index
        %swap3A_302 = tpu.vector_load %arg8[%swap3A_299, %swap3A_300, %swap3A_301] {strides = array<i32>} : memref<2x128x128xf32, #tpu.memory_space<vmem>>, vector<16xf32>,
        tpu.vector_store %arg8[%swap3A_299, %swap3A_300, %swap3A_301], %mul3A_297 {strides = array<i32>} : memref<2x128x128xf32, #tpu.memory_space<vmem>>, vector<16xf32>,
        %get3A_303 = arith.constant 0 : i32
        %get3A_304 = arith.index_cast %get3A_303 : i32 to index
        %get3A_305 = arith.index_cast %add3A_222 : i32 to index
        %get3A_306 = arith.constant 112 : index
        %get3A_307 = tpu.vector_load %arg8[%get3A_304, %get3A_305, %get3A_306] {strides = array<i32>} : memref<2x128x128xf32, #tpu.memory_space<vmem>>, vector<16xf32>,
        %mul3A_308 = arith.mulf %get3A_307, %gather3A : vector<16xf32>
        %swap3A_309 = arith.constant 0 : i32
        %swap3A_310 = arith.index_cast %swap3A_309 : i32 to index
        %swap3A_311 = arith.index_cast %add3A_222 : i32 to index
        %swap3A_312 = arith.constant 112 : index
        %swap3A_313 = tpu.vector_load %arg8[%swap3A_310, %swap3A_311, %swap3A_312] {strides = array<i32>} : memref<2x128x128xf32, #tpu.memory_space<vmem>>, vector<16xf32>,
        tpu.vector_store %arg8[%swap3A_310, %swap3A_311, %swap3A_312], %mul3A_308 {strides = array<i32>} : memref<2x128x128xf32, #tpu.memory_space<vmem>>, vector<16xf32>,
      }
      %scan3A_216 = arith.constant 128 : i32
      %run_scoped3A_217 = arith.constant 0 : i32
      "tpu.region"() ({
        %run_scoped3A_218 = tpu.sem_alloc : memref<!tpu.dma_semaphore, #tpu.memory_space<semaphore_mem>>
        %dma_start3A = arith.constant 0 : i32
        %dma_start3A_219 = arith.constant 0 : i32
        %dma_start3A_220 = tpu.memref_slice %arg8[%run_scoped3A_217, %dma_start3A, %dma_start3A_219] : memref<2x128x128xf32, #tpu.memory_space<vmem>> -> memref<1x128x128xf32, #tpu.memory_space<vmem>>
        %dma_start3A_221 = tpu.memref_squeeze %dma_start3A_220 : memref<1x128x128xf32, #tpu.memory_space<vmem>> -> memref<128x128xf32, #tpu.memory_space<vmem>>
        %dma_start3A_222 = arith.constant 0 : i32
        %dma_start3A_223 = tpu.memref_slice %arg5[%arg0, %add3A_76, %dma_start3A_222] : memref<2x10240x128xf32, #tpu.memory_space<hbm>> -> memref<1x128x128xf32, #tpu.memory_space<hbm>>
        %dma_start3A_224 = tpu.memref_squeeze %dma_start3A_223 : memref<1x128x128xf32, #tpu.memory_space<hbm>> -> memref<128x128xf32, #tpu.memory_space<hbm>>
        %dma_start3A_225 = arith.constant 0 : i32
        %dma_start3A_226 = tpu.memref_slice %arg5[%arg0, %add3A_76, %dma_start3A_225] : memref<2x10240x128xf32, #tpu.memory_space<hbm>> -> memref<1x128x128xf32, #tpu.memory_space<hbm>>
        %dma_start3A_227 = tpu.memref_squeeze %dma_start3A_226 : memref<1x128x128xf32, #tpu.memory_space<hbm>> -> memref<128x128xf32, #tpu.memory_space<hbm>>
        %dma_start3A_228 = arith.constant 0 : i32
        %dma_start3A_229 = arith.constant 0 : i32
        %dma_start3A_230 = tpu.memref_slice %arg8[%run_scoped3A_217, %dma_start3A_228, %dma_start3A_229] : memref<2x128x128xf32, #tpu.memory_space<vmem>> -> memref<1x128x128xf32, #tpu.memory_space<vmem>>
        %dma_start3A_231 = tpu.memref_squeeze %dma_start3A_230 : memref<1x128x128xf32, #tpu.memory_space<vmem>> -> memref<128x128xf32, #tpu.memory_space<vmem>>
        tpu.enqueue_dma source(%dma_start3A_231 : memref<128x128xf32, #tpu.memory_space<vmem>>) target(%dma_start3A_227 : memref<128x128xf32, #tpu.memory_space<hbm>>) target_semaphore(%run_scoped3A_218 : memref<!tpu.dma_semaphore, #tpu.memory_space<semaphore_mem>>)
        %dma_wait3A = arith.constant 0 : i32
        %dma_wait3A_232 = arith.constant 0 : i32
        %dma_wait3A_233 = tpu.memref_slice %arg8[%run_scoped3A_217, %dma_wait3A, %dma_wait3A_232] : memref<2x128x128xf32, #tpu.memory_space<vmem>> -> memref<1x128x128xf32, #tpu.memory_space<vmem>>
        %dma_wait3A_234 = tpu.memref_squeeze %dma_wait3A_233 : memref<1x128x128xf32, #tpu.memory_space<vmem>> -> memref<128x128xf32, #tpu.memory_space<vmem>>
        %dma_wait3A_235 = arith.constant 0 : i32
        %dma_wait3A_236 = tpu.memref_slice %arg5[%arg0, %add3A_76, %dma_wait3A_235] : memref<2x10240x128xf32, #tpu.memory_space<hbm>> -> memref<1x128x128xf32, #tpu.memory_space<hbm>>
        %dma_wait3A_237 = tpu.memref_squeeze %dma_wait3A_236 : memref<1x128x128xf32, #tpu.memory_space<hbm>> -> memref<128x128xf32, #tpu.memory_space<hbm>>
        %dma_wait3A_238 = arith.constant 0 : i32
        %dma_wait3A_239 = tpu.memref_slice %arg5[%arg0, %add3A_76, %dma_wait3A_238] : memref<2x10240x128xf32, #tpu.memory_space<hbm>> -> memref<1x128x128xf32, #tpu.memory_space<hbm>>
        %dma_wait3A_240 = tpu.memref_squeeze %dma_wait3A_239 : memref<1x128x128xf32, #tpu.memory_space<hbm>> -> memref<128x128xf32, #tpu.memory_space<hbm>>
        %dma_wait3A_241 = arith.constant 0 : i32
        %dma_wait3A_242 = arith.constant 0 : i32
        %dma_wait3A_243 = tpu.memref_slice %arg8[%run_scoped3A_217, %dma_wait3A_241, %dma_wait3A_242] : memref<2x128x128xf32, #tpu.memory_space<vmem>> -> memref<1x128x128xf32, #tpu.memory_space<vmem>>
        %dma_wait3A_244 = tpu.memref_squeeze %dma_wait3A_243 : memref<1x128x128xf32, #tpu.memory_space<vmem>> -> memref<128x128xf32, #tpu.memory_space<vmem>>
        tpu.wait_dma2 semaphore(%run_scoped3A_218 : memref<!tpu.dma_semaphore, #tpu.memory_space<semaphore_mem>>) src(%dma_wait3A_244 : memref<128x128xf32, #tpu.memory_space<vmem>>) dst(%dma_wait3A_240 : memref<128x128xf32, #tpu.memory_space<hbm>>)
        tpu.yield
      }) : () -> ()
    }
    %scan3A_66 = arith.constant 5 : i32
    return
  }
}

</mosaic_0001>

<sc_bundles>
// kernel: _run.3.cloned.1.call-start
scs
__scs_entry_jumppad:
0x0: {  	(pc) =	sbr.rel $0x88, $3  }
0x1: {  	(tag) =	ssettag $0x0;
	lr =	simm.s32 $0x1  }
0x2: {  	[smem:$0x3F9E] =	sst lr;
	_ =	strace $0xD0000000  }
0x3: {  	_ = 	snop  }
0x4: {  	_ = 	snop  }
0x5: {  	_ = 	snop  }
0x6: {  	_ = 	snop  }
0x7: {  	_ = 	snop  }
__scs_overlays_trampoline_lowered:
0x8: {  	[smem:$0x3FAD] =	sst s0  }
0x9: {  	[smem:$0x3FAE] =	sst s1  }
0xa: {  	[smem:$0x3FAF] =	sst s2  }
0xb: {  	[smem:$0x3FB0] =	sst s3  }
0xc: {  	[smem:$0x3FB1] =	sst s4  }
0xd: {  	[smem:$0x3FB2] =	sst s5  }
0xe: {  	[smem:$0x3FB3] =	sst s6  }
0xf: {  	[smem:$0x3FB4] =	sst s7  }
0x10: {  	[smem:$0x3FB5] =	sst s8  }
0x11: {  	[smem:$0x3FB6] =	sst s9;
	s0 =	simm.s32 @!p0 $0x0  }
0x12: {  	s1 =	sld [smem:$0x3F9C];
	s0 =	simm.s32 @p0 $0x1  }
0x13: {  	[smem:$0x3FB7] =	sst s0;
	s0 =	simm.s32 @!p1 $0x0  }
0x14: {  	s2 =	sld [smem:$0x3F9B];
	s0 =	simm.s32 @p1 $0x1  }
0x15: {  	[smem:$0x3FB8] =	sst s0;
	s0 =	simm.s32 @!p2 $0x0  }
0x16: {  	s3 =	sld [smem:$0x3FDB];
	s0 =	simm.s32 @p2 $0x1  }
0x17: {  	s4 =	simm.s32 $0x1BF5;
	[smem:$0x3FBA] =	sst s0  }
0x18: {  	s0 =	sld [smem:$0x3F9D];
	_ =	swait.ge [sflag:s4], $0x0  }
0x19: {  	s7 =	sld [smem:$0x3F9E]  }
0x1a: {  	s8 =	sadd.s32 $0xFFFFE003, lr  }
0x1b: {  	s9 =	sadd.s32 $0xFFFFFEF7, lr;
	s5 =	simm.s32 $0xFFFFFFFF;
	p2 =	slt.u32 s8, $0xFFFFF086  }
0x1c: {  	p1 =	slt.u32 s9, $0xF7A;
	s5 =	simm.s32 @!p2 $0x0  }
0x1d: {  	s5 =	simm.s32 @p1 $0x1;
	p0 =	seq.s32 s7, s2  }
0x1e: {  	s7 =	smul.u32 @!p0 $0xF7A, s2;
	p2 =	seq.s32 @!p0 s5, $0x0  }
0x1f: {  	s9 =	smul.u32 $0xF7A, s1;
	s8 =	simm.s32 @!p0 $0x1BF5;
	p2 =	por !p2, p0  }
0x20: {  	[sflag:s8] =	ssyncset.s32 @!p0 $0xFFFFF086;
	s6 =	sadd.s32 @!p0 s3, s7;
	s7 =	simm.s32 @!p0 $0x108  }
0x21: {  	s3 =	sadd.s32 s3, s9;
	s6 =	sadd.s32 @!p0 $0x88, s6;
	s7 =	simm.s32 @p2 $0x1082  }
0x22: {  	[simem:s7], [sflag:s8] =	dma.local @!p0 [hbm:s6], $0xF7A  }
0x23: {  	s9 =	sor.u32 $0xD0000000, s2;
	s6 =	simm.s32 $0x108;
	_ =	swait.ge @!p0 [sflag:s8], $0x0  }
0x24: {  	s3 =	sadd.s32 $0x88, s3;
	s6 =	simm.s32 @!p1 $0x1082;
	[sflag:s4] =	ssyncset.s32 $0xFFFFF086  }
0x25: {  	[simem:s6], [sflag:s4] =	dma.local [hbm:s3], $0xF7A  }
0x26: {  	[smem:$0x3F9E] =	sst s1;
	(tag) =	ssettag s2;
	_ =	strace s9  }
0x27: {  	s1 =	sld [smem:$0x3FAE]  }
0x28: {  	s2 =	sld [smem:$0x3FAF]  }
0x29: {  	s4 =	sld [smem:$0x3FB1]  }
0x2a: {  	p0 =	seq.s32 s5, $0x0;
	s5 =	sld [smem:$0x3FB2]  }
0x2b: {  	s6 =	sld [smem:$0x3FB3]  }
0x2c: {  	s7 =	sld [smem:$0x3FB4]  }
0x2d: {  	s3 =	simm.s32 $0x108;
	s8 =	sld [smem:$0x3FB5]  }
0x2e: {  	s3 =	simm.s32 @!p0 $0x1082;
	s9 =	sld [smem:$0x3FB6]  }
0x2f: {  	lr =	sadd.s32 s0, s3;
	s0 =	sld [smem:$0x3FAD]  }
0x30: {  	s3 =	sld [smem:$0x3FB0]  }
0x31: {  	[smem:$0x3FB9] =	sst s10  }
0x32: {  	s10 =	sld [smem:$0x3FB7];
	_ =	sdelay $0x3  }
0x33: {  	p0 =	seq.s32 s10, $0x1;
	s10 =	sld [smem:$0x3FB9];
	_ =	sdelay $0x3  }
0x34: {  	[smem:$0x3FB9] =	sst s10  }
0x35: {  	s10 =	sld [smem:$0x3FB8];
	_ =	sdelay $0x3  }
0x36: {  	p1 =	seq.s32 s10, $0x1;
	s10 =	sld [smem:$0x3FB9];
	_ =	sdelay $0x3  }
0x37: {  	[smem:$0x3FB9] =	sst s10  }
0x38: {  	s10 =	sld [smem:$0x3FBA]  }
0x39: {  	_ = 	snop;
	(pc) =	sbr.ind lr, $3  }
0x3a: {  	_ = 	snop  }
0x3b: {  	_ = 	snop  }
0x3c: {  	p2 =	seq.s32 s10, $0x1;
	s10 =	sld [smem:$0x3FB9]  }
0x3d: {  	_ =	shalt  }
0x3e: {  	_ =	shalt  }
0x3f: {  	_ =	shalt  }
0x40: {  	_ =	shalt  }
0x41: {  	_ =	shalt  }
0x42: {  	_ =	shalt  }
0x43: {  	_ =	shalt  }
0x44: {  	_ =	shalt  }
0x45: {  	_ =	shalt  }
0x46: {  	_ =	shalt  }
0x47: {  	_ =	shalt  }
0x48: {  	_ =	shalt  }
0x49: {  	_ =	shalt  }
0x4a: {  	_ =	shalt  }
0x4b: {  	_ =	shalt  }
0x4c: {  	_ =	shalt  }
0x4d: {  	_ =	shalt  }
0x4e: {  	_ =	shalt  }
0x4f: {  	_ =	shalt  }
0x50: {  	_ =	shalt  }
0x51: {  	_ =	shalt  }
0x52: {  	_ =	shalt  }
0x53: {  	_ =	shalt  }
0x54: {  	_ =	shalt  }
0x55: {  	_ =	shalt  }
0x56: {  	_ =	shalt  }
0x57: {  	_ =	shalt  }
0x58: {  	_ =	shalt  }
0x59: {  	_ =	shalt  }
0x5a: {  	_ =	shalt  }
0x5b: {  	_ =	shalt  }
0x5c: {  	_ =	shalt  }
0x5d: {  	_ =	shalt  }
0x5e: {  	_ =	shalt  }
0x5f: {  	_ =	shalt  }
0x60: {  	_ =	shalt  }
0x61: {  	_ =	shalt  }
0x62: {  	_ =	shalt  }
0x63: {  	_ =	shalt  }
0x64: {  	_ =	shalt  }
0x65: {  	_ =	shalt  }
0x66: {  	_ =	shalt  }
0x67: {  	_ =	shalt  }
0x68: {  	_ =	shalt  }
0x69: {  	_ =	shalt  }
0x6a: {  	_ =	shalt  }
0x6b: {  	_ =	shalt  }
0x6c: {  	_ =	shalt  }
0x6d: {  	_ =	shalt  }
0x6e: {  	_ =	shalt  }
0x6f: {  	_ =	shalt  }
0x70: {  	_ =	shalt  }
0x71: {  	_ =	shalt  }
0x72: {  	_ =	shalt  }
0x73: {  	_ =	shalt  }
0x74: {  	_ =	shalt  }
0x75: {  	_ =	shalt  }
0x76: {  	_ =	shalt  }
0x77: {  	_ =	shalt  }
0x78: {  	_ =	shalt  }
0x79: {  	_ =	shalt  }
0x7a: {  	_ =	shalt  }
0x7b: {  	_ =	shalt  }
0x7c: {  	_ =	shalt  }
0x7d: {  	_ =	shalt  }
0x7e: {  	_ =	shalt  }
0x7f: {  	_ =	shalt  }
0x80: {  	_ =	shalt  }
0x81: {  	_ =	shalt  }
0x82: {  	_ =	shalt  }
0x83: {  	_ =	shalt  }
0x84: {  	_ =	shalt  }
0x85: {  	_ =	shalt  }
0x86: {  	_ =	shalt  }
0x87: {  	_ =	shalt  }
.Lfunc_end0:
.L_simem_size_0:
called_computation_lowered:
.L_overlay_start_0:
0x88: {  	s2 =	sld [smem:$0x3FD9]  }
0x89: {  	s3 =	sld [smem:$0x3FFE];
	_ =	sdelay $0x1  }
0x8a: {  	s1 =	srdreg.scid  }
0x8b: {  	s0 =	sand.u32 $0x1, s1  }
0x8c: {  	s18 =	sshll.u32 s0, $0xA;
	s2 =	sadd.s32 s3, s2  }
0x8d: {  	s2 =	sadd.s32 s2, s18  }
0x8e: {  	[smem:$0x3FC5] =	sst s2  }
0x8f: {  	_ = 	snop  }
0x90: {  	s2 =	sld [smem:$0x3FC9]  }
0x91: {  	s19 =	sld [smem:$0x3FC8]  }
0x92: {  	s4 =	sld [smem:$0x3FC7]  }
0x93: {  	s5 =	sld [smem:$0x3FD0];
	(tm) =	ssettm $0x1  }
0x94: {  	s6 =	sld [smem:$0x3FFB];
	_ =	sdelay $0x3  }
0x95: {  	_ =	strace s6  }
0x96: {  	s6 =	sld [smem:$0x3FFC];
	_ =	sdelay $0x3  }
0x97: {  	_ =	strace s6  }
0x98: {  	s6 =	sld [smem:$0x3FFD];
	_ =	sdelay $0x3  }
0x99: {  	_ =	strace s6  }
0x9a: {  	_ =	strace $0x8FFFFFFF  }
0x9b: {  	s20 =	sld [smem:$0x3FDB];
	_ =	sdelay $0x1  }
0x9c: {  	s7 =	simm.s32 $_scs_section_size  }
0x9d: {  	s8 =	simm.s32 $_size__tile_overlayer_lowered;
	s9 =	simm.s32 $_tile_overlayer_lowered  }
0x9e: {  	s23 =	simm.s32 $0x1BFF;
	s22 =	sshll.u32 s9, $0x1;
	s6 =	sadd.s32 s7, s20  }
0x9f: {  	s10 =	simm.s32 $0x0;
	s21 =	sshll.u32 s8, $0x1;
	s8 =	sadd.s32 s22, s6  }
0xa0: {  	[timem:s10], [sflag:s23] =	dma.local [hbm:s8], s21  }
0xa1: {  	_ =	swait.ge [sflag:s23], s21  }
0xa2: {  	s7 =	ssub.s32 $0x0, s21;
	[sflag:s23] =	ssyncset.done $0x0  }
0xa3: {  	[sflag:s23] =	ssyncadd.s32 s7;
	_ =	sdelay $0x1  }
0xa4: {  	s24 =	simm.s32 $0x1B8B  }
0xa5: {  	_ =	swait.ge [sflag:s24], $0x1  }
0xa6: {  	[sflag:s24] =	ssyncset.done $0x0  }
0xa7: {  	s25 =	simm.s32 $0x1B8E;
	[sflag:s24] =	ssyncadd.s32 $0xFFFFFFFF  }
0xa8: {  	s26 =	simm.s32 $execute0_lowered;
	[smem:$0x3FD2] =	sst s25  }
0xa9: {  	s7 =	sshll.u32 s26, $0x1;
	_ =	strace $0x80000046;
	[dreg:$0x1] =	wrdreg $0xFFFFFFFF  }
0xaa: {  	s28 =	simm.s32 $_size_execute0_lowered;
	s6 =	sadd.s32 s6, s7;
	[dreg:$0x0] =	wrdreg $0x0  }
0xab: {  	s7 =	sshll.u32 s28, $0x1;
	[dreg:$0x2] =	wrdreg s6  }
0xac: {  	[dreg:$0x3] =	wrdreg s7  }
0xad: {  	[dreg:$0x4] =	wrdreg $0xC0  }
0xae: {  	_ =	task [dreg:s10], $0x5FFFF  }
0xaf: {  	[dreg:$0x1] =	wrdreg $0xFFFFFFFF  }
0xb0: {  	[dreg:$0x0] =	wrdreg $0x60  }
0xb1: {  	[dreg:$0x2] =	wrdreg s2  }
0xb2: {  	[dreg:$0x3] =	wrdreg s19  }
0xb3: {  	[dreg:$0x4] =	wrdreg s4  }
0xb4: {  	[dreg:$0x5] =	wrdreg s5  }
0xb5: {  	[dreg:$0x6] =	wrdreg $0xB9000  }
0xb6: {  	[dreg:$0x7] =	wrdreg $0x1F9000  }
0xb7: {  	[dreg:$0x8] =	wrdreg $0x9  }
0xb8: {  	_ =	task.clear_ibuf [dreg:s10], $0x9FFFF;
	_ =	strace $0x90000046  }
0xb9: {  	s29 =	simm.s32 $0x9;
	_ =	strace $0x80000048  }
0xba: {  	_ =	swait.ge [sflag:s29], $0x1  }
0xbb: {  	[sflag:s29] =	ssyncadd.s32 $0xFFFFFFFF  }
0xbc: {  	_ =	strace $0x90000048  }
0xbd: {  	_ =	sfence  }
0xbe: {  	s30 =	sld [smem:$0x0];
	_ =	sdelay $0x2  }
0xbf: {  	s31 =	sshll.u32 s1, $0xD;
	s1 =	sshrl.u32 s1, $0x2  }
0xc0: {  	s3 =	sand.u32 $0x4000, s31;
	s1 =	sadd.s32 s1, s30  }
0xc1: {  	s0 =	sor.u32 s3, s0;
	s1 =	sshll.u32 s1, $0x11  }
0xc2: {  	s0 =	sor.u32 s1, s0  }
0xc3: {  	s0 =	sadd.s32 $0x8F2B, s0  }
0xc4: {  	[sflag:s0] =	ssyncadd.remote.s32 $0x1  }
0xc5: {  	_ =	sfence.sel $0xFFFF  }
0xc6: {  	[dreg:$0x0] =	wrdreg $0xFFFFFFFF;
	(pc) =	sbr.abs _section_cstart, $3  }
0xc7: {  	[dreg:$0x1] =	wrdreg $0xFFFFFFFF  }
0xc8: {  	_ =	task.clear_ibuf [dreg:s10], $0x2FFFF;
	_ =	strace $0x9FFFFFFF  }
0xc9: {  	(tm) =	ssettm $0x7FFFFFFF  }
tec
execute0_lowered:
.L_overlay_start_1:
0x0: {  	(tag) =	ssettag $0x1  }
0x1: {  	s1 =	rddreg [dreg:$0x0]  }
0x2: {  	s2 =	rddreg [dreg:$0x1]  }
0x3: {  	s3 =	rddreg [dreg:$0x2]  }
0x4: {  	s5 =	rddreg [dreg:$0x3]  }
0x5: {  	s6 =	rddreg [dreg:$0x4]  }
0x6: {  	s7 =	rddreg [dreg:$0x5];
	s14 =	stileid.u32;
	s8 =	simm.s32 $0x0  }
0x7: {  	s0 =	srdreg.scid;
	s28 =	simm.s32 $0x9000;
	s4 =	smul.u32 $0x50000, s14  }
0x8: {  	s29 =	simm.s32 $0x1;
	s30 =	simm.s32 $0x5000;
	s11 =	smul.u32 $0xA00, s14  }
0x9: {  	s31 =	simm.s32 $0x2;
	s0 =	sand.u32 $0x1, s0;
	s9 =	smul.u32 $0x5000, s14  }
0xa: {  	[smem:$0x7FF] =	sst s8;
	s10 =	ssub.s32 $0x2, s0;
	s12 =	smul.u32 $0x50000, s0  }
0xb: {  	_ =	strace $0x80000047;
	s17 =	smul.u32 $0x140000, s0;
	s13 =	sshrl.u32 s10, $0x1  }
0xc: {  	s4 =	sshrl.u32 s4, $0x2;
	s19 =	sshrl.u32 s11, $0x2;
	s21 =	sshrl.u32 s9, $0x3  }
0xd: {  	s15 =	ssub.s32 s10, s13;
	s10 =	sadd.s32 s4, s6;
	s4 =	sadd.s32 s19, s7  }
0xe: {  	s0 =	simm.s32 $0x3;
	s22 =	sadd.s32 s3, s21;
	[dreg:$0x7] =	wrdreg s4  }
0xf: {  	s11 =	smul.u32 $0x5, s14;
	[dreg:$0x9] =	wrdreg s22;
	s23 =	smax.u32 s15, $0x1  }
0x10: {  	s14 =	smul.u32 $0x280, s14;
	s24 =	sadd.s32 $0x4000, s10;
	[dreg:$0xa] =	wrdreg s23  }
0x11: {  	s13 =	sadd.s32 s9, s12;
	s25 =	sadd.s32 $0x8000, s10;
	[dreg:$0xb] =	wrdreg s24  }
0x12: {  	s20 =	sshrl.u32 s13, $0x3;
	s26 =	sadd.s32 $0xC000, s10;
	[dreg:$0xc] =	wrdreg s25  }
0x13: {  	v0 =	vlaneseq.u32;
	s22 =	sadd.s32 $0x10000, s10;
	s4 =	sadd.s32 s2, s20;
	[dreg:$0xd] =	wrdreg s26  }
0x14: {  	v1 =	vimm.f32 $0.0e+00;
	v6 =	vimm.f32 $1.000000000e+00;
	v2 =	vor.u32 $0x10, v0;
	s23 =	simm.s32 $0x1000;
	s24 =	simm.s32 $0x4;
	s26 =	simm.s32 $0x80  }
0x15: {  	v3 =	vor.u32 $0x20, v0;
	v4 =	vor.u32 $0x30, v0;
	v5 =	vor.u32 $0x40, v0;
	s25 =	simm.s32 $0x0;
	[dreg:$0x8] =	wrdreg s4;
	s4 =	simm.s32 $0xB880  }
.LBB2_1:
0x16: {  	s12 =	simm.s32 $0x0;
	s15 =	simm.s32 $0x200  }
.LBB2_2:
0x17: {  	p0 =	sne.s32 s15, $0xFE00;
	[tilespmem:s12+$0x1070] =	vst v1  }
0x18: {  	[tilespmem:s12+$0x1000] =	vst v1  }
0x19: {  	[tilespmem:s12+$0x1010] =	vst v1  }
.Ltmp0:
0x1a: {  	[tilespmem:s12+$0x1020] =	vst v1;
	(pc) =	sbr.rel @p0 .LBB2_2-.Ltmp0, $4  }
0x1b: {  	[tilespmem:s12+$0x1030] =	vst v1  }
0x1c: {  	[tilespmem:s12+$0x1040] =	vst v1  }
0x1d: {  	[tilespmem:s12+$0x1050] =	vst v1  }
0x1e: {  	[tilespmem:s12+$0x1060] =	vst v1;
	s12 =	sshra.s32 s15, $0x2;
	s15 =	sadd.s32 $0x200, s15  }
0x1f: {  	[tilespmem:s12+$0x1070] =	vst v1  }
0x20: {  	[tilespmem:s12+$0x1000] =	vst v1  }
0x21: {  	[tilespmem:s12+$0x1010] =	vst v1  }
0x22: {  	[tilespmem:s12+$0x1020] =	vst v1  }
0x23: {  	[tilespmem:s12+$0x1030] =	vst v1  }
0x24: {  	[tilespmem:s12+$0x1040] =	vst v1  }
0x25: {  	[tilespmem:s12+$0x1050] =	vst v1  }
0x26: {  	[tilespmem:s12+$0x1060] =	vst v1;
	s12 =	simm.s32 $0x0;
	s15 =	simm.s32 $0x200  }
.LBB2_4:
0x27: {  	p0 =	sne.s32 s15, $0x9E00;
	[tilespmem:s12+$0x9070] =	vst v1  }
0x28: {  	[tilespmem:s12+$0x9000] =	vst v1  }
0x29: {  	[tilespmem:s12+$0x9010] =	vst v1  }
.Ltmp1:
0x2a: {  	[tilespmem:s12+$0x9020] =	vst v1;
	(pc) =	sbr.rel @p0 .LBB2_4-.Ltmp1, $4  }
0x2b: {  	[tilespmem:s12+$0x9030] =	vst v1  }
0x2c: {  	[tilespmem:s12+$0x9040] =	vst v1  }
0x2d: {  	[tilespmem:s12+$0x9050] =	vst v1  }
0x2e: {  	[tilespmem:s12+$0x9060] =	vst v1;
	s12 =	sshra.s32 s15, $0x2;
	s15 =	sadd.s32 $0x200, s15  }
0x2f: {  	[tilespmem:s12+$0x9070] =	vst v1  }
0x30: {  	[tilespmem:s12+$0x9000] =	vst v1  }
0x31: {  	[tilespmem:s12+$0x9010] =	vst v1  }
0x32: {  	[tilespmem:s12+$0x9020] =	vst v1  }
0x33: {  	[tilespmem:s12+$0x9030] =	vst v1  }
0x34: {  	[tilespmem:s12+$0x9040] =	vst v1  }
0x35: {  	[tilespmem:s12+$0x9050] =	vst v1  }
0x36: {  	[tilespmem:s12+$0x9060] =	vst v1  }
0x37: {  	[tilespmem:$0xB800] =	vst v0  }
0x38: {  	[tilespmem:$0xB810] =	vst v2  }
0x39: {  	[tilespmem:$0xB820] =	vst v3  }
0x3a: {  	[tilespmem:$0xB830] =	vst v4  }
0x3b: {  	[tilespmem:$0xB840] =	vst v5  }
0x3c: {  	[spmem:s10] =	stream.linear.scatter [tilespmem:s23], [sflag:$0x4], $0x4000, $0x38;
	[tilespmem:$0x1FB80] =	vst v63  }
0x3d: {  	_ =	swait.ge [sflag:s24], $0x4000  }
0x3e: {  	[sflag:s24] =	ssyncset.done $0x0  }
0x3f: {  	s16 =	rddreg [dreg:$0xb];
	[sflag:s24] =	ssyncadd.s32 $0xFFFFC000  }
0x40: {  	[spmem:s16] =	stream.linear.scatter [tilespmem:s23], [sflag:$0x4], $0x4000, $0x38;
	[tilespmem:$0x1FB80] =	vst v63  }
0x41: {  	_ =	swait.ge [sflag:s24], $0x4000  }
0x42: {  	[sflag:s24] =	ssyncset.done $0x0  }
0x43: {  	s18 =	rddreg [dreg:$0xc];
	[sflag:s24] =	ssyncadd.s32 $0xFFFFC000  }
0x44: {  	[spmem:s18] =	stream.linear.scatter [tilespmem:s23], [sflag:$0x4], $0x4000, $0x38;
	[tilespmem:$0x1FB80] =	vst v63  }
0x45: {  	_ =	swait.ge [sflag:s24], $0x4000  }
0x46: {  	[sflag:s24] =	ssyncset.done $0x0  }
0x47: {  	s19 =	rddreg [dreg:$0xd];
	[sflag:s24] =	ssyncadd.s32 $0xFFFFC000  }
0x48: {  	[spmem:s19] =	stream.linear.scatter [tilespmem:s23], [sflag:$0x4], $0x4000, $0x38;
	[tilespmem:$0x1FB80] =	vst v63  }
0x49: {  	_ =	swait.ge [sflag:s24], $0x4000  }
0x4a: {  	[sflag:s24] =	ssyncset.done $0x0  }
0x4b: {  	[sflag:s24] =	ssyncadd.s32 $0xFFFFC000  }
0x4c: {  	[spmem:s22] =	stream.linear.scatter [tilespmem:s23], [sflag:$0x4], $0x4000, $0x38;
	[tilespmem:$0x1FB80] =	vst v63  }
0x4d: {  	_ =	swait.ge [sflag:s24], $0x4000  }
0x4e: {  	[sflag:s24] =	ssyncset.done $0x0  }
0x4f: {  	s20 =	rddreg [dreg:$0x7];
	[sflag:s24] =	ssyncadd.s32 $0xFFFFC000  }
0x50: {  	[spmem:s20] =	stream.linear.scatter [tilespmem:s23], [sflag:$0x4], $0x280, $0x38;
	[tilespmem:$0x1FB80] =	vst v63  }
0x51: {  	_ =	swait.ge [sflag:s24], $0x280  }
0x52: {  	[sflag:s24] =	ssyncset.done $0x0  }
0x53: {  	[sflag:s24] =	ssyncadd.s32 $0xFFFFFD80  }
0x54: {  	[bflag:$0x0] =	sbarrier.arrive $0xFFFF  }
0x55: {  	s12 =	simm.s32 $0x0;
	s15 =	rddreg [dreg:$0x8]  }
0x56: {  	[tilespmem:s12], [sflag:$0x4] =	stream.linear.gather [hbm4b:s15+s12], $0x400, $0x38;
	[tilespmem:$0x1FB80] =	vst v63  }
0x57: {  	_ =	swait.ge [sflag:s24], $0x400  }
0x58: {  	[sflag:s24] =	ssyncset.done $0x0  }
0x59: {  	s16 =	simm.s32 $0x800;
	s21 =	rddreg [dreg:$0x9];
	[sflag:s24] =	ssyncadd.s32 $0xFFFFFC00  }
0x5a: {  	[tilespmem:s16], [sflag:$0x4] =	stream.linear.gather [hbm4b:s21+s12], $0x400, $0x38;
	[tilespmem:$0x1FB80] =	vst v63  }
0x5b: {  	_ =	swait.ge [sflag:s24], $0x400  }
0x5c: {  	[sflag:s24] =	ssyncset.done $0x0  }
0x5d: {  	[sflag:s24] =	ssyncadd.s32 $0xFFFFFC00  }
.LBB2_6:
0x5e: {  	s15 =	smov.u32 s12;
	s12 =	sadd.s32 $0x400, s12  }
0x5f: {  	p0 =	seq.s32 s15, $0x4C00;
	s16 =	smov.u32 s12  }
0x60: {  	s16 =	simm.s32 @p0 $0x4C00  }
0x61: {  	s18 =	sadd.s32 s13, s16  }
0x62: {  	s16 =	sadd.s32 s9, s16;
	s18 =	sshrl.u32 s18, $0x3  }
0x63: {  	s19 =	sand.u32 $0x400, s12;
	s16 =	sshrl.u32 s16, $0x3;
	s18 =	sadd.s32 s2, s18  }
0x64: {  	[tilespmem:s19], [sflag:$0x3] =	stream.linear.gather [hbm4b:s18+s8], $0x400, $0x38;
	[tilespmem:$0x1FB80] =	vst v63  }
0x65: {  	s16 =	sadd.s32 s3, s16;
	s19 =	sor.u32 $0x800, s19  }
0x66: {  	[tilespmem:s19], [sflag:$0x3] =	stream.linear.gather [hbm4b:s16+s8], $0x400, $0x38;
	[tilespmem:$0x1FB80] =	vst v63  }
0x67: {  	s16 =	sand.u32 $0x400, s15  }
0x68: {  	[tilespmem:s23], [sflag:$0x1] =	stream.indirect.gather [hbm4b:s1+s26], $0x80, s16, s26, $0xb8;
	[tilespmem:$0x1FB80] =	vst v63  }
0x69: {  	v7 =	vld [tilespmem:s16+$0x800];
	_ =	sdelay $0x7  }
0x6a: {  	[tilespmem:v7+s28+$0x0] =	vst.idx.add.f32.msk $0xffff, v6  }
0x6b: {  	v7 =	vld [tilespmem:s16+$0x810];
	_ =	sdelay $0x7  }
0x6c: {  	[tilespmem:v7+s28+$0x0] =	vst.idx.add.f32.msk $0xffff, v6  }
0x6d: {  	v7 =	vld [tilespmem:s16+$0x820];
	_ =	sdelay $0x7  }
0x6e: {  	[tilespmem:v7+s28+$0x0] =	vst.idx.add.f32.msk $0xffff, v6  }
0x6f: {  	v7 =	vld [tilespmem:s16+$0x830];
	_ =	sdelay $0x7  }
0x70: {  	[tilespmem:v7+s28+$0x0] =	vst.idx.add.f32.msk $0xffff, v6  }
0x71: {  	v7 =	vld [tilespmem:s16+$0x840];
	_ =	sdelay $0x7  }
0x72: {  	[tilespmem:v7+s28+$0x0] =	vst.idx.add.f32.msk $0xffff, v6  }
0x73: {  	v7 =	vld [tilespmem:s16+$0x850];
	_ =	sdelay $0x7  }
0x74: {  	[tilespmem:v7+s28+$0x0] =	vst.idx.add.f32.msk $0xffff, v6  }
0x75: {  	v7 =	vld [tilespmem:s16+$0x860];
	_ =	sdelay $0x7  }
0x76: {  	[tilespmem:v7+s28+$0x0] =	vst.idx.add.f32.msk $0xffff, v6  }
0x77: {  	v7 =	vld [tilespmem:s16+$0x870];
	_ =	sdelay $0x7  }
0x78: {  	[tilespmem:v7+s28+$0x0] =	vst.idx.add.f32.msk $0xffff, v6  }
0x79: {  	_ =	swait.ge [sflag:s29], $0x4000  }
0x7a: {  	[sflag:s29] =	ssyncset.done $0x0  }
0x7b: {  	s20 =	sor.u32 $0x800, s16;
	[sflag:s29] =	ssyncadd.s32 $0xFFFFC000  }
0x7c: {  	[spmem:s6] =	stream.indirect.scatter.add.f32 [tilespmem:s23], [sflag:$0x2], $0x80, s20, s26, $0xb8;
	[tilespmem:$0x1FB80] =	vst v63  }
0x7d: {  	s21 =	sor.u32 $0x80, s16  }
0x7e: {  	[tilespmem:s30], [sflag:$0x1] =	stream.indirect.gather [hbm4b:s1+s26], $0x80, s21, s26, $0xb8;
	[tilespmem:$0x1FB80] =	vst v63  }
0x7f: {  	v7 =	vld [tilespmem:s16+$0x880];
	_ =	sdelay $0x7  }
0x80: {  	[tilespmem:v7+s28+$0x0] =	vst.idx.add.f32.msk $0xffff, v6  }
0x81: {  	v7 =	vld [tilespmem:s16+$0x890];
	_ =	sdelay $0x7  }
0x82: {  	[tilespmem:v7+s28+$0x0] =	vst.idx.add.f32.msk $0xffff, v6  }
0x83: {  	v7 =	vld [tilespmem:s16+$0x8A0];
	_ =	sdelay $0x7  }
0x84: {  	[tilespmem:v7+s28+$0x0] =	vst.idx.add.f32.msk $0xffff, v6  }
0x85: {  	v7 =	vld [tilespmem:s16+$0x8B0];
	_ =	sdelay $0x7  }
0x86: {  	[tilespmem:v7+s28+$0x0] =	vst.idx.add.f32.msk $0xffff, v6  }
0x87: {  	v7 =	vld [tilespmem:s16+$0x8C0];
	_ =	sdelay $0x7  }
0x88: {  	[tilespmem:v7+s28+$0x0] =	vst.idx.add.f32.msk $0xffff, v6  }
0x89: {  	v7 =	vld [tilespmem:s16+$0x8D0];
	_ =	sdelay $0x7  }
0x8a: {  	[tilespmem:v7+s28+$0x0] =	vst.idx.add.f32.msk $0xffff, v6  }
0x8b: {  	v7 =	vld [tilespmem:s16+$0x8E0];
	_ =	sdelay $0x7  }
0x8c: {  	[tilespmem:v7+s28+$0x0] =	vst.idx.add.f32.msk $0xffff, v6  }
0x8d: {  	v7 =	vld [tilespmem:s16+$0x8F0];
	_ =	sdelay $0x7  }
0x8e: {  	[tilespmem:v7+s28+$0x0] =	vst.idx.add.f32.msk $0xffff, v6  }
0x8f: {  	_ =	swait.ge [sflag:s29], $0x4000  }
0x90: {  	[sflag:s29] =	ssyncset.done $0x0  }
0x91: {  	s19 =	sor.u32 $0x880, s16;
	[sflag:s29] =	ssyncadd.s32 $0xFFFFC000  }
0x92: {  	[spmem:s6] =	stream.indirect.scatter.add.f32 [tilespmem:s30], [sflag:$0x2], $0x80, s19, s26, $0xb8;
	[tilespmem:$0x1FB80] =	vst v63  }
0x93: {  	_ =	swait.ge [sflag:s31], $0x4000  }
0x94: {  	[sflag:s31] =	ssyncset.done $0x0  }
0x95: {  	s20 =	sor.u32 $0x100, s16;
	[sflag:s31] =	ssyncadd.s32 $0xFFFFC000  }
0x96: {  	[tilespmem:s23], [sflag:$0x1] =	stream.indirect.gather [hbm4b:s1+s26], $0x80, s20, s26, $0xb8;
	[tilespmem:$0x1FB80] =	vst v63  }
0x97: {  	v7 =	vld [tilespmem:s16+$0x900];
	_ =	sdelay $0x7  }
0x98: {  	[tilespmem:v7+s28+$0x0] =	vst.idx.add.f32.msk $0xffff, v6  }
0x99: {  	v7 =	vld [tilespmem:s16+$0x910];
	_ =	sdelay $0x7  }
0x9a: {  	[tilespmem:v7+s28+$0x0] =	vst.idx.add.f32.msk $0xffff, v6  }
0x9b: {  	v7 =	vld [tilespmem:s16+$0x920];
	_ =	sdelay $0x7  }
0x9c: {  	[tilespmem:v7+s28+$0x0] =	vst.idx.add.f32.msk $0xffff, v6  }
0x9d: {  	v7 =	vld [tilespmem:s16+$0x930];
	_ =	sdelay $0x7  }
0x9e: {  	[tilespmem:v7+s28+$0x0] =	vst.idx.add.f32.msk $0xffff, v6  }
0x9f: {  	v7 =	vld [tilespmem:s16+$0x940];
	_ =	sdelay $0x7  }
0xa0: {  	[tilespmem:v7+s28+$0x0] =	vst.idx.add.f32.msk $0xffff, v6  }
0xa1: {  	v7 =	vld [tilespmem:s16+$0x950];
	_ =	sdelay $0x7  }
0xa2: {  	[tilespmem:v7+s28+$0x0] =	vst.idx.add.f32.msk $0xffff, v6  }
0xa3: {  	v7 =	vld [tilespmem:s16+$0x960];
	_ =	sdelay $0x7  }
0xa4: {  	[tilespmem:v7+s28+$0x0] =	vst.idx.add.f32.msk $0xffff, v6  }
0xa5: {  	v7 =	vld [tilespmem:s16+$0x970];
	_ =	sdelay $0x7  }
0xa6: {  	[tilespmem:v7+s28+$0x0] =	vst.idx.add.f32.msk $0xffff, v6  }
0xa7: {  	_ =	swait.ge [sflag:s29], $0x4000  }
0xa8: {  	[sflag:s29] =	ssyncset.done $0x0  }
0xa9: {  	s21 =	sor.u32 $0x900, s16;
	[sflag:s29] =	ssyncadd.s32 $0xFFFFC000  }
0xaa: {  	[spmem:s6] =	stream.indirect.scatter.add.f32 [tilespmem:s23], [sflag:$0x2], $0x80, s21, s26, $0xb8;
	[tilespmem:$0x1FB80] =	vst v63  }
0xab: {  	_ =	swait.ge [sflag:s31], $0x4000  }
0xac: {  	[sflag:s31] =	ssyncset.done $0x0  }
0xad: {  	s19 =	sor.u32 $0x180, s16;
	[sflag:s31] =	ssyncadd.s32 $0xFFFFC000  }
0xae: {  	[tilespmem:s30], [sflag:$0x1] =	stream.indirect.gather [hbm4b:s1+s26], $0x80, s19, s26, $0xb8;
	[tilespmem:$0x1FB80] =	vst v63  }
0xaf: {  	v7 =	vld [tilespmem:s16+$0x980];
	_ =	sdelay $0x7  }
0xb0: {  	[tilespmem:v7+s28+$0x0] =	vst.idx.add.f32.msk $0xffff, v6  }
0xb1: {  	v7 =	vld [tilespmem:s16+$0x990];
	_ =	sdelay $0x7  }
0xb2: {  	[tilespmem:v7+s28+$0x0] =	vst.idx.add.f32.msk $0xffff, v6  }
0xb3: {  	v7 =	vld [tilespmem:s16+$0x9A0];
	_ =	sdelay $0x7  }
0xb4: {  	[tilespmem:v7+s28+$0x0] =	vst.idx.add.f32.msk $0xffff, v6  }
0xb5: {  	v7 =	vld [tilespmem:s16+$0x9B0];
	_ =	sdelay $0x7  }
0xb6: {  	[tilespmem:v7+s28+$0x0] =	vst.idx.add.f32.msk $0xffff, v6  }
0xb7: {  	v7 =	vld [tilespmem:s16+$0x9C0];
	_ =	sdelay $0x7  }
0xb8: {  	[tilespmem:v7+s28+$0x0] =	vst.idx.add.f32.msk $0xffff, v6  }
0xb9: {  	v7 =	vld [tilespmem:s16+$0x9D0];
	_ =	sdelay $0x7  }
0xba: {  	[tilespmem:v7+s28+$0x0] =	vst.idx.add.f32.msk $0xffff, v6  }
0xbb: {  	v7 =	vld [tilespmem:s16+$0x9E0];
	_ =	sdelay $0x7  }
0xbc: {  	[tilespmem:v7+s28+$0x0] =	vst.idx.add.f32.msk $0xffff, v6  }
0xbd: {  	v7 =	vld [tilespmem:s16+$0x9F0];
	_ =	sdelay $0x7  }
0xbe: {  	[tilespmem:v7+s28+$0x0] =	vst.idx.add.f32.msk $0xffff, v6  }
0xbf: {  	_ =	swait.ge [sflag:s29], $0x4000  }
0xc0: {  	[sflag:s29] =	ssyncset.done $0x0  }
0xc1: {  	s20 =	sor.u32 $0x980, s16;
	[sflag:s29] =	ssyncadd.s32 $0xFFFFC000  }
0xc2: {  	[spmem:s6] =	stream.indirect.scatter.add.f32 [tilespmem:s30], [sflag:$0x2], $0x80, s20, s26, $0xb8;
	[tilespmem:$0x1FB80] =	vst v63  }
0xc3: {  	_ =	swait.ge [sflag:s31], $0x4000  }
0xc4: {  	[sflag:s31] =	ssyncset.done $0x0  }
0xc5: {  	s21 =	sor.u32 $0x200, s16;
	[sflag:s31] =	ssyncadd.s32 $0xFFFFC000  }
0xc6: {  	[tilespmem:s23], [sflag:$0x1] =	stream.indirect.gather [hbm4b:s1+s26], $0x80, s21, s26, $0xb8;
	[tilespmem:$0x1FB80] =	vst v63  }
0xc7: {  	v7 =	vld [tilespmem:s16+$0xA00];
	_ =	sdelay $0x7  }
0xc8: {  	[tilespmem:v7+s28+$0x0] =	vst.idx.add.f32.msk $0xffff, v6  }
0xc9: {  	v7 =	vld [tilespmem:s16+$0xA10];
	_ =	sdelay $0x7  }
0xca: {  	[tilespmem:v7+s28+$0x0] =	vst.idx.add.f32.msk $0xffff, v6  }
0xcb: {  	v7 =	vld [tilespmem:s16+$0xA20];
	_ =	sdelay $0x7  }
0xcc: {  	[tilespmem:v7+s28+$0x0] =	vst.idx.add.f32.msk $0xffff, v6  }
0xcd: {  	v7 =	vld [tilespmem:s16+$0xA30];
	_ =	sdelay $0x7  }
0xce: {  	[tilespmem:v7+s28+$0x0] =	vst.idx.add.f32.msk $0xffff, v6  }
0xcf: {  	v7 =	vld [tilespmem:s16+$0xA40];
	_ =	sdelay $0x7  }
0xd0: {  	[tilespmem:v7+s28+$0x0] =	vst.idx.add.f32.msk $0xffff, v6  }
0xd1: {  	v7 =	vld [tilespmem:s16+$0xA50];
	_ =	sdelay $0x7  }
0xd2: {  	[tilespmem:v7+s28+$0x0] =	vst.idx.add.f32.msk $0xffff, v6  }
0xd3: {  	v7 =	vld [tilespmem:s16+$0xA60];
	_ =	sdelay $0x7  }
0xd4: {  	[tilespmem:v7+s28+$0x0] =	vst.idx.add.f32.msk $0xffff, v6  }
0xd5: {  	v7 =	vld [tilespmem:s16+$0xA70];
	_ =	sdelay $0x7  }
0xd6: {  	[tilespmem:v7+s28+$0x0] =	vst.idx.add.f32.msk $0xffff, v6  }
0xd7: {  	_ =	swait.ge [sflag:s29], $0x4000  }
0xd8: {  	[sflag:s29] =	ssyncset.done $0x0  }
0xd9: {  	s19 =	sor.u32 $0xA00, s16;
	[sflag:s29] =	ssyncadd.s32 $0xFFFFC000  }
0xda: {  	[spmem:s6] =	stream.indirect.scatter.add.f32 [tilespmem:s23], [sflag:$0x2], $0x80, s19, s26, $0xb8;
	[tilespmem:$0x1FB80] =	vst v63  }
0xdb: {  	_ =	swait.ge [sflag:s31], $0x4000  }
0xdc: {  	[sflag:s31] =	ssyncset.done $0x0  }
0xdd: {  	s20 =	sor.u32 $0x280, s16;
	[sflag:s31] =	ssyncadd.s32 $0xFFFFC000  }
0xde: {  	[tilespmem:s30], [sflag:$0x1] =	stream.indirect.gather [hbm4b:s1+s26], $0x80, s20, s26, $0xb8;
	[tilespmem:$0x1FB80] =	vst v63  }
0xdf: {  	v7 =	vld [tilespmem:s16+$0xA80];
	_ =	sdelay $0x7  }
0xe0: {  	[tilespmem:v7+s28+$0x0] =	vst.idx.add.f32.msk $0xffff, v6  }
0xe1: {  	v7 =	vld [tilespmem:s16+$0xA90];
	_ =	sdelay $0x7  }
0xe2: {  	[tilespmem:v7+s28+$0x0] =	vst.idx.add.f32.msk $0xffff, v6  }
0xe3: {  	v7 =	vld [tilespmem:s16+$0xAA0];
	_ =	sdelay $0x7  }
0xe4: {  	[tilespmem:v7+s28+$0x0] =	vst.idx.add.f32.msk $0xffff, v6  }
0xe5: {  	v7 =	vld [tilespmem:s16+$0xAB0];
	_ =	sdelay $0x7  }
0xe6: {  	[tilespmem:v7+s28+$0x0] =	vst.idx.add.f32.msk $0xffff, v6  }
0xe7: {  	v7 =	vld [tilespmem:s16+$0xAC0];
	_ =	sdelay $0x7  }
0xe8: {  	[tilespmem:v7+s28+$0x0] =	vst.idx.add.f32.msk $0xffff, v6  }
0xe9: {  	v7 =	vld [tilespmem:s16+$0xAD0];
	_ =	sdelay $0x7  }
0xea: {  	[tilespmem:v7+s28+$0x0] =	vst.idx.add.f32.msk $0xffff, v6  }
0xeb: {  	v7 =	vld [tilespmem:s16+$0xAE0];
	_ =	sdelay $0x7  }
0xec: {  	[tilespmem:v7+s28+$0x0] =	vst.idx.add.f32.msk $0xffff, v6  }
0xed: {  	v7 =	vld [tilespmem:s16+$0xAF0];
	_ =	sdelay $0x7  }
0xee: {  	[tilespmem:v7+s28+$0x0] =	vst.idx.add.f32.msk $0xffff, v6  }
0xef: {  	_ =	swait.ge [sflag:s29], $0x4000  }
0xf0: {  	[sflag:s29] =	ssyncset.done $0x0  }
0xf1: {  	s21 =	sor.u32 $0xA80, s16;
	[sflag:s29] =	ssyncadd.s32 $0xFFFFC000  }
0xf2: {  	[spmem:s6] =	stream.indirect.scatter.add.f32 [tilespmem:s30], [sflag:$0x2], $0x80, s21, s26, $0xb8;
	[tilespmem:$0x1FB80] =	vst v63  }
0xf3: {  	_ =	swait.ge [sflag:s31], $0x4000  }
0xf4: {  	[sflag:s31] =	ssyncset.done $0x0  }
0xf5: {  	s19 =	sor.u32 $0x300, s16;
	[sflag:s31] =	ssyncadd.s32 $0xFFFFC000  }
0xf6: {  	[tilespmem:s23], [sflag:$0x1] =	stream.indirect.gather [hbm4b:s1+s26], $0x80, s19, s26, $0xb8;
	[tilespmem:$0x1FB80] =	vst v63  }
0xf7: {  	v7 =	vld [tilespmem:s16+$0xB00];
	_ =	sdelay $0x7  }
0xf8: {  	[tilespmem:v7+s28+$0x0] =	vst.idx.add.f32.msk $0xffff, v6  }
0xf9: {  	v7 =	vld [tilespmem:s16+$0xB10];
	_ =	sdelay $0x7  }
0xfa: {  	[tilespmem:v7+s28+$0x0] =	vst.idx.add.f32.msk $0xffff, v6  }
0xfb: {  	v7 =	vld [tilespmem:s16+$0xB20];
	_ =	sdelay $0x7  }
0xfc: {  	[tilespmem:v7+s28+$0x0] =	vst.idx.add.f32.msk $0xffff, v6  }
0xfd: {  	v7 =	vld [tilespmem:s16+$0xB30];
	_ =	sdelay $0x7  }
0xfe: {  	[tilespmem:v7+s28+$0x0] =	vst.idx.add.f32.msk $0xffff, v6  }
0xff: {  	v7 =	vld [tilespmem:s16+$0xB40];
	_ =	sdelay $0x7  }
0x100: {  	[tilespmem:v7+s28+$0x0] =	vst.idx.add.f32.msk $0xffff, v6  }
0x101: {  	v7 =	vld [tilespmem:s16+$0xB50];
	_ =	sdelay $0x7  }
0x102: {  	[tilespmem:v7+s28+$0x0] =	vst.idx.add.f32.msk $0xffff, v6  }
0x103: {  	v7 =	vld [tilespmem:s16+$0xB60];
	_ =	sdelay $0x7  }
0x104: {  	[tilespmem:v7+s28+$0x0] =	vst.idx.add.f32.msk $0xffff, v6  }
0x105: {  	v7 =	vld [tilespmem:s16+$0xB70];
	_ =	sdelay $0x7  }
0x106: {  	[tilespmem:v7+s28+$0x0] =	vst.idx.add.f32.msk $0xffff, v6  }
0x107: {  	_ =	swait.ge [sflag:s29], $0x4000  }
0x108: {  	[sflag:s29] =	ssyncset.done $0x0  }
0x109: {  	s20 =	sor.u32 $0xB00, s16;
	[sflag:s29] =	ssyncadd.s32 $0xFFFFC000  }
0x10a: {  	[spmem:s6] =	stream.indirect.scatter.add.f32 [tilespmem:s23], [sflag:$0x2], $0x80, s20, s26, $0xb8;
	[tilespmem:$0x1FB80] =	vst v63  }
0x10b: {  	_ =	swait.ge [sflag:s31], $0x4000  }
0x10c: {  	[sflag:s31] =	ssyncset.done $0x0  }
0x10d: {  	s21 =	sor.u32 $0x380, s16;
	[sflag:s31] =	ssyncadd.s32 $0xFFFFC000  }
0x10e: {  	[tilespmem:s30], [sflag:$0x1] =	stream.indirect.gather [hbm4b:s1+s26], $0x80, s21, s26, $0xb8;
	[tilespmem:$0x1FB80] =	vst v63  }
0x10f: {  	v7 =	vld [tilespmem:s16+$0xB80];
	_ =	sdelay $0x7  }
0x110: {  	[tilespmem:v7+s28+$0x0] =	vst.idx.add.f32.msk $0xffff, v6  }
0x111: {  	v7 =	vld [tilespmem:s16+$0xB90];
	_ =	sdelay $0x7  }
0x112: {  	[tilespmem:v7+s28+$0x0] =	vst.idx.add.f32.msk $0xffff, v6  }
0x113: {  	v7 =	vld [tilespmem:s16+$0xBA0];
	_ =	sdelay $0x7  }
0x114: {  	[tilespmem:v7+s28+$0x0] =	vst.idx.add.f32.msk $0xffff, v6  }
0x115: {  	v7 =	vld [tilespmem:s16+$0xBB0];
	_ =	sdelay $0x7  }
0x116: {  	[tilespmem:v7+s28+$0x0] =	vst.idx.add.f32.msk $0xffff, v6  }
0x117: {  	v7 =	vld [tilespmem:s16+$0xBC0];
	_ =	sdelay $0x7  }
0x118: {  	[tilespmem:v7+s28+$0x0] =	vst.idx.add.f32.msk $0xffff, v6  }
0x119: {  	v7 =	vld [tilespmem:s16+$0xBD0];
	_ =	sdelay $0x7  }
0x11a: {  	[tilespmem:v7+s28+$0x0] =	vst.idx.add.f32.msk $0xffff, v6  }
0x11b: {  	v7 =	vld [tilespmem:s16+$0xBE0];
	_ =	sdelay $0x7  }
0x11c: {  	[tilespmem:v7+s28+$0x0] =	vst.idx.add.f32.msk $0xffff, v6  }
0x11d: {  	v7 =	vld [tilespmem:s16+$0xBF0];
	_ =	sdelay $0x7  }
0x11e: {  	[tilespmem:v7+s28+$0x0] =	vst.idx.add.f32.msk $0xffff, v6  }
0x11f: {  	_ =	swait.ge [sflag:s29], $0x4000  }
0x120: {  	[sflag:s29] =	ssyncset.done $0x0  }
0x121: {  	s16 =	sor.u32 $0xB80, s16;
	[sflag:s29] =	ssyncadd.s32 $0xFFFFC000  }
0x122: {  	[spmem:s6] =	stream.indirect.scatter.add.f32 [tilespmem:s30], [sflag:$0x2], $0x80, s16, s26, $0xb8;
	[tilespmem:$0x1FB80] =	vst v63  }
0x123: {  	_ =	swait.ge [sflag:s0], $0x400  }
0x124: {  	[sflag:s0] =	ssyncset.done $0x0  }
0x125: {  	[sflag:s0] =	ssyncadd.s32 $0xFFFFFC00  }
0x126: {  	_ =	swait.ge [sflag:s0], $0x400  }
0x127: {  	[sflag:s0] =	ssyncset.done $0x0  }
0x128: {  	[sflag:s0] =	ssyncadd.s32 $0xFFFFFC00  }
0x129: {  	p0 =	sne.s32 s15, $0x4C00;
	_ =	swait.ge [sflag:s31], $0x4000  }
.Ltmp2:
0x12a: {  	[sflag:s31] =	ssyncset.done $0x0;
	(pc) =	sbr.rel @p0 .LBB2_6-.Ltmp2, $4  }
0x12b: {  	[sflag:s31] =	ssyncadd.s32 $0xFFFFC000  }
0x12c: {  	_ =	swait.ge [sflag:s31], $0x4000  }
0x12d: {  	[sflag:s31] =	ssyncset.done $0x0  }
0x12e: {  	[sflag:s31] =	ssyncadd.s32 $0xFFFFC000  }
0x12f: {  	s12 =	simm.s32 $0x50;
	s15 =	simm.s32 $0xB800  }
0x130: {  	[spmem:s7] =	stream.indirect.scatter.add.f32 [tilespmem:s28], [sflag:$0x4], $0x80, s15, s12, $0xb8;
	[tilespmem:$0x1FB80] =	vst v63  }
0x131: {  	_ =	swait.ge [sflag:s24], $0x2800  }
0x132: {  	[sflag:s24] =	ssyncset.done $0x0  }
0x133: {  	[sflag:s24] =	ssyncadd.s32 $0xFFFFD800  }
0x134: {  	s12 =	simm.s32 $0x0;
	s15 =	simm.s32 $0x0;
	[bflag:$0x0] =	sbarrier.arrive $0xFFFF  }
.LBB2_8:
0x135: {  	s16 =	sshll.u32 s15, $0x7  }
0x136: {  	s16 =	sadd.s32 s14, s16  }
0x137: {  	s16 =	sshll.u32 s16, $0x7  }
0x138: {  	s18 =	sand.u32 $0x3FFFFF80, s16  }
0x139: {  	s19 =	sadd.s32 s11, s15;
	s18 =	sadd.s32 s18, s6  }
0x13a: {  	[tilespmem:s23], [sflag:$0x4] =	stream.linear.gather [spmem:s18], $0x4000, $0x38;
	[tilespmem:$0x1FB80] =	vst v63  }
0x13b: {  	s21 =	sshll.u32 s19, $0x7;
	_ =	swait.ge [sflag:s24], $0x4000  }
0x13c: {  	s18 =	sand.u32 $0x3FFFFF80, s21;
	[sflag:s24] =	ssyncset.done $0x0  }
0x13d: {  	s18 =	sadd.s32 s18, s7;
	[sflag:s24] =	ssyncadd.s32 $0xFFFFC000  }
0x13e: {  	[tilespmem:s4], [sflag:$0x4] =	stream.linear.gather [spmem:s18], $0x80, $0x38;
	[tilespmem:$0x1FB80] =	vst v63  }
0x13f: {  	_ =	swait.ge [sflag:s24], $0x80  }
0x140: {  	[sflag:s24] =	ssyncset.done $0x0  }
0x141: {  	[sflag:s24] =	ssyncadd.s32 $0xFFFFFF80  }
0x142: {  	v7 =	vld [tilespmem:$0xB880]  }
0x143: {  	v8 =	vld [tilespmem:$0xB890]  }
0x144: {  	v9 =	vld [tilespmem:$0xB8A0]  }
0x145: {  	v10 =	vld [tilespmem:$0xB8B0]  }
0x146: {  	v11 =	vld [tilespmem:$0xB8C0]  }
0x147: {  	v12 =	vld [tilespmem:$0xB8D0];
	vm0 =	veq.f32 v7, $0.0e+00  }
0x148: {  	v13 =	vld [tilespmem:$0xB8E0];
	vm9 =	veq.f32 v8, $0.0e+00;
	v7 =	vsel vm0, $0x3F800000, v7  }
0x149: {  	vm10 =	veq.f32 v9, $0.0e+00;
	(erf) = vrcp.f32 v7;
	v7 =	vsel vm9, $0x3F800000, v8;
	v8 =	vld [tilespmem:$0xB8F0]  }
0x14a: {  	vm11 =	veq.f32 v10, $0.0e+00;
	(erf) = vrcp.f32 v7;
	v7 =	vsel vm10, $0x3F800000, v9  }
0x14b: {  	vm12 =	veq.f32 v11, $0.0e+00;
	(erf) = vrcp.f32 v7;
	v7 =	vsel vm11, $0x3F800000, v10  }
0x14c: {  	vm13 =	veq.f32 v12, $0.0e+00;
	(erf) = vrcp.f32 v7;
	v7 =	vsel vm12, $0x3F800000, v11  }
0x14d: {  	vm14 =	veq.f32 v13, $0.0e+00;
	(erf) = vrcp.f32 v7;
	v7 =	vsel vm13, $0x3F800000, v12  }
0x14e: {  	(erf) = vrcp.f32 v7;
	v7 =	vsel vm14, $0x3F800000, v13;
	vm15 =	veq.f32 v8, $0.0e+00  }
0x14f: {  	(erf) = vrcp.f32 v7;
	v7 =	vsel vm15, $0x3F800000, v8  }
0x150: {  	(erf) = vrcp.f32 v7;
	_ =	sdelay $0x1  }
0x151: {  	v7 =	vpop (erf)  }
0x152: {  	v8 =	vpop (erf);
	[tilespmem:$0xB880] =	vst v7  }
0x153: {  	v7 =	vpop (erf);
	[tilespmem:$0xB890] =	vst v8  }
0x154: {  	v8 =	vpop (erf);
	[tilespmem:$0xB8A0] =	vst v7  }
0x155: {  	v7 =	vpop (erf);
	[tilespmem:$0xB8B0] =	vst v8  }
0x156: {  	v8 =	vpop (erf);
	[tilespmem:$0xB8C0] =	vst v7  }
0x157: {  	v7 =	vpop (erf);
	[tilespmem:$0xB8D0] =	vst v8  }
0x158: {  	v8 =	vmov s12;
	[tilespmem:$0xB8E0] =	vst v7;
	v7 =	vpop (erf)  }
0x159: {  	s18 =	simm.s32 $0x1040;
	[tilespmem:$0xB8F0] =	vst v7  }
0x15a: {  	v11 =	vld [tilespmem:s18+$0x30]  }
0x15b: {  	v14 =	vld [tilespmem:s18+$0x10]  }
0x15c: {  	v12 =	vld [tilespmem:s18+$0xFFFFFFC0]  }
0x15d: {  	v8 =	vld.idx.msk [tilespmem:v8+s4+$0x0], $0xffff  }
0x15e: {  	v16 =	vld [tilespmem:s18+$0xFFFFFFE0]  }
0x15f: {  	v7 =	vld [tilespmem:s18+$0xFFFFFFF0]  }
0x160: {  	v9 =	vld [tilespmem:s18+$0x20]  }
0x161: {  	v10 =	vld [tilespmem:s18+$0xFFFFFFD0]  }
0x162: {  	v15 =	vmul.f32 v11, v8;
	v11 =	vld [tilespmem:s18+$0x0]  }
0x163: {  	v13 =	vmul.f32 v12, v8  }
0x164: {  	s20 =	simm.s32 $0x1040;
	s19 =	simm.s32 $0x1;
	v12 =	vmul.f32 v16, v8;
	v14 =	vmul.f32 v14, v8  }
.LBB2_9:
0x165: {  	p0 =	sne.s32 s19, $0x7F  }
0x166: {  	v10 =	vmul.f32 v10, v8;
	v9 =	vmul.f32 v9, v8;
	[tilespmem:s18+$0x30] =	vst v15;
	s20 =	sadd.s32 $0x80, s20;
	s21 =	smov.u32 s19;
	s19 =	sadd.s32 $0x1, s19  }
0x167: {  	[tilespmem:s18+$0xFFFFFFC0] =	vst v13;
	v13 =	vmul.f32 v7, v8;
	v8 =	vmul.f32 v11, v8  }
0x168: {  	[tilespmem:s18+$0x10] =	vst v14  }
0x169: {  	v11 =	vmov s21;
	[tilespmem:s18+$0xFFFFFFE0] =	vst v12  }
0x16a: {  	v7 =	vld [tilespmem:s20+$0xFFFFFFF0];
	[tilespmem:s18+$0xFFFFFFF0] =	vst v13  }
0x16b: {  	v12 =	vld [tilespmem:s20+$0x30];
	[tilespmem:s18+$0x0] =	vst v8  }
0x16c: {  	v14 =	vld [tilespmem:s20+$0x10];
	[tilespmem:s18+$0x20] =	vst v9  }
0x16d: {  	v13 =	vld [tilespmem:s20+$0xFFFFFFC0];
	[tilespmem:s18+$0xFFFFFFD0] =	vst v10;
	s18 =	smov.u32 s20  }
0x16e: {  	v8 =	vld.idx.msk [tilespmem:v11+s4+$0x0], $0xffff  }
0x16f: {  	v16 =	vld [tilespmem:s20+$0xFFFFFFE0]  }
0x170: {  	v9 =	vld [tilespmem:s20+$0x20]  }
.Ltmp3:
0x171: {  	v10 =	vld [tilespmem:s20+$0xFFFFFFD0];
	(pc) =	sbr.rel @p0 .LBB2_9-.Ltmp3, $3  }
0x172: {  	v11 =	vld [tilespmem:s20+$0x0];
	_ =	sdelay $0x1  }
0x173: {  	v13 =	vmul.f32 v13, v8;
	v15 =	vmul.f32 v12, v8  }
0x174: {  	v14 =	vmul.f32 v14, v8;
	v12 =	vmul.f32 v16, v8  }
0x175: {  	[tilespmem:s18+$0x30] =	vst v15  }
0x176: {  	[tilespmem:s18+$0xFFFFFFC0] =	vst v13  }
0x177: {  	v7 =	vmul.f32 v7, v8;
	[tilespmem:s18+$0x10] =	vst v14  }
0x178: {  	v9 =	vmul.f32 v9, v8;
	[tilespmem:s18+$0xFFFFFFE0] =	vst v12  }
0x179: {  	v11 =	vmul.f32 v11, v8;
	[tilespmem:s18+$0xFFFFFFF0] =	vst v7  }
0x17a: {  	s16 =	sadd.s32 s17, s16;
	s15 =	sadd.s32 $0x1, s15;
	v7 =	vmul.f32 v10, v8;
	[tilespmem:s18+$0x20] =	vst v9  }
0x17b: {  	s16 =	sshrl.u32 s16, $0x3;
	p0 =	sne.s32 s15, $0x5;
	[tilespmem:s18+$0x0] =	vst v11  }
.Ltmp4:
0x17c: {  	s16 =	sadd.s32 s5, s16;
	[tilespmem:s18+$0xFFFFFFD0] =	vst v7;
	(pc) =	sbr.rel @p0 .LBB2_8-.Ltmp4, $4  }
0x17d: {  	[hbm4b:s16+s8] =	stream.linear.scatter [tilespmem:s23], [sflag:$0x4], $0x4000, $0x38;
	[tilespmem:$0x1FB80] =	vst v63  }
0x17e: {  	_ =	swait.ge [sflag:s24], $0x4000  }
0x17f: {  	[sflag:s24] =	ssyncset.done $0x0  }
0x180: {  	[sflag:s24] =	ssyncadd.s32 $0xFFFFC000  }
0x181: {  	s25 =	sadd.s32 $0x1, s25;
	s12 =	rddreg [dreg:$0xa]  }
0x182: {  	p0 =	sne.s32 s25, s12  }
.Ltmp5:
0x183: {  	_ = 	snop;
	(pc) =	sbr.rel @p0 .LBB2_1-.Ltmp5, $1  }
0x184: {  	_ =	sdelay $0x3  }
0x185: {  	_ =	sfence.sel $0x180000  }
0x186: {  	[bflag:$0x0] =	sbarrier.arrive $0xFFFF  }
0x187: {  	_ =	strace $0x90000047  }
0x188: {  	s0 =	stileid.u32;
	[bflag:$0x2] =	sbarrier.arrive $0xFFFF  }
0x189: {  	p0 =	sne.s32 s0, $0x0;
	s0 =	rddreg [dreg:$0x6]  }
0x18a: {  	s0 =	sadd.s32 @!p0 $0x100000, s0  }
0x18b: {  	[sflag:s0] =	ssyncadd.tile.s32 @!p0 $0x1;
	_ =	shalt  }
.Lfunc_end2:
_tile_overlayer_lowered:
.L_overlay_start_2:
0x18c: {  	(tag) =	ssettag $0x2  }
0x18d: {  	s0 =	rddreg [dreg:$0x0];
	s2 =	stileid.u32  }
0x18e: {  	s1 =	rddreg [dreg:$0x1];
	p0 =	sne.s32 s2, $0x0  }
0x18f: {  	s3 =	rddreg [dreg:$0x2];
	[bflag:$0x3] =	sbarrier.arrive $0xFFFF;
	s2 =	simm.s32 @!p0 $0x1C04  }
0x190: {  	[timem:s3], [sflag:s2] =	dma.local @!p0 [hbm:s0], s1  }
0x191: {  	s0 =	simm.s32 @!p0 $0x4  }
0x192: {  	_ =	swait.ge @!p0 [sflag:s0], s1  }
0x193: {  	s1 =	ssub.s32 @!p0 $0x0, s1;
	[sflag:s0] =	ssyncset.done @!p0 $0x0  }
0x194: {  	[sflag:s0] =	ssyncadd.s32 @!p0 s1  }
0x195: {  	[bflag:$0x3] =	sbarrier.arrive $0xFFFF  }
0x196: {  	_ =	shalt  }

</sc_bundles>
